<compile_context>
chip_gen: v7x
topology: tpu7x:2x2x1
jax: 0.10.2.dev20260603
libtpu: 0.0.44.dev20260713+nightly
codegen_flags: <defaults>
</compile_context>

<pallas_src>
import functools

import jax
import jax.numpy as jnp
from jax import lax
from jax.experimental import pallas as pl
from jax.experimental.pallas import tpu as pltpu
from jax.experimental.pallas import tpu_sc as plsc

BATCH = 16384
HIST = 200
EMBED = 64
NCLS = 100

NC = 2
NS = 16
NW = NC * NS
S_PER_W = BATCH // NW
SB = 64
NBLK = S_PER_W // SB
NBUF = 8
LOOK = 6
CH0 = 104
CH1 = HIST - CH0
RU = 8
LANES = 16
NSEG = EMBED // LANES

_mesh = plsc.VectorSubcoreMesh(core_axis_name="c", subcore_axis_name="s")


@functools.partial(
    pl.kernel,
    mesh=_mesh,
    out_type=jax.ShapeDtypeStruct((BATCH, EMBED), jnp.float32),
    scratch_types=[
        pltpu.VMEM((SB * HIST,), jnp.int32),
        pltpu.VMEM((NBUF, HIST, EMBED), jnp.float32),
        pltpu.VMEM((SB, EMBED), jnp.float32),
        [pltpu.SemaphoreType.DMA] * NBUF,
    ],
    compiler_params=pltpu.CompilerParams(use_tc_tiling_on_sc=False),
)
def _pool_kernel(x_hbm, table_hbm, pooled_hbm, idx_v, rows_v, pooled_v, sems):
    wid = lax.axis_index("s") * NC + lax.axis_index("c")
    base = wid * S_PER_W

    def fire(s_local, buf):
        off = pl.multiple_of(s_local * HIST, 8)
        pltpu.async_copy(
            table_hbm.at[idx_v.at[pl.ds(off, CH0)]],
            rows_v.at[buf, pl.ds(0, CH0)], sems[buf])
        off1 = pl.multiple_of(s_local * HIST + CH0, 8)
        pltpu.async_copy(
            table_hbm.at[idx_v.at[pl.ds(off1, CH1)]],
            rows_v.at[buf, pl.ds(CH0, CH1)], sems[buf])

    def drain(buf):
        pltpu.make_async_copy(
            table_hbm.at[pl.ds(0, HIST)], rows_v.at[buf], sems[buf]).wait()

    def accumulate(buf, s_local):
        zero = jnp.zeros((LANES,), jnp.float32)

        def body(r, acc):
            acc = list(acc)
            for rr in range(RU):
                row = r * RU + rr
                half = (rr % 2) * NSEG
                for d in range(NSEG):
                    acc[half + d] = acc[half + d] + rows_v[
                        buf, row, pl.ds(d * LANES, LANES)]
            return tuple(acc)

        acc = lax.fori_loop(0, HIST // RU, body, (zero,) * (2 * NSEG))
        for d in range(NSEG):
            pooled_v[s_local, pl.ds(d * LANES, LANES)] = acc[d] + acc[NSEG + d]

    def block_body(blk, carry):
        row0 = base + blk * SB
        pltpu.sync_copy(x_hbm.at[pl.ds(row0 * HIST, SB * HIST)], idx_v)
        for u in range(LOOK):
            fire(u, u)

        def octet(it, c):
            s0 = it * NBUF
            for u in range(NBUF):
                s = s0 + u
                drain(u)

                @pl.when(s + LOOK < SB)
                def _():
                    fire(s + LOOK, (u + LOOK) % NBUF)

                accumulate(u, s)
            return c

        lax.fori_loop(0, SB // NBUF, octet, 0)
        pltpu.sync_copy(pooled_v, pooled_hbm.at[pl.ds(row0, SB)])
        return carry

    lax.fori_loop(0, NBLK, block_body, 0)


def _cls_body(p_ref, w_ref, b_ref, o_ref):
    o_ref[...] = lax.dot_general(
        p_ref[...], w_ref[...], (((1,), (1,)), ((), ())),
        preferred_element_type=jnp.float32) * (1.0 / HIST) + b_ref[...]


_BM = 2048


def kernel(x, table, W, b):
    x_flat = x.astype(jnp.int32).reshape(BATCH * HIST)
    pooled = _pool_kernel(x_flat, table)
    out = pl.pallas_call(
        _cls_body,
        grid=(BATCH // _BM,),
        in_specs=[
            pl.BlockSpec((_BM, EMBED), lambda i: (i, 0)),
            pl.BlockSpec((NCLS, EMBED), lambda i: (0, 0)),
            pl.BlockSpec((1, NCLS), lambda i: (0, 0)),
        ],
        out_specs=pl.BlockSpec((_BM, NCLS), lambda i: (i, 0)),
        out_shape=jax.ShapeDtypeStruct((BATCH, NCLS), jnp.float32),
    )(pooled, W, b.reshape(1, NCLS))
    return out

# --- scband reference (transcript-rebuilt; emitter-appended) ---
"""Pipeline reference for scband-sports-classifier-26826365731334 (READ-ONLY COPY).

The authoritative reference and input builder live on the scoring server;
editing this copy changes nothing except your own understanding.
"""

import jax, jax.numpy as jnp
import numpy as np

VOCAB = 1000000
EMBED = 64
NUM_CLASSES = 100
BATCH = 16384
HIST = 200

def setup_inputs(seed: int = 0) -> dict:
    key = jax.random.key(seed)
    k1, k2, k3 = jax.random.split(key, 3)
    x = jax.random.randint(k1, (BATCH, HIST), 0, VOCAB)
    table = jax.random.normal(k2, (VOCAB, EMBED), dtype=jnp.float32) * 0.05
    W = jax.random.normal(k3, (NUM_CLASSES, EMBED), dtype=jnp.float32) * 0.05
    b = jnp.zeros((NUM_CLASSES,), dtype=jnp.float32)
    return {"x": x, "table": table, "W": W, "b": b}

def reference(x, table, W, b):
    # x = self.embedding(x)
    emb = jnp.take(table, x, axis=0)          # [B, L, D] gather
    # x = torch.mean(x, dim=1)
    pooled = jnp.mean(emb, axis=1)            # [B, D]
    # x = self.fc(x)   (torch Linear: y = x @ W.T + b)
    out = pooled @ W.T + b                    # [B, C]
    return out

if __name__ == "__main__":
    import jax
    _d = setup_inputs()
    print(jax.jit(kernel)(*tuple(_d.values())))

</pallas_src>

<mosaic_0001>
#map = affine_map<(d0, d1) -> (0)>
#map1 = affine_map<(d0, d1) -> (0, 0)>
module attributes {stable_mosaic.version = 14 : i64} {
  func.func @_pool_kernel(%arg0: i32, %arg1: i32, %arg2: memref<3276800xi32, #tpu.memory_space<hbm>>, %arg3: memref<1000000x64xf32, #tpu.memory_space<hbm>>, %arg4: memref<16384x64xf32, #tpu.memory_space<hbm>>, %arg5: memref<12800xi32, #tpu.memory_space<vmem>>, %arg6: memref<8x200x64xf32, #tpu.memory_space<vmem>>, %arg7: memref<64x64xf32, #tpu.memory_space<vmem>>, %arg8: memref<!tpu.dma_semaphore, #tpu.memory_space<semaphore_mem>>, %arg9: memref<!tpu.dma_semaphore, #tpu.memory_space<semaphore_mem>>, %arg10: memref<!tpu.dma_semaphore, #tpu.memory_space<semaphore_mem>>, %arg11: memref<!tpu.dma_semaphore, #tpu.memory_space<semaphore_mem>>, %arg12: memref<!tpu.dma_semaphore, #tpu.memory_space<semaphore_mem>>, %arg13: memref<!tpu.dma_semaphore, #tpu.memory_space<semaphore_mem>>, %arg14: memref<!tpu.dma_semaphore, #tpu.memory_space<semaphore_mem>>, %arg15: memref<!tpu.dma_semaphore, #tpu.memory_space<semaphore_mem>>) attributes {dimension_semantics = [#tpu.dimension_semantics<core_parallel>, #tpu.dimension_semantics<subcore_parallel>], iteration_bounds = array<i64: 2, 16>, scalar_prefetch = 0 : i64, scratch_operands = 11 : i64, tpu.core_type = #tpu.core_type<sc_vector_subcore>, window_params = [{transform_indices = #map}, {transform_indices = #map1}, {transform_indices = #map1}]} {
    %mul3A = arith.constant 2 : i32
    %mul3A_0 = arith.muli %arg1, %mul3A : i32
    %add3A = arith.addi %mul3A_0, %arg0 : i32
    %mul3A_1 = arith.constant 512 : i32
    %mul3A_2 = arith.muli %add3A, %mul3A_1 : i32
    %scan3A = arith.constant 0 : i32
    %scan3A_3 = arith.constant 0 : i32
    %scan3A_4 = arith.constant 8 : i32
    %scan3A_5 = arith.addi %scan3A_3, %scan3A_4 : i32
    %scan3A_6 = arith.constant 1 : i32
    scf.for %scan3A_8 = %scan3A_3 to %scan3A_5 step %scan3A_6  : i32 {
      %mul3A_9 = arith.constant 64 : i32
      %mul3A_10 = arith.muli %scan3A_8, %mul3A_9 : i32
      %add3A_11 = arith.addi %mul3A_2, %mul3A_10 : i32
      %mul3A_12 = arith.constant 200 : i32
      %mul3A_13 = arith.muli %add3A_11, %mul3A_12 : i32
      "tpu.region"() ({
        %run_scoped3A = tpu.sem_alloc : memref<!tpu.dma_semaphore, #tpu.memory_space<semaphore_mem>>
        %dma_start3A_150 = tpu.memref_slice %arg2[%mul3A_13] : memref<3276800xi32, #tpu.memory_space<hbm>> -> memref<12800xi32, #tpu.memory_space<hbm>>
        %dma_start3A_151 = tpu.memref_slice %arg2[%mul3A_13] : memref<3276800xi32, #tpu.memory_space<hbm>> -> memref<12800xi32, #tpu.memory_space<hbm>>
        tpu.enqueue_dma source(%dma_start3A_151 : memref<12800xi32, #tpu.memory_space<hbm>>) target(%arg5 : memref<12800xi32, #tpu.memory_space<vmem>>) target_semaphore(%run_scoped3A : memref<!tpu.dma_semaphore, #tpu.memory_space<semaphore_mem>>)
        %dma_wait3A = tpu.memref_slice %arg2[%mul3A_13] : memref<3276800xi32, #tpu.memory_space<hbm>> -> memref<12800xi32, #tpu.memory_space<hbm>>
        %dma_wait3A_152 = tpu.memref_slice %arg2[%mul3A_13] : memref<3276800xi32, #tpu.memory_space<hbm>> -> memref<12800xi32, #tpu.memory_space<hbm>>
        tpu.wait_dma2 semaphore(%run_scoped3A : memref<!tpu.dma_semaphore, #tpu.memory_space<semaphore_mem>>) src(%dma_wait3A_152 : memref<12800xi32, #tpu.memory_space<hbm>>) dst(%arg5 : memref<12800xi32, #tpu.memory_space<vmem>>)
        tpu.yield
      }) : () -> ()
      %multiple_of3A = arith.constant 0 : i32
      %multiple_of3A_14 = tpu.assume_multiple %multiple_of3A, 8 : i32
      %dma_start3A = arith.constant 0 : i32
      %dma_start3A_15 = arith.constant 0 : i32
      %dma_start3A_16 = arith.constant 0 : i32
      %dma_start3A_17 = tpu.memref_slice %arg6[%dma_start3A, %dma_start3A_15, %dma_start3A_16] : memref<8x200x64xf32, #tpu.memory_space<vmem>> -> memref<1x104x64xf32, #tpu.memory_space<vmem>>
      %dma_start3A_18 = tpu.memref_squeeze %dma_start3A_17 : memref<1x104x64xf32, #tpu.memory_space<vmem>> -> memref<104x64xf32, #tpu.memory_space<vmem>>
      %dma_start3A_19 = tpu.memref_slice %arg5[%multiple_of3A_14] : memref<12800xi32, #tpu.memory_space<vmem>> -> memref<104xi32, #tpu.memory_space<vmem>>
      %dma_start3A_20 = arith.constant 0 : i32
      %dma_start3A_21 = arith.constant 0 : i32
      %dma_start3A_22 = tpu.memref_slice %arg3[%dma_start3A_20, %dma_start3A_21] : memref<1000000x64xf32, #tpu.memory_space<hbm>> -> memref<1000000x64xf32, #tpu.memory_space<hbm>>
      tpu.enqueue_indirect_dma source(%dma_start3A_22 : memref<1000000x64xf32, #tpu.memory_space<hbm>>) target(%dma_start3A_18 : memref<104x64xf32, #tpu.memory_space<vmem>>) offsets(%dma_start3A_19 : memref<104xi32, #tpu.memory_space<vmem>>) semaphore(%arg8 : memref<!tpu.dma_semaphore, #tpu.memory_space<semaphore_mem>>)
      %multiple_of3A_23 = arith.constant 104 : i32
      %multiple_of3A_24 = tpu.assume_multiple %multiple_of3A_23, 8 : i32
      %dma_start3A_25 = arith.constant 0 : i32
      %dma_start3A_26 = arith.constant 104 : i32
      %dma_start3A_27 = arith.constant 0 : i32
      %dma_start3A_28 = tpu.memref_slice %arg6[%dma_start3A_25, %dma_start3A_26, %dma_start3A_27] : memref<8x200x64xf32, #tpu.memory_space<vmem>> -> memref<1x96x64xf32, #tpu.memory_space<vmem>>
      %dma_start3A_29 = tpu.memref_squeeze %dma_start3A_28 : memref<1x96x64xf32, #tpu.memory_space<vmem>> -> memref<96x64xf32, #tpu.memory_space<vmem>>
      %dma_start3A_30 = tpu.memref_slice %arg5[%multiple_of3A_24] : memref<12800xi32, #tpu.memory_space<vmem>> -> memref<96xi32, #tpu.memory_space<vmem>>
      %dma_start3A_31 = arith.constant 0 : i32
      %dma_start3A_32 = arith.constant 0 : i32
      %dma_start3A_33 = tpu.memref_slice %arg3[%dma_start3A_31, %dma_start3A_32] : memref<1000000x64xf32, #tpu.memory_space<hbm>> -> memref<1000000x64xf32, #tpu.memory_space<hbm>>
      tpu.enqueue_indirect_dma source(%dma_start3A_33 : memref<1000000x64xf32, #tpu.memory_space<hbm>>) target(%dma_start3A_29 : memref<96x64xf32, #tpu.memory_space<vmem>>) offsets(%dma_start3A_30 : memref<96xi32, #tpu.memory_space<vmem>>) semaphore(%arg8 : memref<!tpu.dma_semaphore, #tpu.memory_space<semaphore_mem>>)
      %multiple_of3A_34 = arith.constant 200 : i32
      %multiple_of3A_35 = tpu.assume_multiple %multiple_of3A_34, 8 : i32
      %dma_start3A_36 = arith.constant 1 : i32
      %dma_start3A_37 = arith.constant 0 : i32
      %dma_start3A_38 = arith.constant 0 : i32
      %dma_start3A_39 = tpu.memref_slice %arg6[%dma_start3A_36, %dma_start3A_37, %dma_start3A_38] : memref<8x200x64xf32, #tpu.memory_space<vmem>> -> memref<1x104x64xf32, #tpu.memory_space<vmem>>
      %dma_start3A_40 = tpu.memref_squeeze %dma_start3A_39 : memref<1x104x64xf32, #tpu.memory_space<vmem>> -> memref<104x64xf32, #tpu.memory_space<vmem>>
      %dma_start3A_41 = tpu.memref_slice %arg5[%multiple_of3A_35] : memref<12800xi32, #tpu.memory_space<vmem>> -> memref<104xi32, #tpu.memory_space<vmem>>
      %dma_start3A_42 = arith.constant 0 : i32
      %dma_start3A_43 = arith.constant 0 : i32
      %dma_start3A_44 = tpu.memref_slice %arg3[%dma_start3A_42, %dma_start3A_43] : memref<1000000x64xf32, #tpu.memory_space<hbm>> -> memref<1000000x64xf32, #tpu.memory_space<hbm>>
      tpu.enqueue_indirect_dma source(%dma_start3A_44 : memref<1000000x64xf32, #tpu.memory_space<hbm>>) target(%dma_start3A_40 : memref<104x64xf32, #tpu.memory_space<vmem>>) offsets(%dma_start3A_41 : memref<104xi32, #tpu.memory_space<vmem>>) semaphore(%arg9 : memref<!tpu.dma_semaphore, #tpu.memory_space<semaphore_mem>>)
      %multiple_of3A_45 = arith.constant 304 : i32
      %multiple_of3A_46 = tpu.assume_multiple %multiple_of3A_45, 8 : i32
      %dma_start3A_47 = arith.constant 1 : i32
      %dma_start3A_48 = arith.constant 104 : i32
      %dma_start3A_49 = arith.constant 0 : i32
      %dma_start3A_50 = tpu.memref_slice %arg6[%dma_start3A_47, %dma_start3A_48, %dma_start3A_49] : memref<8x200x64xf32, #tpu.memory_space<vmem>> -> memref<1x96x64xf32, #tpu.memory_space<vmem>>
      %dma_start3A_51 = tpu.memref_squeeze %dma_start3A_50 : memref<1x96x64xf32, #tpu.memory_space<vmem>> -> memref<96x64xf32, #tpu.memory_space<vmem>>
      %dma_start3A_52 = tpu.memref_slice %arg5[%multiple_of3A_46] : memref<12800xi32, #tpu.memory_space<vmem>> -> memref<96xi32, #tpu.memory_space<vmem>>
      %dma_start3A_53 = arith.constant 0 : i32
      %dma_start3A_54 = arith.constant 0 : i32
      %dma_start3A_55 = tpu.memref_slice %arg3[%dma_start3A_53, %dma_start3A_54] : memref<1000000x64xf32, #tpu.memory_space<hbm>> -> memref<1000000x64xf32, #tpu.memory_space<hbm>>
      tpu.enqueue_indirect_dma source(%dma_start3A_55 : memref<1000000x64xf32, #tpu.memory_space<hbm>>) target(%dma_start3A_51 : memref<96x64xf32, #tpu.memory_space<vmem>>) offsets(%dma_start3A_52 : memref<96xi32, #tpu.memory_space<vmem>>) semaphore(%arg9 : memref<!tpu.dma_semaphore, #tpu.memory_space<semaphore_mem>>)
      %multiple_of3A_56 = arith.constant 400 : i32
      %multiple_of3A_57 = tpu.assume_multiple %multiple_of3A_56, 8 : i32
      %dma_start3A_58 = arith.constant 2 : i32
      %dma_start3A_59 = arith.constant 0 : i32
      %dma_start3A_60 = arith.constant 0 : i32
      %dma_start3A_61 = tpu.memref_slice %arg6[%dma_start3A_58, %dma_start3A_59, %dma_start3A_60] : memref<8x200x64xf32, #tpu.memory_space<vmem>> -> memref<1x104x64xf32, #tpu.memory_space<vmem>>
      %dma_start3A_62 = tpu.memref_squeeze %dma_start3A_61 : memref<1x104x64xf32, #tpu.memory_space<vmem>> -> memref<104x64xf32, #tpu.memory_space<vmem>>
      %dma_start3A_63 = tpu.memref_slice %arg5[%multiple_of3A_57] : memref<12800xi32, #tpu.memory_space<vmem>> -> memref<104xi32, #tpu.memory_space<vmem>>
      %dma_start3A_64 = arith.constant 0 : i32
      %dma_start3A_65 = arith.constant 0 : i32
      %dma_start3A_66 = tpu.memref_slice %arg3[%dma_start3A_64, %dma_start3A_65] : memref<1000000x64xf32, #tpu.memory_space<hbm>> -> memref<1000000x64xf32, #tpu.memory_space<hbm>>
      tpu.enqueue_indirect_dma source(%dma_start3A_66 : memref<1000000x64xf32, #tpu.memory_space<hbm>>) target(%dma_start3A_62 : memref<104x64xf32, #tpu.memory_space<vmem>>) offsets(%dma_start3A_63 : memref<104xi32, #tpu.memory_space<vmem>>) semaphore(%arg10 : memref<!tpu.dma_semaphore, #tpu.memory_space<semaphore_mem>>)
      %multiple_of3A_67 = arith.constant 504 : i32
      %multiple_of3A_68 = tpu.assume_multiple %multiple_of3A_67, 8 : i32
      %dma_start3A_69 = arith.constant 2 : i32
      %dma_start3A_70 = arith.constant 104 : i32
      %dma_start3A_71 = arith.constant 0 : i32
      %dma_start3A_72 = tpu.memref_slice %arg6[%dma_start3A_69, %dma_start3A_70, %dma_start3A_71] : memref<8x200x64xf32, #tpu.memory_space<vmem>> -> memref<1x96x64xf32, #tpu.memory_space<vmem>>
      %dma_start3A_73 = tpu.memref_squeeze %dma_start3A_72 : memref<1x96x64xf32, #tpu.memory_space<vmem>> -> memref<96x64xf32, #tpu.memory_space<vmem>>
      %dma_start3A_74 = tpu.memref_slice %arg5[%multiple_of3A_68] : memref<12800xi32, #tpu.memory_space<vmem>> -> memref<96xi32, #tpu.memory_space<vmem>>
      %dma_start3A_75 = arith.constant 0 : i32
      %dma_start3A_76 = arith.constant 0 : i32
      %dma_start3A_77 = tpu.memref_slice %arg3[%dma_start3A_75, %dma_start3A_76] : memref<1000000x64xf32, #tpu.memory_space<hbm>> -> memref<1000000x64xf32, #tpu.memory_space<hbm>>
      tpu.enqueue_indirect_dma source(%dma_start3A_77 : memref<1000000x64xf32, #tpu.memory_space<hbm>>) target(%dma_start3A_73 : memref<96x64xf32, #tpu.memory_space<vmem>>) offsets(%dma_start3A_74 : memref<96xi32, #tpu.memory_space<vmem>>) semaphore(%arg10 : memref<!tpu.dma_semaphore, #tpu.memory_space<semaphore_mem>>)
      %multiple_of3A_78 = arith.constant 600 : i32
      %multiple_of3A_79 = tpu.assume_multiple %multiple_of3A_78, 8 : i32
      %dma_start3A_80 = arith.constant 3 : i32
      %dma_start3A_81 = arith.constant 0 : i32
      %dma_start3A_82 = arith.constant 0 : i32
      %dma_start3A_83 = tpu.memref_slice %arg6[%dma_start3A_80, %dma_start3A_81, %dma_start3A_82] : memref<8x200x64xf32, #tpu.memory_space<vmem>> -> memref<1x104x64xf32, #tpu.memory_space<vmem>>
      %dma_start3A_84 = tpu.memref_squeeze %dma_start3A_83 : memref<1x104x64xf32, #tpu.memory_space<vmem>> -> memref<104x64xf32, #tpu.memory_space<vmem>>
      %dma_start3A_85 = tpu.memref_slice %arg5[%multiple_of3A_79] : memref<12800xi32, #tpu.memory_space<vmem>> -> memref<104xi32, #tpu.memory_space<vmem>>
      %dma_start3A_86 = arith.constant 0 : i32
      %dma_start3A_87 = arith.constant 0 : i32
      %dma_start3A_88 = tpu.memref_slice %arg3[%dma_start3A_86, %dma_start3A_87] : memref<1000000x64xf32, #tpu.memory_space<hbm>> -> memref<1000000x64xf32, #tpu.memory_space<hbm>>
      tpu.enqueue_indirect_dma source(%dma_start3A_88 : memref<1000000x64xf32, #tpu.memory_space<hbm>>) target(%dma_start3A_84 : memref<104x64xf32, #tpu.memory_space<vmem>>) offsets(%dma_start3A_85 : memref<104xi32, #tpu.memory_space<vmem>>) semaphore(%arg11 : memref<!tpu.dma_semaphore, #tpu.memory_space<semaphore_mem>>)
      %multiple_of3A_89 = arith.constant 704 : i32
      %multiple_of3A_90 = tpu.assume_multiple %multiple_of3A_89, 8 : i32
      %dma_start3A_91 = arith.constant 3 : i32
      %dma_start3A_92 = arith.constant 104 : i32
      %dma_start3A_93 = arith.constant 0 : i32
      %dma_start3A_94 = tpu.memref_slice %arg6[%dma_start3A_91, %dma_start3A_92, %dma_start3A_93] : memref<8x200x64xf32, #tpu.memory_space<vmem>> -> memref<1x96x64xf32, #tpu.memory_space<vmem>>
      %dma_start3A_95 = tpu.memref_squeeze %dma_start3A_94 : memref<1x96x64xf32, #tpu.memory_space<vmem>> -> memref<96x64xf32, #tpu.memory_space<vmem>>
      %dma_start3A_96 = tpu.memref_slice %arg5[%multiple_of3A_90] : memref<12800xi32, #tpu.memory_space<vmem>> -> memref<96xi32, #tpu.memory_space<vmem>>
      %dma_start3A_97 = arith.constant 0 : i32
      %dma_start3A_98 = arith.constant 0 : i32
      %dma_start3A_99 = tpu.memref_slice %arg3[%dma_start3A_97, %dma_start3A_98] : memref<1000000x64xf32, #tpu.memory_space<hbm>> -> memref<1000000x64xf32, #tpu.memory_space<hbm>>
      tpu.enqueue_indirect_dma source(%dma_start3A_99 : memref<1000000x64xf32, #tpu.memory_space<hbm>>) target(%dma_start3A_95 : memref<96x64xf32, #tpu.memory_space<vmem>>) offsets(%dma_start3A_96 : memref<96xi32, #tpu.memory_space<vmem>>) semaphore(%arg11 : memref<!tpu.dma_semaphore, #tpu.memory_space<semaphore_mem>>)
      %multiple_of3A_100 = arith.constant 800 : i32
      %multiple_of3A_101 = tpu.assume_multiple %multiple_of3A_100, 8 : i32
      %dma_start3A_102 = arith.constant 4 : i32
      %dma_start3A_103 = arith.constant 0 : i32
      %dma_start3A_104 = arith.constant 0 : i32
      %dma_start3A_105 = tpu.memref_slice %arg6[%dma_start3A_102, %dma_start3A_103, %dma_start3A_104] : memref<8x200x64xf32, #tpu.memory_space<vmem>> -> memref<1x104x64xf32, #tpu.memory_space<vmem>>
      %dma_start3A_106 = tpu.memref_squeeze %dma_start3A_105 : memref<1x104x64xf32, #tpu.memory_space<vmem>> -> memref<104x64xf32, #tpu.memory_space<vmem>>
      %dma_start3A_107 = tpu.memref_slice %arg5[%multiple_of3A_101] : memref<12800xi32, #tpu.memory_space<vmem>> -> memref<104xi32, #tpu.memory_space<vmem>>
      %dma_start3A_108 = arith.constant 0 : i32
      %dma_start3A_109 = arith.constant 0 : i32
      %dma_start3A_110 = tpu.memref_slice %arg3[%dma_start3A_108, %dma_start3A_109] : memref<1000000x64xf32, #tpu.memory_space<hbm>> -> memref<1000000x64xf32, #tpu.memory_space<hbm>>
      tpu.enqueue_indirect_dma source(%dma_start3A_110 : memref<1000000x64xf32, #tpu.memory_space<hbm>>) target(%dma_start3A_106 : memref<104x64xf32, #tpu.memory_space<vmem>>) offsets(%dma_start3A_107 : memref<104xi32, #tpu.memory_space<vmem>>) semaphore(%arg12 : memref<!tpu.dma_semaphore, #tpu.memory_space<semaphore_mem>>)
      %multiple_of3A_111 = arith.constant 904 : i32
      %multiple_of3A_112 = tpu.assume_multiple %multiple_of3A_111, 8 : i32
      %dma_start3A_113 = arith.constant 4 : i32
      %dma_start3A_114 = arith.constant 104 : i32
      %dma_start3A_115 = arith.constant 0 : i32
      %dma_start3A_116 = tpu.memref_slice %arg6[%dma_start3A_113, %dma_start3A_114, %dma_start3A_115] : memref<8x200x64xf32, #tpu.memory_space<vmem>> -> memref<1x96x64xf32, #tpu.memory_space<vmem>>
      %dma_start3A_117 = tpu.memref_squeeze %dma_start3A_116 : memref<1x96x64xf32, #tpu.memory_space<vmem>> -> memref<96x64xf32, #tpu.memory_space<vmem>>
      %dma_start3A_118 = tpu.memref_slice %arg5[%multiple_of3A_112] : memref<12800xi32, #tpu.memory_space<vmem>> -> memref<96xi32, #tpu.memory_space<vmem>>
      %dma_start3A_119 = arith.constant 0 : i32
      %dma_start3A_120 = arith.constant 0 : i32
      %dma_start3A_121 = tpu.memref_slice %arg3[%dma_start3A_119, %dma_start3A_120] : memref<1000000x64xf32, #tpu.memory_space<hbm>> -> memref<1000000x64xf32, #tpu.memory_space<hbm>>
      tpu.enqueue_indirect_dma source(%dma_start3A_121 : memref<1000000x64xf32, #tpu.memory_space<hbm>>) target(%dma_start3A_117 : memref<96x64xf32, #tpu.memory_space<vmem>>) offsets(%dma_start3A_118 : memref<96xi32, #tpu.memory_space<vmem>>) semaphore(%arg12 : memref<!tpu.dma_semaphore, #tpu.memory_space<semaphore_mem>>)
      %multiple_of3A_122 = arith.constant 1000 : i32
      %multiple_of3A_123 = tpu.assume_multiple %multiple_of3A_122, 8 : i32
      %dma_start3A_124 = arith.constant 5 : i32
      %dma_start3A_125 = arith.constant 0 : i32
      %dma_start3A_126 = arith.constant 0 : i32
      %dma_start3A_127 = tpu.memref_slice %arg6[%dma_start3A_124, %dma_start3A_125, %dma_start3A_126] : memref<8x200x64xf32, #tpu.memory_space<vmem>> -> memref<1x104x64xf32, #tpu.memory_space<vmem>>
      %dma_start3A_128 = tpu.memref_squeeze %dma_start3A_127 : memref<1x104x64xf32, #tpu.memory_space<vmem>> -> memref<104x64xf32, #tpu.memory_space<vmem>>
      %dma_start3A_129 = tpu.memref_slice %arg5[%multiple_of3A_123] : memref<12800xi32, #tpu.memory_space<vmem>> -> memref<104xi32, #tpu.memory_space<vmem>>
      %dma_start3A_130 = arith.constant 0 : i32
      %dma_start3A_131 = arith.constant 0 : i32
      %dma_start3A_132 = tpu.memref_slice %arg3[%dma_start3A_130, %dma_start3A_131] : memref<1000000x64xf32, #tpu.memory_space<hbm>> -> memref<1000000x64xf32, #tpu.memory_space<hbm>>
      tpu.enqueue_indirect_dma source(%dma_start3A_132 : memref<1000000x64xf32, #tpu.memory_space<hbm>>) target(%dma_start3A_128 : memref<104x64xf32, #tpu.memory_space<vmem>>) offsets(%dma_start3A_129 : memref<104xi32, #tpu.memory_space<vmem>>) semaphore(%arg13 : memref<!tpu.dma_semaphore, #tpu.memory_space<semaphore_mem>>)
      %multiple_of3A_133 = arith.constant 1104 : i32
      %multiple_of3A_134 = tpu.assume_multiple %multiple_of3A_133, 8 : i32
      %dma_start3A_135 = arith.constant 5 : i32
      %dma_start3A_136 = arith.constant 104 : i32
      %dma_start3A_137 = arith.constant 0 : i32
      %dma_start3A_138 = tpu.memref_slice %arg6[%dma_start3A_135, %dma_start3A_136, %dma_start3A_137] : memref<8x200x64xf32, #tpu.memory_space<vmem>> -> memref<1x96x64xf32, #tpu.memory_space<vmem>>
      %dma_start3A_139 = tpu.memref_squeeze %dma_start3A_138 : memref<1x96x64xf32, #tpu.memory_space<vmem>> -> memref<96x64xf32, #tpu.memory_space<vmem>>
      %dma_start3A_140 = tpu.memref_slice %arg5[%multiple_of3A_134] : memref<12800xi32, #tpu.memory_space<vmem>> -> memref<96xi32, #tpu.memory_space<vmem>>
      %dma_start3A_141 = arith.constant 0 : i32
      %dma_start3A_142 = arith.constant 0 : i32
      %dma_start3A_143 = tpu.memref_slice %arg3[%dma_start3A_141, %dma_start3A_142] : memref<1000000x64xf32, #tpu.memory_space<hbm>> -> memref<1000000x64xf32, #tpu.memory_space<hbm>>
      tpu.enqueue_indirect_dma source(%dma_start3A_143 : memref<1000000x64xf32, #tpu.memory_space<hbm>>) target(%dma_start3A_139 : memref<96x64xf32, #tpu.memory_space<vmem>>) offsets(%dma_start3A_140 : memref<96xi32, #tpu.memory_space<vmem>>) semaphore(%arg13 : memref<!tpu.dma_semaphore, #tpu.memory_space<semaphore_mem>>)
      %scan3A_144 = arith.constant 0 : i32
      %scan3A_145 = arith.constant 0 : i32
      %scan3A_146 = arith.constant 8 : i32
      %scan3A_147 = arith.addi %scan3A_145, %scan3A_146 : i32
      %scan3A_148 = arith.constant 1 : i32
      scf.for %scan3A_150 = %scan3A_145 to %scan3A_147 step %scan3A_148  : i32 {
        %mul3A_151 = arith.constant 8 : i32
        %mul3A_152 = arith.muli %scan3A_150, %mul3A_151 : i32
        %add3A_153 = arith.constant 0 : i32
        %add3A_154 = arith.addi %mul3A_152, %add3A_153 : i32
        %dma_wait3A = arith.constant 0 : i32
        %dma_wait3A_155 = arith.constant 0 : i32
        %dma_wait3A_156 = arith.constant 0 : i32
        %dma_wait3A_157 = tpu.memref_slice %arg6[%dma_wait3A, %dma_wait3A_155, %dma_wait3A_156] : memref<8x200x64xf32, #tpu.memory_space<vmem>> -> memref<1x200x64xf32, #tpu.memory_space<vmem>>
        %dma_wait3A_158 = tpu.memref_squeeze %dma_wait3A_157 : memref<1x200x64xf32, #tpu.memory_space<vmem>> -> memref<200x64xf32, #tpu.memory_space<vmem>>
        %dma_wait3A_159 = arith.constant 0 : i32
        %dma_wait3A_160 = arith.constant 0 : i32
        %dma_wait3A_161 = tpu.memref_slice %arg3[%dma_wait3A_159, %dma_wait3A_160] : memref<1000000x64xf32, #tpu.memory_space<hbm>> -> memref<200x64xf32, #tpu.memory_space<hbm>>
        %dma_wait3A_162 = arith.constant 0 : i32
        %dma_wait3A_163 = arith.constant 0 : i32
        %dma_wait3A_164 = tpu.memref_slice %arg6[%dma_wait3A, %dma_wait3A_162, %dma_wait3A_163] : memref<8x200x64xf32, #tpu.memory_space<vmem>> -> memref<1x200x64xf32, #tpu.memory_space<vmem>>
        %dma_wait3A_165 = tpu.memref_squeeze %dma_wait3A_164 : memref<1x200x64xf32, #tpu.memory_space<vmem>> -> memref<200x64xf32, #tpu.memory_space<vmem>>
        %dma_wait3A_166 = arith.constant 0 : i32
        %dma_wait3A_167 = arith.constant 0 : i32
        %dma_wait3A_168 = tpu.memref_slice %arg3[%dma_wait3A_166, %dma_wait3A_167] : memref<1000000x64xf32, #tpu.memory_space<hbm>> -> memref<200x64xf32, #tpu.memory_space<hbm>>
        tpu.wait_dma2 semaphore(%arg8 : memref<!tpu.dma_semaphore, #tpu.memory_space<semaphore_mem>>) src(%dma_wait3A_168 : memref<200x64xf32, #tpu.memory_space<hbm>>) dst(%dma_wait3A_165 : memref<200x64xf32, #tpu.memory_space<vmem>>)
        %add3A_169 = arith.constant 6 : i32
        %add3A_170 = arith.addi %add3A_154, %add3A_169 : i32
        %lt3A = arith.constant 64 : i32
        %lt3A_171 = arith.cmpi slt, %add3A_170, %lt3A : i32
        %convert_element_type3A = arith.extui %lt3A_171 : i1 to i32
        %cond3A = arith.constant 0 : i32
        %cond3A_172 = arith.cmpi ne, %convert_element_type3A, %cond3A : i32
        scf.if %cond3A_172 {
          %add3A_595 = arith.constant 6 : i32
          %add3A_596 = arith.addi %add3A_154, %add3A_595 : i32
          %mul3A_597 = arith.constant 200 : i32
          %mul3A_598 = arith.muli %add3A_596, %mul3A_597 : i32
          %multiple_of3A_599 = tpu.assume_multiple %mul3A_598, 8 : i32
          %dma_start3A_600 = arith.constant 6 : i32
          %dma_start3A_601 = arith.constant 0 : i32
          %dma_start3A_602 = arith.constant 0 : i32
          %dma_start3A_603 = tpu.memref_slice %arg6[%dma_start3A_600, %dma_start3A_601, %dma_start3A_602] : memref<8x200x64xf32, #tpu.memory_space<vmem>> -> memref<1x104x64xf32, #tpu.memory_space<vmem>>
          %dma_start3A_604 = tpu.memref_squeeze %dma_start3A_603 : memref<1x104x64xf32, #tpu.memory_space<vmem>> -> memref<104x64xf32, #tpu.memory_space<vmem>>
          %dma_start3A_605 = tpu.memref_slice %arg5[%multiple_of3A_599] : memref<12800xi32, #tpu.memory_space<vmem>> -> memref<104xi32, #tpu.memory_space<vmem>>
          %dma_start3A_606 = arith.constant 0 : i32
          %dma_start3A_607 = arith.constant 0 : i32
          %dma_start3A_608 = tpu.memref_slice %arg3[%dma_start3A_606, %dma_start3A_607] : memref<1000000x64xf32, #tpu.memory_space<hbm>> -> memref<1000000x64xf32, #tpu.memory_space<hbm>>
          tpu.enqueue_indirect_dma source(%dma_start3A_608 : memref<1000000x64xf32, #tpu.memory_space<hbm>>) target(%dma_start3A_604 : memref<104x64xf32, #tpu.memory_space<vmem>>) offsets(%dma_start3A_605 : memref<104xi32, #tpu.memory_space<vmem>>) semaphore(%arg14 : memref<!tpu.dma_semaphore, #tpu.memory_space<semaphore_mem>>)
          %mul3A_609 = arith.constant 200 : i32
          %mul3A_610 = arith.muli %add3A_596, %mul3A_609 : i32
          %add3A_611 = arith.constant 104 : i32
          %add3A_612 = arith.addi %mul3A_610, %add3A_611 : i32
          %multiple_of3A_613 = tpu.assume_multiple %add3A_612, 8 : i32
          %dma_start3A_614 = arith.constant 6 : i32
          %dma_start3A_615 = arith.constant 104 : i32
          %dma_start3A_616 = arith.constant 0 : i32
          %dma_start3A_617 = tpu.memref_slice %arg6[%dma_start3A_614, %dma_start3A_615, %dma_start3A_616] : memref<8x200x64xf32, #tpu.memory_space<vmem>> -> memref<1x96x64xf32, #tpu.memory_space<vmem>>
          %dma_start3A_618 = tpu.memref_squeeze %dma_start3A_617 : memref<1x96x64xf32, #tpu.memory_space<vmem>> -> memref<96x64xf32, #tpu.memory_space<vmem>>
          %dma_start3A_619 = tpu.memref_slice %arg5[%multiple_of3A_613] : memref<12800xi32, #tpu.memory_space<vmem>> -> memref<96xi32, #tpu.memory_space<vmem>>
          %dma_start3A_620 = arith.constant 0 : i32
          %dma_start3A_621 = arith.constant 0 : i32
          %dma_start3A_622 = tpu.memref_slice %arg3[%dma_start3A_620, %dma_start3A_621] : memref<1000000x64xf32, #tpu.memory_space<hbm>> -> memref<1000000x64xf32, #tpu.memory_space<hbm>>
          tpu.enqueue_indirect_dma source(%dma_start3A_622 : memref<1000000x64xf32, #tpu.memory_space<hbm>>) target(%dma_start3A_618 : memref<96x64xf32, #tpu.memory_space<vmem>>) offsets(%dma_start3A_619 : memref<96xi32, #tpu.memory_space<vmem>>) semaphore(%arg14 : memref<!tpu.dma_semaphore, #tpu.memory_space<semaphore_mem>>)
        } else {
        }
        %broadcast_in_dim3A = arith.constant 0.000000e+00 : f32
        %broadcast_in_dim3A_173 = vector.broadcast %broadcast_in_dim3A : f32 to vector<16xf32>
        %scan3A_174 = arith.constant 0 : i32
        %scan3A_175 = arith.constant 25 : i32
        %scan3A_176 = arith.addi %scan3A_174, %scan3A_175 : i32
        %scan3A_177 = arith.constant 1 : i32
        %scan3A_178:8 = scf.for %scan3A_595 = %scan3A_174 to %scan3A_176 step %scan3A_177 iter_args(%scan3A_596 = %broadcast_in_dim3A_173, %scan3A_597 = %broadcast_in_dim3A_173, %scan3A_598 = %broadcast_in_dim3A_173, %scan3A_599 = %broadcast_in_dim3A_173, %scan3A_600 = %broadcast_in_dim3A_173, %scan3A_601 = %broadcast_in_dim3A_173, %scan3A_602 = %broadcast_in_dim3A_173, %scan3A_603 = %broadcast_in_dim3A_173) -> (vector<16xf32>, vector<16xf32>, vector<16xf32>, vector<16xf32>, vector<16xf32>, vector<16xf32>, vector<16xf32>, vector<16xf32>)  : i32 {
          %mul3A_604 = arith.constant 8 : i32
          %mul3A_605 = arith.muli %scan3A_595, %mul3A_604 : i32
          %add3A_606 = arith.constant 0 : i32
          %add3A_607 = arith.addi %mul3A_605, %add3A_606 : i32
          %get3A = arith.constant 0 : i32
          %get3A_608 = arith.index_cast %get3A : i32 to index
          %get3A_609 = arith.index_cast %add3A_607 : i32 to index
          %get3A_610 = arith.constant 0 : index
          %get3A_611 = tpu.vector_load %arg6[%get3A_608, %get3A_609, %get3A_610] {strides = array<i32>} : memref<8x200x64xf32, #tpu.memory_space<vmem>>, vector<1x1x16xf32>,
          %get3A_612 = vector.shape_cast %get3A_611 : vector<1x1x16xf32> to vector<16xf32>
          %add3A_613 = arith.addf %scan3A_596, %get3A_612 : vector<16xf32>
          %get3A_614 = arith.constant 0 : i32
          %get3A_615 = arith.index_cast %get3A_614 : i32 to index
          %get3A_616 = arith.index_cast %add3A_607 : i32 to index
          %get3A_617 = arith.constant 16 : index
          %get3A_618 = tpu.vector_load %arg6[%get3A_615, %get3A_616, %get3A_617] {strides = array<i32>} : memref<8x200x64xf32, #tpu.memory_space<vmem>>, vector<1x1x16xf32>,
          %get3A_619 = vector.shape_cast %get3A_618 : vector<1x1x16xf32> to vector<16xf32>
          %add3A_620 = arith.addf %scan3A_597, %get3A_619 : vector<16xf32>
          %get3A_621 = arith.constant 0 : i32
          %get3A_622 = arith.index_cast %get3A_621 : i32 to index
          %get3A_623 = arith.index_cast %add3A_607 : i32 to index
          %get3A_624 = arith.constant 32 : index
          %get3A_625 = tpu.vector_load %arg6[%get3A_622, %get3A_623, %get3A_624] {strides = array<i32>} : memref<8x200x64xf32, #tpu.memory_space<vmem>>, vector<1x1x16xf32>,
          %get3A_626 = vector.shape_cast %get3A_625 : vector<1x1x16xf32> to vector<16xf32>
          %add3A_627 = arith.addf %scan3A_598, %get3A_626 : vector<16xf32>
          %get3A_628 = arith.constant 0 : i32
          %get3A_629 = arith.index_cast %get3A_628 : i32 to index
          %get3A_630 = arith.index_cast %add3A_607 : i32 to index
          %get3A_631 = arith.constant 48 : index
          %get3A_632 = tpu.vector_load %arg6[%get3A_629, %get3A_630, %get3A_631] {strides = array<i32>} : memref<8x200x64xf32, #tpu.memory_space<vmem>>, vector<1x1x16xf32>,
          %get3A_633 = vector.shape_cast %get3A_632 : vector<1x1x16xf32> to vector<16xf32>
          %add3A_634 = arith.addf %scan3A_599, %get3A_633 : vector<16xf32>
          %mul3A_635 = arith.constant 8 : i32
          %mul3A_636 = arith.muli %scan3A_595, %mul3A_635 : i32
          %add3A_637 = arith.constant 1 : i32
          %add3A_638 = arith.addi %mul3A_636, %add3A_637 : i32
          %get3A_639 = arith.constant 0 : i32
          %get3A_640 = arith.index_cast %get3A_639 : i32 to index
          %get3A_641 = arith.index_cast %add3A_638 : i32 to index
          %get3A_642 = arith.constant 0 : index
          %get3A_643 = tpu.vector_load %arg6[%get3A_640, %get3A_641, %get3A_642] {strides = array<i32>} : memref<8x200x64xf32, #tpu.memory_space<vmem>>, vector<1x1x16xf32>,
          %get3A_644 = vector.shape_cast %get3A_643 : vector<1x1x16xf32> to vector<16xf32>
          %add3A_645 = arith.addf %scan3A_600, %get3A_644 : vector<16xf32>
          %get3A_646 = arith.constant 0 : i32
          %get3A_647 = arith.index_cast %get3A_646 : i32 to index
          %get3A_648 = arith.index_cast %add3A_638 : i32 to index
          %get3A_649 = arith.constant 16 : index
          %get3A_650 = tpu.vector_load %arg6[%get3A_647, %get3A_648, %get3A_649] {strides = array<i32>} : memref<8x200x64xf32, #tpu.memory_space<vmem>>, vector<1x1x16xf32>,
          %get3A_651 = vector.shape_cast %get3A_650 : vector<1x1x16xf32> to vector<16xf32>
          %add3A_652 = arith.addf %scan3A_601, %get3A_651 : vector<16xf32>
          %get3A_653 = arith.constant 0 : i32
          %get3A_654 = arith.index_cast %get3A_653 : i32 to index
          %get3A_655 = arith.index_cast %add3A_638 : i32 to index
          %get3A_656 = arith.constant 32 : index
          %get3A_657 = tpu.vector_load %arg6[%get3A_654, %get3A_655, %get3A_656] {strides = array<i32>} : memref<8x200x64xf32, #tpu.memory_space<vmem>>, vector<1x1x16xf32>,
          %get3A_658 = vector.shape_cast %get3A_657 : vector<1x1x16xf32> to vector<16xf32>
          %add3A_659 = arith.addf %scan3A_602, %get3A_658 : vector<16xf32>
          %get3A_660 = arith.constant 0 : i32
          %get3A_661 = arith.index_cast %get3A_660 : i32 to index
          %get3A_662 = arith.index_cast %add3A_638 : i32 to index
          %get3A_663 = arith.constant 48 : index
          %get3A_664 = tpu.vector_load %arg6[%get3A_661, %get3A_662, %get3A_663] {strides = array<i32>} : memref<8x200x64xf32, #tpu.memory_space<vmem>>, vector<1x1x16xf32>,
          %get3A_665 = vector.shape_cast %get3A_664 : vector<1x1x16xf32> to vector<16xf32>
          %add3A_666 = arith.addf %scan3A_603, %get3A_665 : vector<16xf32>
          %mul3A_667 = arith.constant 8 : i32
          %mul3A_668 = arith.muli %scan3A_595, %mul3A_667 : i32
          %add3A_669 = arith.constant 2 : i32
          %add3A_670 = arith.addi %mul3A_668, %add3A_669 : i32
          %get3A_671 = arith.constant 0 : i32
          %get3A_672 = arith.index_cast %get3A_671 : i32 to index
          %get3A_673 = arith.index_cast %add3A_670 : i32 to index
          %get3A_674 = arith.constant 0 : index
          %get3A_675 = tpu.vector_load %arg6[%get3A_672, %get3A_673, %get3A_674] {strides = array<i32>} : memref<8x200x64xf32, #tpu.memory_space<vmem>>, vector<1x1x16xf32>,
          %get3A_676 = vector.shape_cast %get3A_675 : vector<1x1x16xf32> to vector<16xf32>
          %add3A_677 = arith.addf %add3A_613, %get3A_676 : vector<16xf32>
          %get3A_678 = arith.constant 0 : i32
          %get3A_679 = arith.index_cast %get3A_678 : i32 to index
          %get3A_680 = arith.index_cast %add3A_670 : i32 to index
          %get3A_681 = arith.constant 16 : index
          %get3A_682 = tpu.vector_load %arg6[%get3A_679, %get3A_680, %get3A_681] {strides = array<i32>} : memref<8x200x64xf32, #tpu.memory_space<vmem>>, vector<1x1x16xf32>,
          %get3A_683 = vector.shape_cast %get3A_682 : vector<1x1x16xf32> to vector<16xf32>
          %add3A_684 = arith.addf %add3A_620, %get3A_683 : vector<16xf32>
          %get3A_685 = arith.constant 0 : i32
          %get3A_686 = arith.index_cast %get3A_685 : i32 to index
          %get3A_687 = arith.index_cast %add3A_670 : i32 to index
          %get3A_688 = arith.constant 32 : index
          %get3A_689 = tpu.vector_load %arg6[%get3A_686, %get3A_687, %get3A_688] {strides = array<i32>} : memref<8x200x64xf32, #tpu.memory_space<vmem>>, vector<1x1x16xf32>,
          %get3A_690 = vector.shape_cast %get3A_689 : vector<1x1x16xf32> to vector<16xf32>
          %add3A_691 = arith.addf %add3A_627, %get3A_690 : vector<16xf32>
          %get3A_692 = arith.constant 0 : i32
          %get3A_693 = arith.index_cast %get3A_692 : i32 to index
          %get3A_694 = arith.index_cast %add3A_670 : i32 to index
          %get3A_695 = arith.constant 48 : index
          %get3A_696 = tpu.vector_load %arg6[%get3A_693, %get3A_694, %get3A_695] {strides = array<i32>} : memref<8x200x64xf32, #tpu.memory_space<vmem>>, vector<1x1x16xf32>,
          %get3A_697 = vector.shape_cast %get3A_696 : vector<1x1x16xf32> to vector<16xf32>
          %add3A_698 = arith.addf %add3A_634, %get3A_697 : vector<16xf32>
          %mul3A_699 = arith.constant 8 : i32
          %mul3A_700 = arith.muli %scan3A_595, %mul3A_699 : i32
          %add3A_701 = arith.constant 3 : i32
          %add3A_702 = arith.addi %mul3A_700, %add3A_701 : i32
          %get3A_703 = arith.constant 0 : i32
          %get3A_704 = arith.index_cast %get3A_703 : i32 to index
          %get3A_705 = arith.index_cast %add3A_702 : i32 to index
          %get3A_706 = arith.constant 0 : index
          %get3A_707 = tpu.vector_load %arg6[%get3A_704, %get3A_705, %get3A_706] {strides = array<i32>} : memref<8x200x64xf32, #tpu.memory_space<vmem>>, vector<1x1x16xf32>,
          %get3A_708 = vector.shape_cast %get3A_707 : vector<1x1x16xf32> to vector<16xf32>
          %add3A_709 = arith.addf %add3A_645, %get3A_708 : vector<16xf32>
          %get3A_710 = arith.constant 0 : i32
          %get3A_711 = arith.index_cast %get3A_710 : i32 to index
          %get3A_712 = arith.index_cast %add3A_702 : i32 to index
          %get3A_713 = arith.constant 16 : index
          %get3A_714 = tpu.vector_load %arg6[%get3A_711, %get3A_712, %get3A_713] {strides = array<i32>} : memref<8x200x64xf32, #tpu.memory_space<vmem>>, vector<1x1x16xf32>,
          %get3A_715 = vector.shape_cast %get3A_714 : vector<1x1x16xf32> to vector<16xf32>
          %add3A_716 = arith.addf %add3A_652, %get3A_715 : vector<16xf32>
          %get3A_717 = arith.constant 0 : i32
          %get3A_718 = arith.index_cast %get3A_717 : i32 to index
          %get3A_719 = arith.index_cast %add3A_702 : i32 to index
          %get3A_720 = arith.constant 32 : index
          %get3A_721 = tpu.vector_load %arg6[%get3A_718, %get3A_719, %get3A_720] {strides = array<i32>} : memref<8x200x64xf32, #tpu.memory_space<vmem>>, vector<1x1x16xf32>,
          %get3A_722 = vector.shape_cast %get3A_721 : vector<1x1x16xf32> to vector<16xf32>
          %add3A_723 = arith.addf %add3A_659, %get3A_722 : vector<16xf32>
          %get3A_724 = arith.constant 0 : i32
          %get3A_725 = arith.index_cast %get3A_724 : i32 to index
          %get3A_726 = arith.index_cast %add3A_702 : i32 to index
          %get3A_727 = arith.constant 48 : index
          %get3A_728 = tpu.vector_load %arg6[%get3A_725, %get3A_726, %get3A_727] {strides = array<i32>} : memref<8x200x64xf32, #tpu.memory_space<vmem>>, vector<1x1x16xf32>,
          %get3A_729 = vector.shape_cast %get3A_728 : vector<1x1x16xf32> to vector<16xf32>
          %add3A_730 = arith.addf %add3A_666, %get3A_729 : vector<16xf32>
          %mul3A_731 = arith.constant 8 : i32
          %mul3A_732 = arith.muli %scan3A_595, %mul3A_731 : i32
          %add3A_733 = arith.constant 4 : i32
          %add3A_734 = arith.addi %mul3A_732, %add3A_733 : i32
          %get3A_735 = arith.constant 0 : i32
          %get3A_736 = arith.index_cast %get3A_735 : i32 to index
          %get3A_737 = arith.index_cast %add3A_734 : i32 to index
          %get3A_738 = arith.constant 0 : index
          %get3A_739 = tpu.vector_load %arg6[%get3A_736, %get3A_737, %get3A_738] {strides = array<i32>} : memref<8x200x64xf32, #tpu.memory_space<vmem>>, vector<1x1x16xf32>,
          %get3A_740 = vector.shape_cast %get3A_739 : vector<1x1x16xf32> to vector<16xf32>
          %add3A_741 = arith.addf %add3A_677, %get3A_740 : vector<16xf32>
          %get3A_742 = arith.constant 0 : i32
          %get3A_743 = arith.index_cast %get3A_742 : i32 to index
          %get3A_744 = arith.index_cast %add3A_734 : i32 to index
          %get3A_745 = arith.constant 16 : index
          %get3A_746 = tpu.vector_load %arg6[%get3A_743, %get3A_744, %get3A_745] {strides = array<i32>} : memref<8x200x64xf32, #tpu.memory_space<vmem>>, vector<1x1x16xf32>,
          %get3A_747 = vector.shape_cast %get3A_746 : vector<1x1x16xf32> to vector<16xf32>
          %add3A_748 = arith.addf %add3A_684, %get3A_747 : vector<16xf32>
          %get3A_749 = arith.constant 0 : i32
          %get3A_750 = arith.index_cast %get3A_749 : i32 to index
          %get3A_751 = arith.index_cast %add3A_734 : i32 to index
          %get3A_752 = arith.constant 32 : index
          %get3A_753 = tpu.vector_load %arg6[%get3A_750, %get3A_751, %get3A_752] {strides = array<i32>} : memref<8x200x64xf32, #tpu.memory_space<vmem>>, vector<1x1x16xf32>,
          %get3A_754 = vector.shape_cast %get3A_753 : vector<1x1x16xf32> to vector<16xf32>
          %add3A_755 = arith.addf %add3A_691, %get3A_754 : vector<16xf32>
          %get3A_756 = arith.constant 0 : i32
          %get3A_757 = arith.index_cast %get3A_756 : i32 to index
          %get3A_758 = arith.index_cast %add3A_734 : i32 to index
          %get3A_759 = arith.constant 48 : index
          %get3A_760 = tpu.vector_load %arg6[%get3A_757, %get3A_758, %get3A_759] {strides = array<i32>} : memref<8x200x64xf32, #tpu.memory_space<vmem>>, vector<1x1x16xf32>,
          %get3A_761 = vector.shape_cast %get3A_760 : vector<1x1x16xf32> to vector<16xf32>
          %add3A_762 = arith.addf %add3A_698, %get3A_761 : vector<16xf32>
          %mul3A_763 = arith.constant 8 : i32
          %mul3A_764 = arith.muli %scan3A_595, %mul3A_763 : i32
          %add3A_765 = arith.constant 5 : i32
          %add3A_766 = arith.addi %mul3A_764, %add3A_765 : i32
          %get3A_767 = arith.constant 0 : i32
          %get3A_768 = arith.index_cast %get3A_767 : i32 to index
          %get3A_769 = arith.index_cast %add3A_766 : i32 to index
          %get3A_770 = arith.constant 0 : index
          %get3A_771 = tpu.vector_load %arg6[%get3A_768, %get3A_769, %get3A_770] {strides = array<i32>} : memref<8x200x64xf32, #tpu.memory_space<vmem>>, vector<1x1x16xf32>,
          %get3A_772 = vector.shape_cast %get3A_771 : vector<1x1x16xf32> to vector<16xf32>
          %add3A_773 = arith.addf %add3A_709, %get3A_772 : vector<16xf32>
          %get3A_774 = arith.constant 0 : i32
          %get3A_775 = arith.index_cast %get3A_774 : i32 to index
          %get3A_776 = arith.index_cast %add3A_766 : i32 to index
          %get3A_777 = arith.constant 16 : index
          %get3A_778 = tpu.vector_load %arg6[%get3A_775, %get3A_776, %get3A_777] {strides = array<i32>} : memref<8x200x64xf32, #tpu.memory_space<vmem>>, vector<1x1x16xf32>,
          %get3A_779 = vector.shape_cast %get3A_778 : vector<1x1x16xf32> to vector<16xf32>
          %add3A_780 = arith.addf %add3A_716, %get3A_779 : vector<16xf32>
          %get3A_781 = arith.constant 0 : i32
          %get3A_782 = arith.index_cast %get3A_781 : i32 to index
          %get3A_783 = arith.index_cast %add3A_766 : i32 to index
          %get3A_784 = arith.constant 32 : index
          %get3A_785 = tpu.vector_load %arg6[%get3A_782, %get3A_783, %get3A_784] {strides = array<i32>} : memref<8x200x64xf32, #tpu.memory_space<vmem>>, vector<1x1x16xf32>,
          %get3A_786 = vector.shape_cast %get3A_785 : vector<1x1x16xf32> to vector<16xf32>
          %add3A_787 = arith.addf %add3A_723, %get3A_786 : vector<16xf32>
          %get3A_788 = arith.constant 0 : i32
          %get3A_789 = arith.index_cast %get3A_788 : i32 to index
          %get3A_790 = arith.index_cast %add3A_766 : i32 to index
          %get3A_791 = arith.constant 48 : index
          %get3A_792 = tpu.vector_load %arg6[%get3A_789, %get3A_790, %get3A_791] {strides = array<i32>} : memref<8x200x64xf32, #tpu.memory_space<vmem>>, vector<1x1x16xf32>,
          %get3A_793 = vector.shape_cast %get3A_792 : vector<1x1x16xf32> to vector<16xf32>
          %add3A_794 = arith.addf %add3A_730, %get3A_793 : vector<16xf32>
          %mul3A_795 = arith.constant 8 : i32
          %mul3A_796 = arith.muli %scan3A_595, %mul3A_795 : i32
          %add3A_797 = arith.constant 6 : i32
          %add3A_798 = arith.addi %mul3A_796, %add3A_797 : i32
          %get3A_799 = arith.constant 0 : i32
          %get3A_800 = arith.index_cast %get3A_799 : i32 to index
          %get3A_801 = arith.index_cast %add3A_798 : i32 to index
          %get3A_802 = arith.constant 0 : index
          %get3A_803 = tpu.vector_load %arg6[%get3A_800, %get3A_801, %get3A_802] {strides = array<i32>} : memref<8x200x64xf32, #tpu.memory_space<vmem>>, vector<1x1x16xf32>,
          %get3A_804 = vector.shape_cast %get3A_803 : vector<1x1x16xf32> to vector<16xf32>
          %add3A_805 = arith.addf %add3A_741, %get3A_804 : vector<16xf32>
          %get3A_806 = arith.constant 0 : i32
          %get3A_807 = arith.index_cast %get3A_806 : i32 to index
          %get3A_808 = arith.index_cast %add3A_798 : i32 to index
          %get3A_809 = arith.constant 16 : index
          %get3A_810 = tpu.vector_load %arg6[%get3A_807, %get3A_808, %get3A_809] {strides = array<i32>} : memref<8x200x64xf32, #tpu.memory_space<vmem>>, vector<1x1x16xf32>,
          %get3A_811 = vector.shape_cast %get3A_810 : vector<1x1x16xf32> to vector<16xf32>
          %add3A_812 = arith.addf %add3A_748, %get3A_811 : vector<16xf32>
          %get3A_813 = arith.constant 0 : i32
          %get3A_814 = arith.index_cast %get3A_813 : i32 to index
          %get3A_815 = arith.index_cast %add3A_798 : i32 to index
          %get3A_816 = arith.constant 32 : index
          %get3A_817 = tpu.vector_load %arg6[%get3A_814, %get3A_815, %get3A_816] {strides = array<i32>} : memref<8x200x64xf32, #tpu.memory_space<vmem>>, vector<1x1x16xf32>,
          %get3A_818 = vector.shape_cast %get3A_817 : vector<1x1x16xf32> to vector<16xf32>
          %add3A_819 = arith.addf %add3A_755, %get3A_818 : vector<16xf32>
          %get3A_820 = arith.constant 0 : i32
          %get3A_821 = arith.index_cast %get3A_820 : i32 to index
          %get3A_822 = arith.index_cast %add3A_798 : i32 to index
          %get3A_823 = arith.constant 48 : index
          %get3A_824 = tpu.vector_load %arg6[%get3A_821, %get3A_822, %get3A_823] {strides = array<i32>} : memref<8x200x64xf32, #tpu.memory_space<vmem>>, vector<1x1x16xf32>,
          %get3A_825 = vector.shape_cast %get3A_824 : vector<1x1x16xf32> to vector<16xf32>
          %add3A_826 = arith.addf %add3A_762, %get3A_825 : vector<16xf32>
          %mul3A_827 = arith.constant 8 : i32
          %mul3A_828 = arith.muli %scan3A_595, %mul3A_827 : i32
          %add3A_829 = arith.constant 7 : i32
          %add3A_830 = arith.addi %mul3A_828, %add3A_829 : i32
          %get3A_831 = arith.constant 0 : i32
          %get3A_832 = arith.index_cast %get3A_831 : i32 to index
          %get3A_833 = arith.index_cast %add3A_830 : i32 to index
          %get3A_834 = arith.constant 0 : index
          %get3A_835 = tpu.vector_load %arg6[%get3A_832, %get3A_833, %get3A_834] {strides = array<i32>} : memref<8x200x64xf32, #tpu.memory_space<vmem>>, vector<1x1x16xf32>,
          %get3A_836 = vector.shape_cast %get3A_835 : vector<1x1x16xf32> to vector<16xf32>
          %add3A_837 = arith.addf %add3A_773, %get3A_836 : vector<16xf32>
          %get3A_838 = arith.constant 0 : i32
          %get3A_839 = arith.index_cast %get3A_838 : i32 to index
          %get3A_840 = arith.index_cast %add3A_830 : i32 to index
          %get3A_841 = arith.constant 16 : index
          %get3A_842 = tpu.vector_load %arg6[%get3A_839, %get3A_840, %get3A_841] {strides = array<i32>} : memref<8x200x64xf32, #tpu.memory_space<vmem>>, vector<1x1x16xf32>,
          %get3A_843 = vector.shape_cast %get3A_842 : vector<1x1x16xf32> to vector<16xf32>
          %add3A_844 = arith.addf %add3A_780, %get3A_843 : vector<16xf32>
          %get3A_845 = arith.constant 0 : i32
          %get3A_846 = arith.index_cast %get3A_845 : i32 to index
          %get3A_847 = arith.index_cast %add3A_830 : i32 to index
          %get3A_848 = arith.constant 32 : index
          %get3A_849 = tpu.vector_load %arg6[%get3A_846, %get3A_847, %get3A_848] {strides = array<i32>} : memref<8x200x64xf32, #tpu.memory_space<vmem>>, vector<1x1x16xf32>,
          %get3A_850 = vector.shape_cast %get3A_849 : vector<1x1x16xf32> to vector<16xf32>
          %add3A_851 = arith.addf %add3A_787, %get3A_850 : vector<16xf32>
          %get3A_852 = arith.constant 0 : i32
          %get3A_853 = arith.index_cast %get3A_852 : i32 to index
          %get3A_854 = arith.index_cast %add3A_830 : i32 to index
          %get3A_855 = arith.constant 48 : index
          %get3A_856 = tpu.vector_load %arg6[%get3A_853, %get3A_854, %get3A_855] {strides = array<i32>} : memref<8x200x64xf32, #tpu.memory_space<vmem>>, vector<1x1x16xf32>,
          %get3A_857 = vector.shape_cast %get3A_856 : vector<1x1x16xf32> to vector<16xf32>
          %add3A_858 = arith.addf %add3A_794, %get3A_857 : vector<16xf32>
          scf.yield %add3A_805, %add3A_812, %add3A_819, %add3A_826, %add3A_837, %add3A_844, %add3A_851, %add3A_858 : vector<16xf32>, vector<16xf32>, vector<16xf32>, vector<16xf32>, vector<16xf32>, vector<16xf32>, vector<16xf32>, vector<16xf32>
        }
        %scan3A_179 = arith.constant 25 : i32
        %add3A_180 = arith.addf %scan3A_178#0, %scan3A_178#4 : vector<16xf32>
        %swap3A = arith.index_cast %add3A_154 : i32 to index
        %swap3A_181 = arith.constant 0 : index
        %swap3A_182 = tpu.vector_load %arg7[%swap3A, %swap3A_181] {strides = array<i32>} : memref<64x64xf32, #tpu.memory_space<vmem>>, vector<1x16xf32>,
        %swap3A_183 = vector.shape_cast %swap3A_182 : vector<1x16xf32> to vector<16xf32>
        %swap3A_184 = vector.shape_cast %add3A_180 : vector<16xf32> to vector<1x16xf32>
        tpu.vector_store %arg7[%swap3A, %swap3A_181], %swap3A_184 {strides = array<i32>} : memref<64x64xf32, #tpu.memory_space<vmem>>, vector<1x16xf32>,
        %add3A_185 = arith.addf %scan3A_178#1, %scan3A_178#5 : vector<16xf32>
        %swap3A_186 = arith.index_cast %add3A_154 : i32 to index
        %swap3A_187 = arith.constant 16 : index
        %swap3A_188 = tpu.vector_load %arg7[%swap3A_186, %swap3A_187] {strides = array<i32>} : memref<64x64xf32, #tpu.memory_space<vmem>>, vector<1x16xf32>,
        %swap3A_189 = vector.shape_cast %swap3A_188 : vector<1x16xf32> to vector<16xf32>
        %swap3A_190 = vector.shape_cast %add3A_185 : vector<16xf32> to vector<1x16xf32>
        tpu.vector_store %arg7[%swap3A_186, %swap3A_187], %swap3A_190 {strides = array<i32>} : memref<64x64xf32, #tpu.memory_space<vmem>>, vector<1x16xf32>,
        %add3A_191 = arith.addf %scan3A_178#2, %scan3A_178#6 : vector<16xf32>
        %swap3A_192 = arith.index_cast %add3A_154 : i32 to index
        %swap3A_193 = arith.constant 32 : index
        %swap3A_194 = tpu.vector_load %arg7[%swap3A_192, %swap3A_193] {strides = array<i32>} : memref<64x64xf32, #tpu.memory_space<vmem>>, vector<1x16xf32>,
        %swap3A_195 = vector.shape_cast %swap3A_194 : vector<1x16xf32> to vector<16xf32>
        %swap3A_196 = vector.shape_cast %add3A_191 : vector<16xf32> to vector<1x16xf32>
        tpu.vector_store %arg7[%swap3A_192, %swap3A_193], %swap3A_196 {strides = array<i32>} : memref<64x64xf32, #tpu.memory_space<vmem>>, vector<1x16xf32>,
        %add3A_197 = arith.addf %scan3A_178#3, %scan3A_178#7 : vector<16xf32>
        %swap3A_198 = arith.index_cast %add3A_154 : i32 to index
        %swap3A_199 = arith.constant 48 : index
        %swap3A_200 = tpu.vector_load %arg7[%swap3A_198, %swap3A_199] {strides = array<i32>} : memref<64x64xf32, #tpu.memory_space<vmem>>, vector<1x16xf32>,
        %swap3A_201 = vector.shape_cast %swap3A_200 : vector<1x16xf32> to vector<16xf32>
        %swap3A_202 = vector.shape_cast %add3A_197 : vector<16xf32> to vector<1x16xf32>
        tpu.vector_store %arg7[%swap3A_198, %swap3A_199], %swap3A_202 {strides = array<i32>} : memref<64x64xf32, #tpu.memory_space<vmem>>, vector<1x16xf32>,
        %add3A_203 = arith.constant 1 : i32
        %add3A_204 = arith.addi %mul3A_152, %add3A_203 : i32
        %dma_wait3A_205 = arith.constant 1 : i32
        %dma_wait3A_206 = arith.constant 0 : i32
        %dma_wait3A_207 = arith.constant 0 : i32
        %dma_wait3A_208 = tpu.memref_slice %arg6[%dma_wait3A_205, %dma_wait3A_206, %dma_wait3A_207] : memref<8x200x64xf32, #tpu.memory_space<vmem>> -> memref<1x200x64xf32, #tpu.memory_space<vmem>>
        %dma_wait3A_209 = tpu.memref_squeeze %dma_wait3A_208 : memref<1x200x64xf32, #tpu.memory_space<vmem>> -> memref<200x64xf32, #tpu.memory_space<vmem>>
        %dma_wait3A_210 = arith.constant 0 : i32
        %dma_wait3A_211 = arith.constant 0 : i32
        %dma_wait3A_212 = tpu.memref_slice %arg3[%dma_wait3A_210, %dma_wait3A_211] : memref<1000000x64xf32, #tpu.memory_space<hbm>> -> memref<200x64xf32, #tpu.memory_space<hbm>>
        %dma_wait3A_213 = arith.constant 0 : i32
        %dma_wait3A_214 = arith.constant 0 : i32
        %dma_wait3A_215 = tpu.memref_slice %arg6[%dma_wait3A_205, %dma_wait3A_213, %dma_wait3A_214] : memref<8x200x64xf32, #tpu.memory_space<vmem>> -> memref<1x200x64xf32, #tpu.memory_space<vmem>>
        %dma_wait3A_216 = tpu.memref_squeeze %dma_wait3A_215 : memref<1x200x64xf32, #tpu.memory_space<vmem>> -> memref<200x64xf32, #tpu.memory_space<vmem>>
        %dma_wait3A_217 = arith.constant 0 : i32
        %dma_wait3A_218 = arith.constant 0 : i32
        %dma_wait3A_219 = tpu.memref_slice %arg3[%dma_wait3A_217, %dma_wait3A_218] : memref<1000000x64xf32, #tpu.memory_space<hbm>> -> memref<200x64xf32, #tpu.memory_space<hbm>>
        tpu.wait_dma2 semaphore(%arg9 : memref<!tpu.dma_semaphore, #tpu.memory_space<semaphore_mem>>) src(%dma_wait3A_219 : memref<200x64xf32, #tpu.memory_space<hbm>>) dst(%dma_wait3A_216 : memref<200x64xf32, #tpu.memory_space<vmem>>)
        %add3A_220 = arith.constant 6 : i32
        %add3A_221 = arith.addi %add3A_204, %add3A_220 : i32
        %lt3A_222 = arith.constant 64 : i32
        %lt3A_223 = arith.cmpi slt, %add3A_221, %lt3A_222 : i32
        %convert_element_type3A_224 = arith.extui %lt3A_223 : i1 to i32
        %cond3A_225 = arith.constant 0 : i32
        %cond3A_226 = arith.cmpi ne, %convert_element_type3A_224, %cond3A_225 : i32
        scf.if %cond3A_226 {
          %add3A_595 = arith.constant 6 : i32
          %add3A_596 = arith.addi %add3A_204, %add3A_595 : i32
          %mul3A_597 = arith.constant 200 : i32
          %mul3A_598 = arith.muli %add3A_596, %mul3A_597 : i32
          %multiple_of3A_599 = tpu.assume_multiple %mul3A_598, 8 : i32
          %dma_start3A_600 = arith.constant 7 : i32
          %dma_start3A_601 = arith.constant 0 : i32
          %dma_start3A_602 = arith.constant 0 : i32
          %dma_start3A_603 = tpu.memref_slice %arg6[%dma_start3A_600, %dma_start3A_601, %dma_start3A_602] : memref<8x200x64xf32, #tpu.memory_space<vmem>> -> memref<1x104x64xf32, #tpu.memory_space<vmem>>
          %dma_start3A_604 = tpu.memref_squeeze %dma_start3A_603 : memref<1x104x64xf32, #tpu.memory_space<vmem>> -> memref<104x64xf32, #tpu.memory_space<vmem>>
          %dma_start3A_605 = tpu.memref_slice %arg5[%multiple_of3A_599] : memref<12800xi32, #tpu.memory_space<vmem>> -> memref<104xi32, #tpu.memory_space<vmem>>
          %dma_start3A_606 = arith.constant 0 : i32
          %dma_start3A_607 = arith.constant 0 : i32
          %dma_start3A_608 = tpu.memref_slice %arg3[%dma_start3A_606, %dma_start3A_607] : memref<1000000x64xf32, #tpu.memory_space<hbm>> -> memref<1000000x64xf32, #tpu.memory_space<hbm>>
          tpu.enqueue_indirect_dma source(%dma_start3A_608 : memref<1000000x64xf32, #tpu.memory_space<hbm>>) target(%dma_start3A_604 : memref<104x64xf32, #tpu.memory_space<vmem>>) offsets(%dma_start3A_605 : memref<104xi32, #tpu.memory_space<vmem>>) semaphore(%arg15 : memref<!tpu.dma_semaphore, #tpu.memory_space<semaphore_mem>>)
          %mul3A_609 = arith.constant 200 : i32
          %mul3A_610 = arith.muli %add3A_596, %mul3A_609 : i32
          %add3A_611 = arith.constant 104 : i32
          %add3A_612 = arith.addi %mul3A_610, %add3A_611 : i32
          %multiple_of3A_613 = tpu.assume_multiple %add3A_612, 8 : i32
          %dma_start3A_614 = arith.constant 7 : i32
          %dma_start3A_615 = arith.constant 104 : i32
          %dma_start3A_616 = arith.constant 0 : i32
          %dma_start3A_617 = tpu.memref_slice %arg6[%dma_start3A_614, %dma_start3A_615, %dma_start3A_616] : memref<8x200x64xf32, #tpu.memory_space<vmem>> -> memref<1x96x64xf32, #tpu.memory_space<vmem>>
          %dma_start3A_618 = tpu.memref_squeeze %dma_start3A_617 : memref<1x96x64xf32, #tpu.memory_space<vmem>> -> memref<96x64xf32, #tpu.memory_space<vmem>>
          %dma_start3A_619 = tpu.memref_slice %arg5[%multiple_of3A_613] : memref<12800xi32, #tpu.memory_space<vmem>> -> memref<96xi32, #tpu.memory_space<vmem>>
          %dma_start3A_620 = arith.constant 0 : i32
          %dma_start3A_621 = arith.constant 0 : i32
          %dma_start3A_622 = tpu.memref_slice %arg3[%dma_start3A_620, %dma_start3A_621] : memref<1000000x64xf32, #tpu.memory_space<hbm>> -> memref<1000000x64xf32, #tpu.memory_space<hbm>>
          tpu.enqueue_indirect_dma source(%dma_start3A_622 : memref<1000000x64xf32, #tpu.memory_space<hbm>>) target(%dma_start3A_618 : memref<96x64xf32, #tpu.memory_space<vmem>>) offsets(%dma_start3A_619 : memref<96xi32, #tpu.memory_space<vmem>>) semaphore(%arg15 : memref<!tpu.dma_semaphore, #tpu.memory_space<semaphore_mem>>)
        } else {
        }
        %broadcast_in_dim3A_227 = arith.constant 0.000000e+00 : f32
        %broadcast_in_dim3A_228 = vector.broadcast %broadcast_in_dim3A_227 : f32 to vector<16xf32>
        %scan3A_229 = arith.constant 0 : i32
        %scan3A_230 = arith.constant 25 : i32
        %scan3A_231 = arith.addi %scan3A_229, %scan3A_230 : i32
        %scan3A_232 = arith.constant 1 : i32
        %scan3A_233:8 = scf.for %scan3A_595 = %scan3A_229 to %scan3A_231 step %scan3A_232 iter_args(%scan3A_596 = %broadcast_in_dim3A_228, %scan3A_597 = %broadcast_in_dim3A_228, %scan3A_598 = %broadcast_in_dim3A_228, %scan3A_599 = %broadcast_in_dim3A_228, %scan3A_600 = %broadcast_in_dim3A_228, %scan3A_601 = %broadcast_in_dim3A_228, %scan3A_602 = %broadcast_in_dim3A_228, %scan3A_603 = %broadcast_in_dim3A_228) -> (vector<16xf32>, vector<16xf32>, vector<16xf32>, vector<16xf32>, vector<16xf32>, vector<16xf32>, vector<16xf32>, vector<16xf32>)  : i32 {
          %mul3A_604 = arith.constant 8 : i32
          %mul3A_605 = arith.muli %scan3A_595, %mul3A_604 : i32
          %add3A_606 = arith.constant 0 : i32
          %add3A_607 = arith.addi %mul3A_605, %add3A_606 : i32
          %get3A = arith.constant 1 : i32
          %get3A_608 = arith.index_cast %get3A : i32 to index
          %get3A_609 = arith.index_cast %add3A_607 : i32 to index
          %get3A_610 = arith.constant 0 : index
          %get3A_611 = tpu.vector_load %arg6[%get3A_608, %get3A_609, %get3A_610] {strides = array<i32>} : memref<8x200x64xf32, #tpu.memory_space<vmem>>, vector<1x1x16xf32>,
          %get3A_612 = vector.shape_cast %get3A_611 : vector<1x1x16xf32> to vector<16xf32>
          %add3A_613 = arith.addf %scan3A_596, %get3A_612 : vector<16xf32>
          %get3A_614 = arith.constant 1 : i32
          %get3A_615 = arith.index_cast %get3A_614 : i32 to index
          %get3A_616 = arith.index_cast %add3A_607 : i32 to index
          %get3A_617 = arith.constant 16 : index
          %get3A_618 = tpu.vector_load %arg6[%get3A_615, %get3A_616, %get3A_617] {strides = array<i32>} : memref<8x200x64xf32, #tpu.memory_space<vmem>>, vector<1x1x16xf32>,
          %get3A_619 = vector.shape_cast %get3A_618 : vector<1x1x16xf32> to vector<16xf32>
          %add3A_620 = arith.addf %scan3A_597, %get3A_619 : vector<16xf32>
          %get3A_621 = arith.constant 1 : i32
          %get3A_622 = arith.index_cast %get3A_621 : i32 to index
          %get3A_623 = arith.index_cast %add3A_607 : i32 to index
          %get3A_624 = arith.constant 32 : index
          %get3A_625 = tpu.vector_load %arg6[%get3A_622, %get3A_623, %get3A_624] {strides = array<i32>} : memref<8x200x64xf32, #tpu.memory_space<vmem>>, vector<1x1x16xf32>,
          %get3A_626 = vector.shape_cast %get3A_625 : vector<1x1x16xf32> to vector<16xf32>
          %add3A_627 = arith.addf %scan3A_598, %get3A_626 : vector<16xf32>
          %get3A_628 = arith.constant 1 : i32
          %get3A_629 = arith.index_cast %get3A_628 : i32 to index
          %get3A_630 = arith.index_cast %add3A_607 : i32 to index
          %get3A_631 = arith.constant 48 : index
          %get3A_632 = tpu.vector_load %arg6[%get3A_629, %get3A_630, %get3A_631] {strides = array<i32>} : memref<8x200x64xf32, #tpu.memory_space<vmem>>, vector<1x1x16xf32>,
          %get3A_633 = vector.shape_cast %get3A_632 : vector<1x1x16xf32> to vector<16xf32>
          %add3A_634 = arith.addf %scan3A_599, %get3A_633 : vector<16xf32>
          %mul3A_635 = arith.constant 8 : i32
          %mul3A_636 = arith.muli %scan3A_595, %mul3A_635 : i32
          %add3A_637 = arith.constant 1 : i32
          %add3A_638 = arith.addi %mul3A_636, %add3A_637 : i32
          %get3A_639 = arith.constant 1 : i32
          %get3A_640 = arith.index_cast %get3A_639 : i32 to index
          %get3A_641 = arith.index_cast %add3A_638 : i32 to index
          %get3A_642 = arith.constant 0 : index
          %get3A_643 = tpu.vector_load %arg6[%get3A_640, %get3A_641, %get3A_642] {strides = array<i32>} : memref<8x200x64xf32, #tpu.memory_space<vmem>>, vector<1x1x16xf32>,
          %get3A_644 = vector.shape_cast %get3A_643 : vector<1x1x16xf32> to vector<16xf32>
          %add3A_645 = arith.addf %scan3A_600, %get3A_644 : vector<16xf32>
          %get3A_646 = arith.constant 1 : i32
          %get3A_647 = arith.index_cast %get3A_646 : i32 to index
          %get3A_648 = arith.index_cast %add3A_638 : i32 to index
          %get3A_649 = arith.constant 16 : index
          %get3A_650 = tpu.vector_load %arg6[%get3A_647, %get3A_648, %get3A_649] {strides = array<i32>} : memref<8x200x64xf32, #tpu.memory_space<vmem>>, vector<1x1x16xf32>,
          %get3A_651 = vector.shape_cast %get3A_650 : vector<1x1x16xf32> to vector<16xf32>
          %add3A_652 = arith.addf %scan3A_601, %get3A_651 : vector<16xf32>
          %get3A_653 = arith.constant 1 : i32
          %get3A_654 = arith.index_cast %get3A_653 : i32 to index
          %get3A_655 = arith.index_cast %add3A_638 : i32 to index
          %get3A_656 = arith.constant 32 : index
          %get3A_657 = tpu.vector_load %arg6[%get3A_654, %get3A_655, %get3A_656] {strides = array<i32>} : memref<8x200x64xf32, #tpu.memory_space<vmem>>, vector<1x1x16xf32>,
          %get3A_658 = vector.shape_cast %get3A_657 : vector<1x1x16xf32> to vector<16xf32>
          %add3A_659 = arith.addf %scan3A_602, %get3A_658 : vector<16xf32>
          %get3A_660 = arith.constant 1 : i32
          %get3A_661 = arith.index_cast %get3A_660 : i32 to index
          %get3A_662 = arith.index_cast %add3A_638 : i32 to index
          %get3A_663 = arith.constant 48 : index
          %get3A_664 = tpu.vector_load %arg6[%get3A_661, %get3A_662, %get3A_663] {strides = array<i32>} : memref<8x200x64xf32, #tpu.memory_space<vmem>>, vector<1x1x16xf32>,
          %get3A_665 = vector.shape_cast %get3A_664 : vector<1x1x16xf32> to vector<16xf32>
          %add3A_666 = arith.addf %scan3A_603, %get3A_665 : vector<16xf32>
          %mul3A_667 = arith.constant 8 : i32
          %mul3A_668 = arith.muli %scan3A_595, %mul3A_667 : i32
          %add3A_669 = arith.constant 2 : i32
          %add3A_670 = arith.addi %mul3A_668, %add3A_669 : i32
          %get3A_671 = arith.constant 1 : i32
          %get3A_672 = arith.index_cast %get3A_671 : i32 to index
          %get3A_673 = arith.index_cast %add3A_670 : i32 to index
          %get3A_674 = arith.constant 0 : index
          %get3A_675 = tpu.vector_load %arg6[%get3A_672, %get3A_673, %get3A_674] {strides = array<i32>} : memref<8x200x64xf32, #tpu.memory_space<vmem>>, vector<1x1x16xf32>,
          %get3A_676 = vector.shape_cast %get3A_675 : vector<1x1x16xf32> to vector<16xf32>
          %add3A_677 = arith.addf %add3A_613, %get3A_676 : vector<16xf32>
          %get3A_678 = arith.constant 1 : i32
          %get3A_679 = arith.index_cast %get3A_678 : i32 to index
          %get3A_680 = arith.index_cast %add3A_670 : i32 to index
          %get3A_681 = arith.constant 16 : index
          %get3A_682 = tpu.vector_load %arg6[%get3A_679, %get3A_680, %get3A_681] {strides = array<i32>} : memref<8x200x64xf32, #tpu.memory_space<vmem>>, vector<1x1x16xf32>,
          %get3A_683 = vector.shape_cast %get3A_682 : vector<1x1x16xf32> to vector<16xf32>
          %add3A_684 = arith.addf %add3A_620, %get3A_683 : vector<16xf32>
          %get3A_685 = arith.constant 1 : i32
          %get3A_686 = arith.index_cast %get3A_685 : i32 to index
          %get3A_687 = arith.index_cast %add3A_670 : i32 to index
          %get3A_688 = arith.constant 32 : index
          %get3A_689 = tpu.vector_load %arg6[%get3A_686, %get3A_687, %get3A_688] {strides = array<i32>} : memref<8x200x64xf32, #tpu.memory_space<vmem>>, vector<1x1x16xf32>,
          %get3A_690 = vector.shape_cast %get3A_689 : vector<1x1x16xf32> to vector<16xf32>
          %add3A_691 = arith.addf %add3A_627, %get3A_690 : vector<16xf32>
          %get3A_692 = arith.constant 1 : i32
          %get3A_693 = arith.index_cast %get3A_692 : i32 to index
          %get3A_694 = arith.index_cast %add3A_670 : i32 to index
          %get3A_695 = arith.constant 48 : index
          %get3A_696 = tpu.vector_load %arg6[%get3A_693, %get3A_694, %get3A_695] {strides = array<i32>} : memref<8x200x64xf32, #tpu.memory_space<vmem>>, vector<1x1x16xf32>,
          %get3A_697 = vector.shape_cast %get3A_696 : vector<1x1x16xf32> to vector<16xf32>
          %add3A_698 = arith.addf %add3A_634, %get3A_697 : vector<16xf32>
          %mul3A_699 = arith.constant 8 : i32
          %mul3A_700 = arith.muli %scan3A_595, %mul3A_699 : i32
          %add3A_701 = arith.constant 3 : i32
          %add3A_702 = arith.addi %mul3A_700, %add3A_701 : i32
          %get3A_703 = arith.constant 1 : i32
          %get3A_704 = arith.index_cast %get3A_703 : i32 to index
          %get3A_705 = arith.index_cast %add3A_702 : i32 to index
          %get3A_706 = arith.constant 0 : index
          %get3A_707 = tpu.vector_load %arg6[%get3A_704, %get3A_705, %get3A_706] {strides = array<i32>} : memref<8x200x64xf32, #tpu.memory_space<vmem>>, vector<1x1x16xf32>,
          %get3A_708 = vector.shape_cast %get3A_707 : vector<1x1x16xf32> to vector<16xf32>
          %add3A_709 = arith.addf %add3A_645, %get3A_708 : vector<16xf32>
          %get3A_710 = arith.constant 1 : i32
          %get3A_711 = arith.index_cast %get3A_710 : i32 to index
          %get3A_712 = arith.index_cast %add3A_702 : i32 to index
          %get3A_713 = arith.constant 16 : index
          %get3A_714 = tpu.vector_load %arg6[%get3A_711, %get3A_712, %get3A_713] {strides = array<i32>} : memref<8x200x64xf32, #tpu.memory_space<vmem>>, vector<1x1x16xf32>,
          %get3A_715 = vector.shape_cast %get3A_714 : vector<1x1x16xf32> to vector<16xf32>
          %add3A_716 = arith.addf %add3A_652, %get3A_715 : vector<16xf32>
          %get3A_717 = arith.constant 1 : i32
          %get3A_718 = arith.index_cast %get3A_717 : i32 to index
          %get3A_719 = arith.index_cast %add3A_702 : i32 to index
          %get3A_720 = arith.constant 32 : index
          %get3A_721 = tpu.vector_load %arg6[%get3A_718, %get3A_719, %get3A_720] {strides = array<i32>} : memref<8x200x64xf32, #tpu.memory_space<vmem>>, vector<1x1x16xf32>,
          %get3A_722 = vector.shape_cast %get3A_721 : vector<1x1x16xf32> to vector<16xf32>
          %add3A_723 = arith.addf %add3A_659, %get3A_722 : vector<16xf32>
          %get3A_724 = arith.constant 1 : i32
          %get3A_725 = arith.index_cast %get3A_724 : i32 to index
          %get3A_726 = arith.index_cast %add3A_702 : i32 to index
          %get3A_727 = arith.constant 48 : index
          %get3A_728 = tpu.vector_load %arg6[%get3A_725, %get3A_726, %get3A_727] {strides = array<i32>} : memref<8x200x64xf32, #tpu.memory_space<vmem>>, vector<1x1x16xf32>,
          %get3A_729 = vector.shape_cast %get3A_728 : vector<1x1x16xf32> to vector<16xf32>
          %add3A_730 = arith.addf %add3A_666, %get3A_729 : vector<16xf32>
          %mul3A_731 = arith.constant 8 : i32
          %mul3A_732 = arith.muli %scan3A_595, %mul3A_731 : i32
          %add3A_733 = arith.constant 4 : i32
          %add3A_734 = arith.addi %mul3A_732, %add3A_733 : i32
          %get3A_735 = arith.constant 1 : i32
          %get3A_736 = arith.index_cast %get3A_735 : i32 to index
          %get3A_737 = arith.index_cast %add3A_734 : i32 to index
          %get3A_738 = arith.constant 0 : index
          %get3A_739 = tpu.vector_load %arg6[%get3A_736, %get3A_737, %get3A_738] {strides = array<i32>} : memref<8x200x64xf32, #tpu.memory_space<vmem>>, vector<1x1x16xf32>,
          %get3A_740 = vector.shape_cast %get3A_739 : vector<1x1x16xf32> to vector<16xf32>
          %add3A_741 = arith.addf %add3A_677, %get3A_740 : vector<16xf32>
          %get3A_742 = arith.constant 1 : i32
          %get3A_743 = arith.index_cast %get3A_742 : i32 to index
          %get3A_744 = arith.index_cast %add3A_734 : i32 to index
          %get3A_745 = arith.constant 16 : index
          %get3A_746 = tpu.vector_load %arg6[%get3A_743, %get3A_744, %get3A_745] {strides = array<i32>} : memref<8x200x64xf32, #tpu.memory_space<vmem>>, vector<1x1x16xf32>,
          %get3A_747 = vector.shape_cast %get3A_746 : vector<1x1x16xf32> to vector<16xf32>
          %add3A_748 = arith.addf %add3A_684, %get3A_747 : vector<16xf32>
          %get3A_749 = arith.constant 1 : i32
          %get3A_750 = arith.index_cast %get3A_749 : i32 to index
          %get3A_751 = arith.index_cast %add3A_734 : i32 to index
          %get3A_752 = arith.constant 32 : index
          %get3A_753 = tpu.vector_load %arg6[%get3A_750, %get3A_751, %get3A_752] {strides = array<i32>} : memref<8x200x64xf32, #tpu.memory_space<vmem>>, vector<1x1x16xf32>,
          %get3A_754 = vector.shape_cast %get3A_753 : vector<1x1x16xf32> to vector<16xf32>
          %add3A_755 = arith.addf %add3A_691, %get3A_754 : vector<16xf32>
          %get3A_756 = arith.constant 1 : i32
          %get3A_757 = arith.index_cast %get3A_756 : i32 to index
          %get3A_758 = arith.index_cast %add3A_734 : i32 to index
          %get3A_759 = arith.constant 48 : index
          %get3A_760 = tpu.vector_load %arg6[%get3A_757, %get3A_758, %get3A_759] {strides = array<i32>} : memref<8x200x64xf32, #tpu.memory_space<vmem>>, vector<1x1x16xf32>,
          %get3A_761 = vector.shape_cast %get3A_760 : vector<1x1x16xf32> to vector<16xf32>
          %add3A_762 = arith.addf %add3A_698, %get3A_761 : vector<16xf32>
          %mul3A_763 = arith.constant 8 : i32
          %mul3A_764 = arith.muli %scan3A_595, %mul3A_763 : i32
          %add3A_765 = arith.constant 5 : i32
          %add3A_766 = arith.addi %mul3A_764, %add3A_765 : i32
          %get3A_767 = arith.constant 1 : i32
          %get3A_768 = arith.index_cast %get3A_767 : i32 to index
          %get3A_769 = arith.index_cast %add3A_766 : i32 to index
          %get3A_770 = arith.constant 0 : index
          %get3A_771 = tpu.vector_load %arg6[%get3A_768, %get3A_769, %get3A_770] {strides = array<i32>} : memref<8x200x64xf32, #tpu.memory_space<vmem>>, vector<1x1x16xf32>,
          %get3A_772 = vector.shape_cast %get3A_771 : vector<1x1x16xf32> to vector<16xf32>
          %add3A_773 = arith.addf %add3A_709, %get3A_772 : vector<16xf32>
          %get3A_774 = arith.constant 1 : i32
          %get3A_775 = arith.index_cast %get3A_774 : i32 to index
          %get3A_776 = arith.index_cast %add3A_766 : i32 to index
          %get3A_777 = arith.constant 16 : index
          %get3A_778 = tpu.vector_load %arg6[%get3A_775, %get3A_776, %get3A_777] {strides = array<i32>} : memref<8x200x64xf32, #tpu.memory_space<vmem>>, vector<1x1x16xf32>,
          %get3A_779 = vector.shape_cast %get3A_778 : vector<1x1x16xf32> to vector<16xf32>
          %add3A_780 = arith.addf %add3A_716, %get3A_779 : vector<16xf32>
          %get3A_781 = arith.constant 1 : i32
          %get3A_782 = arith.index_cast %get3A_781 : i32 to index
          %get3A_783 = arith.index_cast %add3A_766 : i32 to index
          %get3A_784 = arith.constant 32 : index
          %get3A_785 = tpu.vector_load %arg6[%get3A_782, %get3A_783, %get3A_784] {strides = array<i32>} : memref<8x200x64xf32, #tpu.memory_space<vmem>>, vector<1x1x16xf32>,
          %get3A_786 = vector.shape_cast %get3A_785 : vector<1x1x16xf32> to vector<16xf32>
          %add3A_787 = arith.addf %add3A_723, %get3A_786 : vector<16xf32>
          %get3A_788 = arith.constant 1 : i32
          %get3A_789 = arith.index_cast %get3A_788 : i32 to index
          %get3A_790 = arith.index_cast %add3A_766 : i32 to index
          %get3A_791 = arith.constant 48 : index
          %get3A_792 = tpu.vector_load %arg6[%get3A_789, %get3A_790, %get3A_791] {strides = array<i32>} : memref<8x200x64xf32, #tpu.memory_space<vmem>>, vector<1x1x16xf32>,
          %get3A_793 = vector.shape_cast %get3A_792 : vector<1x1x16xf32> to vector<16xf32>
          %add3A_794 = arith.addf %add3A_730, %get3A_793 : vector<16xf32>
          %mul3A_795 = arith.constant 8 : i32
          %mul3A_796 = arith.muli %scan3A_595, %mul3A_795 : i32
          %add3A_797 = arith.constant 6 : i32
          %add3A_798 = arith.addi %mul3A_796, %add3A_797 : i32
          %get3A_799 = arith.constant 1 : i32
          %get3A_800 = arith.index_cast %get3A_799 : i32 to index
          %get3A_801 = arith.index_cast %add3A_798 : i32 to index
          %get3A_802 = arith.constant 0 : index
          %get3A_803 = tpu.vector_load %arg6[%get3A_800, %get3A_801, %get3A_802] {strides = array<i32>} : memref<8x200x64xf32, #tpu.memory_space<vmem>>, vector<1x1x16xf32>,
          %get3A_804 = vector.shape_cast %get3A_803 : vector<1x1x16xf32> to vector<16xf32>
          %add3A_805 = arith.addf %add3A_741, %get3A_804 : vector<16xf32>
          %get3A_806 = arith.constant 1 : i32
          %get3A_807 = arith.index_cast %get3A_806 : i32 to index
          %get3A_808 = arith.index_cast %add3A_798 : i32 to index
          %get3A_809 = arith.constant 16 : index
          %get3A_810 = tpu.vector_load %arg6[%get3A_807, %get3A_808, %get3A_809] {strides = array<i32>} : memref<8x200x64xf32, #tpu.memory_space<vmem>>, vector<1x1x16xf32>,
          %get3A_811 = vector.shape_cast %get3A_810 : vector<1x1x16xf32> to vector<16xf32>
          %add3A_812 = arith.addf %add3A_748, %get3A_811 : vector<16xf32>
          %get3A_813 = arith.constant 1 : i32
          %get3A_814 = arith.index_cast %get3A_813 : i32 to index
          %get3A_815 = arith.index_cast %add3A_798 : i32 to index
          %get3A_816 = arith.constant 32 : index
          %get3A_817 = tpu.vector_load %arg6[%get3A_814, %get3A_815, %get3A_816] {strides = array<i32>} : memref<8x200x64xf32, #tpu.memory_space<vmem>>, vector<1x1x16xf32>,
          %get3A_818 = vector.shape_cast %get3A_817 : vector<1x1x16xf32> to vector<16xf32>
          %add3A_819 = arith.addf %add3A_755, %get3A_818 : vector<16xf32>
          %get3A_820 = arith.constant 1 : i32
          %get3A_821 = arith.index_cast %get3A_820 : i32 to index
          %get3A_822 = arith.index_cast %add3A_798 : i32 to index
          %get3A_823 = arith.constant 48 : index
          %get3A_824 = tpu.vector_load %arg6[%get3A_821, %get3A_822, %get3A_823] {strides = array<i32>} : memref<8x200x64xf32, #tpu.memory_space<vmem>>, vector<1x1x16xf32>,
          %get3A_825 = vector.shape_cast %get3A_824 : vector<1x1x16xf32> to vector<16xf32>
          %add3A_826 = arith.addf %add3A_762, %get3A_825 : vector<16xf32>
          %mul3A_827 = arith.constant 8 : i32
          %mul3A_828 = arith.muli %scan3A_595, %mul3A_827 : i32
          %add3A_829 = arith.constant 7 : i32
          %add3A_830 = arith.addi %mul3A_828, %add3A_829 : i32
          %get3A_831 = arith.constant 1 : i32
          %get3A_832 = arith.index_cast %get3A_831 : i32 to index
          %get3A_833 = arith.index_cast %add3A_830 : i32 to index
          %get3A_834 = arith.constant 0 : index
          %get3A_835 = tpu.vector_load %arg6[%get3A_832, %get3A_833, %get3A_834] {strides = array<i32>} : memref<8x200x64xf32, #tpu.memory_space<vmem>>, vector<1x1x16xf32>,
          %get3A_836 = vector.shape_cast %get3A_835 : vector<1x1x16xf32> to vector<16xf32>
          %add3A_837 = arith.addf %add3A_773, %get3A_836 : vector<16xf32>
          %get3A_838 = arith.constant 1 : i32
          %get3A_839 = arith.index_cast %get3A_838 : i32 to index
          %get3A_840 = arith.index_cast %add3A_830 : i32 to index
          %get3A_841 = arith.constant 16 : index
          %get3A_842 = tpu.vector_load %arg6[%get3A_839, %get3A_840, %get3A_841] {strides = array<i32>} : memref<8x200x64xf32, #tpu.memory_space<vmem>>, vector<1x1x16xf32>,
          %get3A_843 = vector.shape_cast %get3A_842 : vector<1x1x16xf32> to vector<16xf32>
          %add3A_844 = arith.addf %add3A_780, %get3A_843 : vector<16xf32>
          %get3A_845 = arith.constant 1 : i32
          %get3A_846 = arith.index_cast %get3A_845 : i32 to index
          %get3A_847 = arith.index_cast %add3A_830 : i32 to index
          %get3A_848 = arith.constant 32 : index
          %get3A_849 = tpu.vector_load %arg6[%get3A_846, %get3A_847, %get3A_848] {strides = array<i32>} : memref<8x200x64xf32, #tpu.memory_space<vmem>>, vector<1x1x16xf32>,
          %get3A_850 = vector.shape_cast %get3A_849 : vector<1x1x16xf32> to vector<16xf32>
          %add3A_851 = arith.addf %add3A_787, %get3A_850 : vector<16xf32>
          %get3A_852 = arith.constant 1 : i32
          %get3A_853 = arith.index_cast %get3A_852 : i32 to index
          %get3A_854 = arith.index_cast %add3A_830 : i32 to index
          %get3A_855 = arith.constant 48 : index
          %get3A_856 = tpu.vector_load %arg6[%get3A_853, %get3A_854, %get3A_855] {strides = array<i32>} : memref<8x200x64xf32, #tpu.memory_space<vmem>>, vector<1x1x16xf32>,
          %get3A_857 = vector.shape_cast %get3A_856 : vector<1x1x16xf32> to vector<16xf32>
          %add3A_858 = arith.addf %add3A_794, %get3A_857 : vector<16xf32>
          scf.yield %add3A_805, %add3A_812, %add3A_819, %add3A_826, %add3A_837, %add3A_844, %add3A_851, %add3A_858 : vector<16xf32>, vector<16xf32>, vector<16xf32>, vector<16xf32>, vector<16xf32>, vector<16xf32>, vector<16xf32>, vector<16xf32>
        }
        %scan3A_234 = arith.constant 25 : i32
        %add3A_235 = arith.addf %scan3A_233#0, %scan3A_233#4 : vector<16xf32>
        %swap3A_236 = arith.index_cast %add3A_204 : i32 to index
        %swap3A_237 = arith.constant 0 : index
        %swap3A_238 = tpu.vector_load %arg7[%swap3A_236, %swap3A_237] {strides = array<i32>} : memref<64x64xf32, #tpu.memory_space<vmem>>, vector<1x16xf32>,
        %swap3A_239 = vector.shape_cast %swap3A_238 : vector<1x16xf32> to vector<16xf32>
        %swap3A_240 = vector.shape_cast %add3A_235 : vector<16xf32> to vector<1x16xf32>
        tpu.vector_store %arg7[%swap3A_236, %swap3A_237], %swap3A_240 {strides = array<i32>} : memref<64x64xf32, #tpu.memory_space<vmem>>, vector<1x16xf32>,
        %add3A_241 = arith.addf %scan3A_233#1, %scan3A_233#5 : vector<16xf32>
        %swap3A_242 = arith.index_cast %add3A_204 : i32 to index
        %swap3A_243 = arith.constant 16 : index
        %swap3A_244 = tpu.vector_load %arg7[%swap3A_242, %swap3A_243] {strides = array<i32>} : memref<64x64xf32, #tpu.memory_space<vmem>>, vector<1x16xf32>,
        %swap3A_245 = vector.shape_cast %swap3A_244 : vector<1x16xf32> to vector<16xf32>
        %swap3A_246 = vector.shape_cast %add3A_241 : vector<16xf32> to vector<1x16xf32>
        tpu.vector_store %arg7[%swap3A_242, %swap3A_243], %swap3A_246 {strides = array<i32>} : memref<64x64xf32, #tpu.memory_space<vmem>>, vector<1x16xf32>,
        %add3A_247 = arith.addf %scan3A_233#2, %scan3A_233#6 : vector<16xf32>
        %swap3A_248 = arith.index_cast %add3A_204 : i32 to index
        %swap3A_249 = arith.constant 32 : index
        %swap3A_250 = tpu.vector_load %arg7[%swap3A_248, %swap3A_249] {strides = array<i32>} : memref<64x64xf32, #tpu.memory_space<vmem>>, vector<1x16xf32>,
        %swap3A_251 = vector.shape_cast %swap3A_250 : vector<1x16xf32> to vector<16xf32>
        %swap3A_252 = vector.shape_cast %add3A_247 : vector<16xf32> to vector<1x16xf32>
        tpu.vector_store %arg7[%swap3A_248, %swap3A_249], %swap3A_252 {strides = array<i32>} : memref<64x64xf32, #tpu.memory_space<vmem>>, vector<1x16xf32>,
        %add3A_253 = arith.addf %scan3A_233#3, %scan3A_233#7 : vector<16xf32>
        %swap3A_254 = arith.index_cast %add3A_204 : i32 to index
        %swap3A_255 = arith.constant 48 : index
        %swap3A_256 = tpu.vector_load %arg7[%swap3A_254, %swap3A_255] {strides = array<i32>} : memref<64x64xf32, #tpu.memory_space<vmem>>, vector<1x16xf32>,
        %swap3A_257 = vector.shape_cast %swap3A_256 : vector<1x16xf32> to vector<16xf32>
        %swap3A_258 = vector.shape_cast %add3A_253 : vector<16xf32> to vector<1x16xf32>
        tpu.vector_store %arg7[%swap3A_254, %swap3A_255], %swap3A_258 {strides = array<i32>} : memref<64x64xf32, #tpu.memory_space<vmem>>, vector<1x16xf32>,
        %add3A_259 = arith.constant 2 : i32
        %add3A_260 = arith.addi %mul3A_152, %add3A_259 : i32
        %dma_wait3A_261 = arith.constant 2 : i32
        %dma_wait3A_262 = arith.constant 0 : i32
        %dma_wait3A_263 = arith.constant 0 : i32
        %dma_wait3A_264 = tpu.memref_slice %arg6[%dma_wait3A_261, %dma_wait3A_262, %dma_wait3A_263] : memref<8x200x64xf32, #tpu.memory_space<vmem>> -> memref<1x200x64xf32, #tpu.memory_space<vmem>>
        %dma_wait3A_265 = tpu.memref_squeeze %dma_wait3A_264 : memref<1x200x64xf32, #tpu.memory_space<vmem>> -> memref<200x64xf32, #tpu.memory_space<vmem>>
        %dma_wait3A_266 = arith.constant 0 : i32
        %dma_wait3A_267 = arith.constant 0 : i32
        %dma_wait3A_268 = tpu.memref_slice %arg3[%dma_wait3A_266, %dma_wait3A_267] : memref<1000000x64xf32, #tpu.memory_space<hbm>> -> memref<200x64xf32, #tpu.memory_space<hbm>>
        %dma_wait3A_269 = arith.constant 0 : i32
        %dma_wait3A_270 = arith.constant 0 : i32
        %dma_wait3A_271 = tpu.memref_slice %arg6[%dma_wait3A_261, %dma_wait3A_269, %dma_wait3A_270] : memref<8x200x64xf32, #tpu.memory_space<vmem>> -> memref<1x200x64xf32, #tpu.memory_space<vmem>>
        %dma_wait3A_272 = tpu.memref_squeeze %dma_wait3A_271 : memref<1x200x64xf32, #tpu.memory_space<vmem>> -> memref<200x64xf32, #tpu.memory_space<vmem>>
        %dma_wait3A_273 = arith.constant 0 : i32
        %dma_wait3A_274 = arith.constant 0 : i32
        %dma_wait3A_275 = tpu.memref_slice %arg3[%dma_wait3A_273, %dma_wait3A_274] : memref<1000000x64xf32, #tpu.memory_space<hbm>> -> memref<200x64xf32, #tpu.memory_space<hbm>>
        tpu.wait_dma2 semaphore(%arg10 : memref<!tpu.dma_semaphore, #tpu.memory_space<semaphore_mem>>) src(%dma_wait3A_275 : memref<200x64xf32, #tpu.memory_space<hbm>>) dst(%dma_wait3A_272 : memref<200x64xf32, #tpu.memory_space<vmem>>)
        %add3A_276 = arith.constant 6 : i32
        %add3A_277 = arith.addi %add3A_260, %add3A_276 : i32
        %lt3A_278 = arith.constant 64 : i32
        %lt3A_279 = arith.cmpi slt, %add3A_277, %lt3A_278 : i32
        %convert_element_type3A_280 = arith.extui %lt3A_279 : i1 to i32
        %cond3A_281 = arith.constant 0 : i32
        %cond3A_282 = arith.cmpi ne, %convert_element_type3A_280, %cond3A_281 : i32
        scf.if %cond3A_282 {
          %add3A_595 = arith.constant 6 : i32
          %add3A_596 = arith.addi %add3A_260, %add3A_595 : i32
          %mul3A_597 = arith.constant 200 : i32
          %mul3A_598 = arith.muli %add3A_596, %mul3A_597 : i32
          %multiple_of3A_599 = tpu.assume_multiple %mul3A_598, 8 : i32
          %dma_start3A_600 = arith.constant 0 : i32
          %dma_start3A_601 = arith.constant 0 : i32
          %dma_start3A_602 = arith.constant 0 : i32
          %dma_start3A_603 = tpu.memref_slice %arg6[%dma_start3A_600, %dma_start3A_601, %dma_start3A_602] : memref<8x200x64xf32, #tpu.memory_space<vmem>> -> memref<1x104x64xf32, #tpu.memory_space<vmem>>
          %dma_start3A_604 = tpu.memref_squeeze %dma_start3A_603 : memref<1x104x64xf32, #tpu.memory_space<vmem>> -> memref<104x64xf32, #tpu.memory_space<vmem>>
          %dma_start3A_605 = tpu.memref_slice %arg5[%multiple_of3A_599] : memref<12800xi32, #tpu.memory_space<vmem>> -> memref<104xi32, #tpu.memory_space<vmem>>
          %dma_start3A_606 = arith.constant 0 : i32
          %dma_start3A_607 = arith.constant 0 : i32
          %dma_start3A_608 = tpu.memref_slice %arg3[%dma_start3A_606, %dma_start3A_607] : memref<1000000x64xf32, #tpu.memory_space<hbm>> -> memref<1000000x64xf32, #tpu.memory_space<hbm>>
          tpu.enqueue_indirect_dma source(%dma_start3A_608 : memref<1000000x64xf32, #tpu.memory_space<hbm>>) target(%dma_start3A_604 : memref<104x64xf32, #tpu.memory_space<vmem>>) offsets(%dma_start3A_605 : memref<104xi32, #tpu.memory_space<vmem>>) semaphore(%arg8 : memref<!tpu.dma_semaphore, #tpu.memory_space<semaphore_mem>>)
          %mul3A_609 = arith.constant 200 : i32
          %mul3A_610 = arith.muli %add3A_596, %mul3A_609 : i32
          %add3A_611 = arith.constant 104 : i32
          %add3A_612 = arith.addi %mul3A_610, %add3A_611 : i32
          %multiple_of3A_613 = tpu.assume_multiple %add3A_612, 8 : i32
          %dma_start3A_614 = arith.constant 0 : i32
          %dma_start3A_615 = arith.constant 104 : i32
          %dma_start3A_616 = arith.constant 0 : i32
          %dma_start3A_617 = tpu.memref_slice %arg6[%dma_start3A_614, %dma_start3A_615, %dma_start3A_616] : memref<8x200x64xf32, #tpu.memory_space<vmem>> -> memref<1x96x64xf32, #tpu.memory_space<vmem>>
          %dma_start3A_618 = tpu.memref_squeeze %dma_start3A_617 : memref<1x96x64xf32, #tpu.memory_space<vmem>> -> memref<96x64xf32, #tpu.memory_space<vmem>>
          %dma_start3A_619 = tpu.memref_slice %arg5[%multiple_of3A_613] : memref<12800xi32, #tpu.memory_space<vmem>> -> memref<96xi32, #tpu.memory_space<vmem>>
          %dma_start3A_620 = arith.constant 0 : i32
          %dma_start3A_621 = arith.constant 0 : i32
          %dma_start3A_622 = tpu.memref_slice %arg3[%dma_start3A_620, %dma_start3A_621] : memref<1000000x64xf32, #tpu.memory_space<hbm>> -> memref<1000000x64xf32, #tpu.memory_space<hbm>>
          tpu.enqueue_indirect_dma source(%dma_start3A_622 : memref<1000000x64xf32, #tpu.memory_space<hbm>>) target(%dma_start3A_618 : memref<96x64xf32, #tpu.memory_space<vmem>>) offsets(%dma_start3A_619 : memref<96xi32, #tpu.memory_space<vmem>>) semaphore(%arg8 : memref<!tpu.dma_semaphore, #tpu.memory_space<semaphore_mem>>)
        } else {
        }
        %broadcast_in_dim3A_283 = arith.constant 0.000000e+00 : f32
        %broadcast_in_dim3A_284 = vector.broadcast %broadcast_in_dim3A_283 : f32 to vector<16xf32>
        %scan3A_285 = arith.constant 0 : i32
        %scan3A_286 = arith.constant 25 : i32
        %scan3A_287 = arith.addi %scan3A_285, %scan3A_286 : i32
        %scan3A_288 = arith.constant 1 : i32
        %scan3A_289:8 = scf.for %scan3A_595 = %scan3A_285 to %scan3A_287 step %scan3A_288 iter_args(%scan3A_596 = %broadcast_in_dim3A_284, %scan3A_597 = %broadcast_in_dim3A_284, %scan3A_598 = %broadcast_in_dim3A_284, %scan3A_599 = %broadcast_in_dim3A_284, %scan3A_600 = %broadcast_in_dim3A_284, %scan3A_601 = %broadcast_in_dim3A_284, %scan3A_602 = %broadcast_in_dim3A_284, %scan3A_603 = %broadcast_in_dim3A_284) -> (vector<16xf32>, vector<16xf32>, vector<16xf32>, vector<16xf32>, vector<16xf32>, vector<16xf32>, vector<16xf32>, vector<16xf32>)  : i32 {
          %mul3A_604 = arith.constant 8 : i32
          %mul3A_605 = arith.muli %scan3A_595, %mul3A_604 : i32
          %add3A_606 = arith.constant 0 : i32
          %add3A_607 = arith.addi %mul3A_605, %add3A_606 : i32
          %get3A = arith.constant 2 : i32
          %get3A_608 = arith.index_cast %get3A : i32 to index
          %get3A_609 = arith.index_cast %add3A_607 : i32 to index
          %get3A_610 = arith.constant 0 : index
          %get3A_611 = tpu.vector_load %arg6[%get3A_608, %get3A_609, %get3A_610] {strides = array<i32>} : memref<8x200x64xf32, #tpu.memory_space<vmem>>, vector<1x1x16xf32>,
          %get3A_612 = vector.shape_cast %get3A_611 : vector<1x1x16xf32> to vector<16xf32>
          %add3A_613 = arith.addf %scan3A_596, %get3A_612 : vector<16xf32>
          %get3A_614 = arith.constant 2 : i32
          %get3A_615 = arith.index_cast %get3A_614 : i32 to index
          %get3A_616 = arith.index_cast %add3A_607 : i32 to index
          %get3A_617 = arith.constant 16 : index
          %get3A_618 = tpu.vector_load %arg6[%get3A_615, %get3A_616, %get3A_617] {strides = array<i32>} : memref<8x200x64xf32, #tpu.memory_space<vmem>>, vector<1x1x16xf32>,
          %get3A_619 = vector.shape_cast %get3A_618 : vector<1x1x16xf32> to vector<16xf32>
          %add3A_620 = arith.addf %scan3A_597, %get3A_619 : vector<16xf32>
          %get3A_621 = arith.constant 2 : i32
          %get3A_622 = arith.index_cast %get3A_621 : i32 to index
          %get3A_623 = arith.index_cast %add3A_607 : i32 to index
          %get3A_624 = arith.constant 32 : index
          %get3A_625 = tpu.vector_load %arg6[%get3A_622, %get3A_623, %get3A_624] {strides = array<i32>} : memref<8x200x64xf32, #tpu.memory_space<vmem>>, vector<1x1x16xf32>,
          %get3A_626 = vector.shape_cast %get3A_625 : vector<1x1x16xf32> to vector<16xf32>
          %add3A_627 = arith.addf %scan3A_598, %get3A_626 : vector<16xf32>
          %get3A_628 = arith.constant 2 : i32
          %get3A_629 = arith.index_cast %get3A_628 : i32 to index
          %get3A_630 = arith.index_cast %add3A_607 : i32 to index
          %get3A_631 = arith.constant 48 : index
          %get3A_632 = tpu.vector_load %arg6[%get3A_629, %get3A_630, %get3A_631] {strides = array<i32>} : memref<8x200x64xf32, #tpu.memory_space<vmem>>, vector<1x1x16xf32>,
          %get3A_633 = vector.shape_cast %get3A_632 : vector<1x1x16xf32> to vector<16xf32>
          %add3A_634 = arith.addf %scan3A_599, %get3A_633 : vector<16xf32>
          %mul3A_635 = arith.constant 8 : i32
          %mul3A_636 = arith.muli %scan3A_595, %mul3A_635 : i32
          %add3A_637 = arith.constant 1 : i32
          %add3A_638 = arith.addi %mul3A_636, %add3A_637 : i32
          %get3A_639 = arith.constant 2 : i32
          %get3A_640 = arith.index_cast %get3A_639 : i32 to index
          %get3A_641 = arith.index_cast %add3A_638 : i32 to index
          %get3A_642 = arith.constant 0 : index
          %get3A_643 = tpu.vector_load %arg6[%get3A_640, %get3A_641, %get3A_642] {strides = array<i32>} : memref<8x200x64xf32, #tpu.memory_space<vmem>>, vector<1x1x16xf32>,
          %get3A_644 = vector.shape_cast %get3A_643 : vector<1x1x16xf32> to vector<16xf32>
          %add3A_645 = arith.addf %scan3A_600, %get3A_644 : vector<16xf32>
          %get3A_646 = arith.constant 2 : i32
          %get3A_647 = arith.index_cast %get3A_646 : i32 to index
          %get3A_648 = arith.index_cast %add3A_638 : i32 to index
          %get3A_649 = arith.constant 16 : index
          %get3A_650 = tpu.vector_load %arg6[%get3A_647, %get3A_648, %get3A_649] {strides = array<i32>} : memref<8x200x64xf32, #tpu.memory_space<vmem>>, vector<1x1x16xf32>,
          %get3A_651 = vector.shape_cast %get3A_650 : vector<1x1x16xf32> to vector<16xf32>
          %add3A_652 = arith.addf %scan3A_601, %get3A_651 : vector<16xf32>
          %get3A_653 = arith.constant 2 : i32
          %get3A_654 = arith.index_cast %get3A_653 : i32 to index
          %get3A_655 = arith.index_cast %add3A_638 : i32 to index
          %get3A_656 = arith.constant 32 : index
          %get3A_657 = tpu.vector_load %arg6[%get3A_654, %get3A_655, %get3A_656] {strides = array<i32>} : memref<8x200x64xf32, #tpu.memory_space<vmem>>, vector<1x1x16xf32>,
          %get3A_658 = vector.shape_cast %get3A_657 : vector<1x1x16xf32> to vector<16xf32>
          %add3A_659 = arith.addf %scan3A_602, %get3A_658 : vector<16xf32>
          %get3A_660 = arith.constant 2 : i32
          %get3A_661 = arith.index_cast %get3A_660 : i32 to index
          %get3A_662 = arith.index_cast %add3A_638 : i32 to index
          %get3A_663 = arith.constant 48 : index
          %get3A_664 = tpu.vector_load %arg6[%get3A_661, %get3A_662, %get3A_663] {strides = array<i32>} : memref<8x200x64xf32, #tpu.memory_space<vmem>>, vector<1x1x16xf32>,
          %get3A_665 = vector.shape_cast %get3A_664 : vector<1x1x16xf32> to vector<16xf32>
          %add3A_666 = arith.addf %scan3A_603, %get3A_665 : vector<16xf32>
          %mul3A_667 = arith.constant 8 : i32
          %mul3A_668 = arith.muli %scan3A_595, %mul3A_667 : i32
          %add3A_669 = arith.constant 2 : i32
          %add3A_670 = arith.addi %mul3A_668, %add3A_669 : i32
          %get3A_671 = arith.constant 2 : i32
          %get3A_672 = arith.index_cast %get3A_671 : i32 to index
          %get3A_673 = arith.index_cast %add3A_670 : i32 to index
          %get3A_674 = arith.constant 0 : index
          %get3A_675 = tpu.vector_load %arg6[%get3A_672, %get3A_673, %get3A_674] {strides = array<i32>} : memref<8x200x64xf32, #tpu.memory_space<vmem>>, vector<1x1x16xf32>,
          %get3A_676 = vector.shape_cast %get3A_675 : vector<1x1x16xf32> to vector<16xf32>
          %add3A_677 = arith.addf %add3A_613, %get3A_676 : vector<16xf32>
          %get3A_678 = arith.constant 2 : i32
          %get3A_679 = arith.index_cast %get3A_678 : i32 to index
          %get3A_680 = arith.index_cast %add3A_670 : i32 to index
          %get3A_681 = arith.constant 16 : index
          %get3A_682 = tpu.vector_load %arg6[%get3A_679, %get3A_680, %get3A_681] {strides = array<i32>} : memref<8x200x64xf32, #tpu.memory_space<vmem>>, vector<1x1x16xf32>,
          %get3A_683 = vector.shape_cast %get3A_682 : vector<1x1x16xf32> to vector<16xf32>
          %add3A_684 = arith.addf %add3A_620, %get3A_683 : vector<16xf32>
          %get3A_685 = arith.constant 2 : i32
          %get3A_686 = arith.index_cast %get3A_685 : i32 to index
          %get3A_687 = arith.index_cast %add3A_670 : i32 to index
          %get3A_688 = arith.constant 32 : index
          %get3A_689 = tpu.vector_load %arg6[%get3A_686, %get3A_687, %get3A_688] {strides = array<i32>} : memref<8x200x64xf32, #tpu.memory_space<vmem>>, vector<1x1x16xf32>,
          %get3A_690 = vector.shape_cast %get3A_689 : vector<1x1x16xf32> to vector<16xf32>
          %add3A_691 = arith.addf %add3A_627, %get3A_690 : vector<16xf32>
          %get3A_692 = arith.constant 2 : i32
          %get3A_693 = arith.index_cast %get3A_692 : i32 to index
          %get3A_694 = arith.index_cast %add3A_670 : i32 to index
          %get3A_695 = arith.constant 48 : index
          %get3A_696 = tpu.vector_load %arg6[%get3A_693, %get3A_694, %get3A_695] {strides = array<i32>} : memref<8x200x64xf32, #tpu.memory_space<vmem>>, vector<1x1x16xf32>,
          %get3A_697 = vector.shape_cast %get3A_696 : vector<1x1x16xf32> to vector<16xf32>
          %add3A_698 = arith.addf %add3A_634, %get3A_697 : vector<16xf32>
          %mul3A_699 = arith.constant 8 : i32
          %mul3A_700 = arith.muli %scan3A_595, %mul3A_699 : i32
          %add3A_701 = arith.constant 3 : i32
          %add3A_702 = arith.addi %mul3A_700, %add3A_701 : i32
          %get3A_703 = arith.constant 2 : i32
          %get3A_704 = arith.index_cast %get3A_703 : i32 to index
          %get3A_705 = arith.index_cast %add3A_702 : i32 to index
          %get3A_706 = arith.constant 0 : index
          %get3A_707 = tpu.vector_load %arg6[%get3A_704, %get3A_705, %get3A_706] {strides = array<i32>} : memref<8x200x64xf32, #tpu.memory_space<vmem>>, vector<1x1x16xf32>,
          %get3A_708 = vector.shape_cast %get3A_707 : vector<1x1x16xf32> to vector<16xf32>
          %add3A_709 = arith.addf %add3A_645, %get3A_708 : vector<16xf32>
          %get3A_710 = arith.constant 2 : i32
          %get3A_711 = arith.index_cast %get3A_710 : i32 to index
          %get3A_712 = arith.index_cast %add3A_702 : i32 to index
          %get3A_713 = arith.constant 16 : index
          %get3A_714 = tpu.vector_load %arg6[%get3A_711, %get3A_712, %get3A_713] {strides = array<i32>} : memref<8x200x64xf32, #tpu.memory_space<vmem>>, vector<1x1x16xf32>,
          %get3A_715 = vector.shape_cast %get3A_714 : vector<1x1x16xf32> to vector<16xf32>
          %add3A_716 = arith.addf %add3A_652, %get3A_715 : vector<16xf32>
          %get3A_717 = arith.constant 2 : i32
          %get3A_718 = arith.index_cast %get3A_717 : i32 to index
          %get3A_719 = arith.index_cast %add3A_702 : i32 to index
          %get3A_720 = arith.constant 32 : index
          %get3A_721 = tpu.vector_load %arg6[%get3A_718, %get3A_719, %get3A_720] {strides = array<i32>} : memref<8x200x64xf32, #tpu.memory_space<vmem>>, vector<1x1x16xf32>,
          %get3A_722 = vector.shape_cast %get3A_721 : vector<1x1x16xf32> to vector<16xf32>
          %add3A_723 = arith.addf %add3A_659, %get3A_722 : vector<16xf32>
          %get3A_724 = arith.constant 2 : i32
          %get3A_725 = arith.index_cast %get3A_724 : i32 to index
          %get3A_726 = arith.index_cast %add3A_702 : i32 to index
          %get3A_727 = arith.constant 48 : index
          %get3A_728 = tpu.vector_load %arg6[%get3A_725, %get3A_726, %get3A_727] {strides = array<i32>} : memref<8x200x64xf32, #tpu.memory_space<vmem>>, vector<1x1x16xf32>,
          %get3A_729 = vector.shape_cast %get3A_728 : vector<1x1x16xf32> to vector<16xf32>
          %add3A_730 = arith.addf %add3A_666, %get3A_729 : vector<16xf32>
          %mul3A_731 = arith.constant 8 : i32
          %mul3A_732 = arith.muli %scan3A_595, %mul3A_731 : i32
          %add3A_733 = arith.constant 4 : i32
          %add3A_734 = arith.addi %mul3A_732, %add3A_733 : i32
          %get3A_735 = arith.constant 2 : i32
          %get3A_736 = arith.index_cast %get3A_735 : i32 to index
          %get3A_737 = arith.index_cast %add3A_734 : i32 to index
          %get3A_738 = arith.constant 0 : index
          %get3A_739 = tpu.vector_load %arg6[%get3A_736, %get3A_737, %get3A_738] {strides = array<i32>} : memref<8x200x64xf32, #tpu.memory_space<vmem>>, vector<1x1x16xf32>,
          %get3A_740 = vector.shape_cast %get3A_739 : vector<1x1x16xf32> to vector<16xf32>
          %add3A_741 = arith.addf %add3A_677, %get3A_740 : vector<16xf32>
          %get3A_742 = arith.constant 2 : i32
          %get3A_743 = arith.index_cast %get3A_742 : i32 to index
          %get3A_744 = arith.index_cast %add3A_734 : i32 to index
          %get3A_745 = arith.constant 16 : index
          %get3A_746 = tpu.vector_load %arg6[%get3A_743, %get3A_744, %get3A_745] {strides = array<i32>} : memref<8x200x64xf32, #tpu.memory_space<vmem>>, vector<1x1x16xf32>,
          %get3A_747 = vector.shape_cast %get3A_746 : vector<1x1x16xf32> to vector<16xf32>
          %add3A_748 = arith.addf %add3A_684, %get3A_747 : vector<16xf32>
          %get3A_749 = arith.constant 2 : i32
          %get3A_750 = arith.index_cast %get3A_749 : i32 to index
          %get3A_751 = arith.index_cast %add3A_734 : i32 to index
          %get3A_752 = arith.constant 32 : index
          %get3A_753 = tpu.vector_load %arg6[%get3A_750, %get3A_751, %get3A_752] {strides = array<i32>} : memref<8x200x64xf32, #tpu.memory_space<vmem>>, vector<1x1x16xf32>,
          %get3A_754 = vector.shape_cast %get3A_753 : vector<1x1x16xf32> to vector<16xf32>
          %add3A_755 = arith.addf %add3A_691, %get3A_754 : vector<16xf32>
          %get3A_756 = arith.constant 2 : i32
          %get3A_757 = arith.index_cast %get3A_756 : i32 to index
          %get3A_758 = arith.index_cast %add3A_734 : i32 to index
          %get3A_759 = arith.constant 48 : index
          %get3A_760 = tpu.vector_load %arg6[%get3A_757, %get3A_758, %get3A_759] {strides = array<i32>} : memref<8x200x64xf32, #tpu.memory_space<vmem>>, vector<1x1x16xf32>,
          %get3A_761 = vector.shape_cast %get3A_760 : vector<1x1x16xf32> to vector<16xf32>
          %add3A_762 = arith.addf %add3A_698, %get3A_761 : vector<16xf32>
          %mul3A_763 = arith.constant 8 : i32
          %mul3A_764 = arith.muli %scan3A_595, %mul3A_763 : i32
          %add3A_765 = arith.constant 5 : i32
          %add3A_766 = arith.addi %mul3A_764, %add3A_765 : i32
          %get3A_767 = arith.constant 2 : i32
          %get3A_768 = arith.index_cast %get3A_767 : i32 to index
          %get3A_769 = arith.index_cast %add3A_766 : i32 to index
          %get3A_770 = arith.constant 0 : index
          %get3A_771 = tpu.vector_load %arg6[%get3A_768, %get3A_769, %get3A_770] {strides = array<i32>} : memref<8x200x64xf32, #tpu.memory_space<vmem>>, vector<1x1x16xf32>,
          %get3A_772 = vector.shape_cast %get3A_771 : vector<1x1x16xf32> to vector<16xf32>
          %add3A_773 = arith.addf %add3A_709, %get3A_772 : vector<16xf32>
          %get3A_774 = arith.constant 2 : i32
          %get3A_775 = arith.index_cast %get3A_774 : i32 to index
          %get3A_776 = arith.index_cast %add3A_766 : i32 to index
          %get3A_777 = arith.constant 16 : index
          %get3A_778 = tpu.vector_load %arg6[%get3A_775, %get3A_776, %get3A_777] {strides = array<i32>} : memref<8x200x64xf32, #tpu.memory_space<vmem>>, vector<1x1x16xf32>,
          %get3A_779 = vector.shape_cast %get3A_778 : vector<1x1x16xf32> to vector<16xf32>
          %add3A_780 = arith.addf %add3A_716, %get3A_779 : vector<16xf32>
          %get3A_781 = arith.constant 2 : i32
          %get3A_782 = arith.index_cast %get3A_781 : i32 to index
          %get3A_783 = arith.index_cast %add3A_766 : i32 to index
          %get3A_784 = arith.constant 32 : index
          %get3A_785 = tpu.vector_load %arg6[%get3A_782, %get3A_783, %get3A_784] {strides = array<i32>} : memref<8x200x64xf32, #tpu.memory_space<vmem>>, vector<1x1x16xf32>,
          %get3A_786 = vector.shape_cast %get3A_785 : vector<1x1x16xf32> to vector<16xf32>
          %add3A_787 = arith.addf %add3A_723, %get3A_786 : vector<16xf32>
          %get3A_788 = arith.constant 2 : i32
          %get3A_789 = arith.index_cast %get3A_788 : i32 to index
          %get3A_790 = arith.index_cast %add3A_766 : i32 to index
          %get3A_791 = arith.constant 48 : index
          %get3A_792 = tpu.vector_load %arg6[%get3A_789, %get3A_790, %get3A_791] {strides = array<i32>} : memref<8x200x64xf32, #tpu.memory_space<vmem>>, vector<1x1x16xf32>,
          %get3A_793 = vector.shape_cast %get3A_792 : vector<1x1x16xf32> to vector<16xf32>
          %add3A_794 = arith.addf %add3A_730, %get3A_793 : vector<16xf32>
          %mul3A_795 = arith.constant 8 : i32
          %mul3A_796 = arith.muli %scan3A_595, %mul3A_795 : i32
          %add3A_797 = arith.constant 6 : i32
          %add3A_798 = arith.addi %mul3A_796, %add3A_797 : i32
          %get3A_799 = arith.constant 2 : i32
          %get3A_800 = arith.index_cast %get3A_799 : i32 to index
          %get3A_801 = arith.index_cast %add3A_798 : i32 to index
          %get3A_802 = arith.constant 0 : index
          %get3A_803 = tpu.vector_load %arg6[%get3A_800, %get3A_801, %get3A_802] {strides = array<i32>} : memref<8x200x64xf32, #tpu.memory_space<vmem>>, vector<1x1x16xf32>,
          %get3A_804 = vector.shape_cast %get3A_803 : vector<1x1x16xf32> to vector<16xf32>
          %add3A_805 = arith.addf %add3A_741, %get3A_804 : vector<16xf32>
          %get3A_806 = arith.constant 2 : i32
          %get3A_807 = arith.index_cast %get3A_806 : i32 to index
          %get3A_808 = arith.index_cast %add3A_798 : i32 to index
          %get3A_809 = arith.constant 16 : index
          %get3A_810 = tpu.vector_load %arg6[%get3A_807, %get3A_808, %get3A_809] {strides = array<i32>} : memref<8x200x64xf32, #tpu.memory_space<vmem>>, vector<1x1x16xf32>,
          %get3A_811 = vector.shape_cast %get3A_810 : vector<1x1x16xf32> to vector<16xf32>
          %add3A_812 = arith.addf %add3A_748, %get3A_811 : vector<16xf32>
          %get3A_813 = arith.constant 2 : i32
          %get3A_814 = arith.index_cast %get3A_813 : i32 to index
          %get3A_815 = arith.index_cast %add3A_798 : i32 to index
          %get3A_816 = arith.constant 32 : index
          %get3A_817 = tpu.vector_load %arg6[%get3A_814, %get3A_815, %get3A_816] {strides = array<i32>} : memref<8x200x64xf32, #tpu.memory_space<vmem>>, vector<1x1x16xf32>,
          %get3A_818 = vector.shape_cast %get3A_817 : vector<1x1x16xf32> to vector<16xf32>
          %add3A_819 = arith.addf %add3A_755, %get3A_818 : vector<16xf32>
          %get3A_820 = arith.constant 2 : i32
          %get3A_821 = arith.index_cast %get3A_820 : i32 to index
          %get3A_822 = arith.index_cast %add3A_798 : i32 to index
          %get3A_823 = arith.constant 48 : index
          %get3A_824 = tpu.vector_load %arg6[%get3A_821, %get3A_822, %get3A_823] {strides = array<i32>} : memref<8x200x64xf32, #tpu.memory_space<vmem>>, vector<1x1x16xf32>,
          %get3A_825 = vector.shape_cast %get3A_824 : vector<1x1x16xf32> to vector<16xf32>
          %add3A_826 = arith.addf %add3A_762, %get3A_825 : vector<16xf32>
          %mul3A_827 = arith.constant 8 : i32
          %mul3A_828 = arith.muli %scan3A_595, %mul3A_827 : i32
          %add3A_829 = arith.constant 7 : i32
          %add3A_830 = arith.addi %mul3A_828, %add3A_829 : i32
          %get3A_831 = arith.constant 2 : i32
          %get3A_832 = arith.index_cast %get3A_831 : i32 to index
          %get3A_833 = arith.index_cast %add3A_830 : i32 to index
          %get3A_834 = arith.constant 0 : index
          %get3A_835 = tpu.vector_load %arg6[%get3A_832, %get3A_833, %get3A_834] {strides = array<i32>} : memref<8x200x64xf32, #tpu.memory_space<vmem>>, vector<1x1x16xf32>,
          %get3A_836 = vector.shape_cast %get3A_835 : vector<1x1x16xf32> to vector<16xf32>
          %add3A_837 = arith.addf %add3A_773, %get3A_836 : vector<16xf32>
          %get3A_838 = arith.constant 2 : i32
          %get3A_839 = arith.index_cast %get3A_838 : i32 to index
          %get3A_840 = arith.index_cast %add3A_830 : i32 to index
          %get3A_841 = arith.constant 16 : index
          %get3A_842 = tpu.vector_load %arg6[%get3A_839, %get3A_840, %get3A_841] {strides = array<i32>} : memref<8x200x64xf32, #tpu.memory_space<vmem>>, vector<1x1x16xf32>,
          %get3A_843 = vector.shape_cast %get3A_842 : vector<1x1x16xf32> to vector<16xf32>
          %add3A_844 = arith.addf %add3A_780, %get3A_843 : vector<16xf32>
          %get3A_845 = arith.constant 2 : i32
          %get3A_846 = arith.index_cast %get3A_845 : i32 to index
          %get3A_847 = arith.index_cast %add3A_830 : i32 to index
          %get3A_848 = arith.constant 32 : index
          %get3A_849 = tpu.vector_load %arg6[%get3A_846, %get3A_847, %get3A_848] {strides = array<i32>} : memref<8x200x64xf32, #tpu.memory_space<vmem>>, vector<1x1x16xf32>,
          %get3A_850 = vector.shape_cast %get3A_849 : vector<1x1x16xf32> to vector<16xf32>
          %add3A_851 = arith.addf %add3A_787, %get3A_850 : vector<16xf32>
          %get3A_852 = arith.constant 2 : i32
          %get3A_853 = arith.index_cast %get3A_852 : i32 to index
          %get3A_854 = arith.index_cast %add3A_830 : i32 to index
          %get3A_855 = arith.constant 48 : index
          %get3A_856 = tpu.vector_load %arg6[%get3A_853, %get3A_854, %get3A_855] {strides = array<i32>} : memref<8x200x64xf32, #tpu.memory_space<vmem>>, vector<1x1x16xf32>,
          %get3A_857 = vector.shape_cast %get3A_856 : vector<1x1x16xf32> to vector<16xf32>
          %add3A_858 = arith.addf %add3A_794, %get3A_857 : vector<16xf32>
          scf.yield %add3A_805, %add3A_812, %add3A_819, %add3A_826, %add3A_837, %add3A_844, %add3A_851, %add3A_858 : vector<16xf32>, vector<16xf32>, vector<16xf32>, vector<16xf32>, vector<16xf32>, vector<16xf32>, vector<16xf32>, vector<16xf32>
        }
        %scan3A_290 = arith.constant 25 : i32
        %add3A_291 = arith.addf %scan3A_289#0, %scan3A_289#4 : vector<16xf32>
        %swap3A_292 = arith.index_cast %add3A_260 : i32 to index
        %swap3A_293 = arith.constant 0 : index
        %swap3A_294 = tpu.vector_load %arg7[%swap3A_292, %swap3A_293] {strides = array<i32>} : memref<64x64xf32, #tpu.memory_space<vmem>>, vector<1x16xf32>,
        %swap3A_295 = vector.shape_cast %swap3A_294 : vector<1x16xf32> to vector<16xf32>
        %swap3A_296 = vector.shape_cast %add3A_291 : vector<16xf32> to vector<1x16xf32>
        tpu.vector_store %arg7[%swap3A_292, %swap3A_293], %swap3A_296 {strides = array<i32>} : memref<64x64xf32, #tpu.memory_space<vmem>>, vector<1x16xf32>,
        %add3A_297 = arith.addf %scan3A_289#1, %scan3A_289#5 : vector<16xf32>
        %swap3A_298 = arith.index_cast %add3A_260 : i32 to index
        %swap3A_299 = arith.constant 16 : index
        %swap3A_300 = tpu.vector_load %arg7[%swap3A_298, %swap3A_299] {strides = array<i32>} : memref<64x64xf32, #tpu.memory_space<vmem>>, vector<1x16xf32>,
        %swap3A_301 = vector.shape_cast %swap3A_300 : vector<1x16xf32> to vector<16xf32>
        %swap3A_302 = vector.shape_cast %add3A_297 : vector<16xf32> to vector<1x16xf32>
        tpu.vector_store %arg7[%swap3A_298, %swap3A_299], %swap3A_302 {strides = array<i32>} : memref<64x64xf32, #tpu.memory_space<vmem>>, vector<1x16xf32>,
        %add3A_303 = arith.addf %scan3A_289#2, %scan3A_289#6 : vector<16xf32>
        %swap3A_304 = arith.index_cast %add3A_260 : i32 to index
        %swap3A_305 = arith.constant 32 : index
        %swap3A_306 = tpu.vector_load %arg7[%swap3A_304, %swap3A_305] {strides = array<i32>} : memref<64x64xf32, #tpu.memory_space<vmem>>, vector<1x16xf32>,
        %swap3A_307 = vector.shape_cast %swap3A_306 : vector<1x16xf32> to vector<16xf32>
        %swap3A_308 = vector.shape_cast %add3A_303 : vector<16xf32> to vector<1x16xf32>
        tpu.vector_store %arg7[%swap3A_304, %swap3A_305], %swap3A_308 {strides = array<i32>} : memref<64x64xf32, #tpu.memory_space<vmem>>, vector<1x16xf32>,
        %add3A_309 = arith.addf %scan3A_289#3, %scan3A_289#7 : vector<16xf32>
        %swap3A_310 = arith.index_cast %add3A_260 : i32 to index
        %swap3A_311 = arith.constant 48 : index
        %swap3A_312 = tpu.vector_load %arg7[%swap3A_310, %swap3A_311] {strides = array<i32>} : memref<64x64xf32, #tpu.memory_space<vmem>>, vector<1x16xf32>,
        %swap3A_313 = vector.shape_cast %swap3A_312 : vector<1x16xf32> to vector<16xf32>
        %swap3A_314 = vector.shape_cast %add3A_309 : vector<16xf32> to vector<1x16xf32>
        tpu.vector_store %arg7[%swap3A_310, %swap3A_311], %swap3A_314 {strides = array<i32>} : memref<64x64xf32, #tpu.memory_space<vmem>>, vector<1x16xf32>,
        %add3A_315 = arith.constant 3 : i32
        %add3A_316 = arith.addi %mul3A_152, %add3A_315 : i32
        %dma_wait3A_317 = arith.constant 3 : i32
        %dma_wait3A_318 = arith.constant 0 : i32
        %dma_wait3A_319 = arith.constant 0 : i32
        %dma_wait3A_320 = tpu.memref_slice %arg6[%dma_wait3A_317, %dma_wait3A_318, %dma_wait3A_319] : memref<8x200x64xf32, #tpu.memory_space<vmem>> -> memref<1x200x64xf32, #tpu.memory_space<vmem>>
        %dma_wait3A_321 = tpu.memref_squeeze %dma_wait3A_320 : memref<1x200x64xf32, #tpu.memory_space<vmem>> -> memref<200x64xf32, #tpu.memory_space<vmem>>
        %dma_wait3A_322 = arith.constant 0 : i32
        %dma_wait3A_323 = arith.constant 0 : i32
        %dma_wait3A_324 = tpu.memref_slice %arg3[%dma_wait3A_322, %dma_wait3A_323] : memref<1000000x64xf32, #tpu.memory_space<hbm>> -> memref<200x64xf32, #tpu.memory_space<hbm>>
        %dma_wait3A_325 = arith.constant 0 : i32
        %dma_wait3A_326 = arith.constant 0 : i32
        %dma_wait3A_327 = tpu.memref_slice %arg6[%dma_wait3A_317, %dma_wait3A_325, %dma_wait3A_326] : memref<8x200x64xf32, #tpu.memory_space<vmem>> -> memref<1x200x64xf32, #tpu.memory_space<vmem>>
        %dma_wait3A_328 = tpu.memref_squeeze %dma_wait3A_327 : memref<1x200x64xf32, #tpu.memory_space<vmem>> -> memref<200x64xf32, #tpu.memory_space<vmem>>
        %dma_wait3A_329 = arith.constant 0 : i32
        %dma_wait3A_330 = arith.constant 0 : i32
        %dma_wait3A_331 = tpu.memref_slice %arg3[%dma_wait3A_329, %dma_wait3A_330] : memref<1000000x64xf32, #tpu.memory_space<hbm>> -> memref<200x64xf32, #tpu.memory_space<hbm>>
        tpu.wait_dma2 semaphore(%arg11 : memref<!tpu.dma_semaphore, #tpu.memory_space<semaphore_mem>>) src(%dma_wait3A_331 : memref<200x64xf32, #tpu.memory_space<hbm>>) dst(%dma_wait3A_328 : memref<200x64xf32, #tpu.memory_space<vmem>>)
        %add3A_332 = arith.constant 6 : i32
        %add3A_333 = arith.addi %add3A_316, %add3A_332 : i32
        %lt3A_334 = arith.constant 64 : i32
        %lt3A_335 = arith.cmpi slt, %add3A_333, %lt3A_334 : i32
        %convert_element_type3A_336 = arith.extui %lt3A_335 : i1 to i32
        %cond3A_337 = arith.constant 0 : i32
        %cond3A_338 = arith.cmpi ne, %convert_element_type3A_336, %cond3A_337 : i32
        scf.if %cond3A_338 {
          %add3A_595 = arith.constant 6 : i32
          %add3A_596 = arith.addi %add3A_316, %add3A_595 : i32
          %mul3A_597 = arith.constant 200 : i32
          %mul3A_598 = arith.muli %add3A_596, %mul3A_597 : i32
          %multiple_of3A_599 = tpu.assume_multiple %mul3A_598, 8 : i32
          %dma_start3A_600 = arith.constant 1 : i32
          %dma_start3A_601 = arith.constant 0 : i32
          %dma_start3A_602 = arith.constant 0 : i32
          %dma_start3A_603 = tpu.memref_slice %arg6[%dma_start3A_600, %dma_start3A_601, %dma_start3A_602] : memref<8x200x64xf32, #tpu.memory_space<vmem>> -> memref<1x104x64xf32, #tpu.memory_space<vmem>>
          %dma_start3A_604 = tpu.memref_squeeze %dma_start3A_603 : memref<1x104x64xf32, #tpu.memory_space<vmem>> -> memref<104x64xf32, #tpu.memory_space<vmem>>
          %dma_start3A_605 = tpu.memref_slice %arg5[%multiple_of3A_599] : memref<12800xi32, #tpu.memory_space<vmem>> -> memref<104xi32, #tpu.memory_space<vmem>>
          %dma_start3A_606 = arith.constant 0 : i32
          %dma_start3A_607 = arith.constant 0 : i32
          %dma_start3A_608 = tpu.memref_slice %arg3[%dma_start3A_606, %dma_start3A_607] : memref<1000000x64xf32, #tpu.memory_space<hbm>> -> memref<1000000x64xf32, #tpu.memory_space<hbm>>
          tpu.enqueue_indirect_dma source(%dma_start3A_608 : memref<1000000x64xf32, #tpu.memory_space<hbm>>) target(%dma_start3A_604 : memref<104x64xf32, #tpu.memory_space<vmem>>) offsets(%dma_start3A_605 : memref<104xi32, #tpu.memory_space<vmem>>) semaphore(%arg9 : memref<!tpu.dma_semaphore, #tpu.memory_space<semaphore_mem>>)
          %mul3A_609 = arith.constant 200 : i32
          %mul3A_610 = arith.muli %add3A_596, %mul3A_609 : i32
          %add3A_611 = arith.constant 104 : i32
          %add3A_612 = arith.addi %mul3A_610, %add3A_611 : i32
          %multiple_of3A_613 = tpu.assume_multiple %add3A_612, 8 : i32
          %dma_start3A_614 = arith.constant 1 : i32
          %dma_start3A_615 = arith.constant 104 : i32
          %dma_start3A_616 = arith.constant 0 : i32
          %dma_start3A_617 = tpu.memref_slice %arg6[%dma_start3A_614, %dma_start3A_615, %dma_start3A_616] : memref<8x200x64xf32, #tpu.memory_space<vmem>> -> memref<1x96x64xf32, #tpu.memory_space<vmem>>
          %dma_start3A_618 = tpu.memref_squeeze %dma_start3A_617 : memref<1x96x64xf32, #tpu.memory_space<vmem>> -> memref<96x64xf32, #tpu.memory_space<vmem>>
          %dma_start3A_619 = tpu.memref_slice %arg5[%multiple_of3A_613] : memref<12800xi32, #tpu.memory_space<vmem>> -> memref<96xi32, #tpu.memory_space<vmem>>
          %dma_start3A_620 = arith.constant 0 : i32
          %dma_start3A_621 = arith.constant 0 : i32
          %dma_start3A_622 = tpu.memref_slice %arg3[%dma_start3A_620, %dma_start3A_621] : memref<1000000x64xf32, #tpu.memory_space<hbm>> -> memref<1000000x64xf32, #tpu.memory_space<hbm>>
          tpu.enqueue_indirect_dma source(%dma_start3A_622 : memref<1000000x64xf32, #tpu.memory_space<hbm>>) target(%dma_start3A_618 : memref<96x64xf32, #tpu.memory_space<vmem>>) offsets(%dma_start3A_619 : memref<96xi32, #tpu.memory_space<vmem>>) semaphore(%arg9 : memref<!tpu.dma_semaphore, #tpu.memory_space<semaphore_mem>>)
        } else {
        }
        %broadcast_in_dim3A_339 = arith.constant 0.000000e+00 : f32
        %broadcast_in_dim3A_340 = vector.broadcast %broadcast_in_dim3A_339 : f32 to vector<16xf32>
        %scan3A_341 = arith.constant 0 : i32
        %scan3A_342 = arith.constant 25 : i32
        %scan3A_343 = arith.addi %scan3A_341, %scan3A_342 : i32
        %scan3A_344 = arith.constant 1 : i32
        %scan3A_345:8 = scf.for %scan3A_595 = %scan3A_341 to %scan3A_343 step %scan3A_344 iter_args(%scan3A_596 = %broadcast_in_dim3A_340, %scan3A_597 = %broadcast_in_dim3A_340, %scan3A_598 = %broadcast_in_dim3A_340, %scan3A_599 = %broadcast_in_dim3A_340, %scan3A_600 = %broadcast_in_dim3A_340, %scan3A_601 = %broadcast_in_dim3A_340, %scan3A_602 = %broadcast_in_dim3A_340, %scan3A_603 = %broadcast_in_dim3A_340) -> (vector<16xf32>, vector<16xf32>, vector<16xf32>, vector<16xf32>, vector<16xf32>, vector<16xf32>, vector<16xf32>, vector<16xf32>)  : i32 {
          %mul3A_604 = arith.constant 8 : i32
          %mul3A_605 = arith.muli %scan3A_595, %mul3A_604 : i32
          %add3A_606 = arith.constant 0 : i32
          %add3A_607 = arith.addi %mul3A_605, %add3A_606 : i32
          %get3A = arith.constant 3 : i32
          %get3A_608 = arith.index_cast %get3A : i32 to index
          %get3A_609 = arith.index_cast %add3A_607 : i32 to index
          %get3A_610 = arith.constant 0 : index
          %get3A_611 = tpu.vector_load %arg6[%get3A_608, %get3A_609, %get3A_610] {strides = array<i32>} : memref<8x200x64xf32, #tpu.memory_space<vmem>>, vector<1x1x16xf32>,
          %get3A_612 = vector.shape_cast %get3A_611 : vector<1x1x16xf32> to vector<16xf32>
          %add3A_613 = arith.addf %scan3A_596, %get3A_612 : vector<16xf32>
          %get3A_614 = arith.constant 3 : i32
          %get3A_615 = arith.index_cast %get3A_614 : i32 to index
          %get3A_616 = arith.index_cast %add3A_607 : i32 to index
          %get3A_617 = arith.constant 16 : index
          %get3A_618 = tpu.vector_load %arg6[%get3A_615, %get3A_616, %get3A_617] {strides = array<i32>} : memref<8x200x64xf32, #tpu.memory_space<vmem>>, vector<1x1x16xf32>,
          %get3A_619 = vector.shape_cast %get3A_618 : vector<1x1x16xf32> to vector<16xf32>
          %add3A_620 = arith.addf %scan3A_597, %get3A_619 : vector<16xf32>
          %get3A_621 = arith.constant 3 : i32
          %get3A_622 = arith.index_cast %get3A_621 : i32 to index
          %get3A_623 = arith.index_cast %add3A_607 : i32 to index
          %get3A_624 = arith.constant 32 : index
          %get3A_625 = tpu.vector_load %arg6[%get3A_622, %get3A_623, %get3A_624] {strides = array<i32>} : memref<8x200x64xf32, #tpu.memory_space<vmem>>, vector<1x1x16xf32>,
          %get3A_626 = vector.shape_cast %get3A_625 : vector<1x1x16xf32> to vector<16xf32>
          %add3A_627 = arith.addf %scan3A_598, %get3A_626 : vector<16xf32>
          %get3A_628 = arith.constant 3 : i32
          %get3A_629 = arith.index_cast %get3A_628 : i32 to index
          %get3A_630 = arith.index_cast %add3A_607 : i32 to index
          %get3A_631 = arith.constant 48 : index
          %get3A_632 = tpu.vector_load %arg6[%get3A_629, %get3A_630, %get3A_631] {strides = array<i32>} : memref<8x200x64xf32, #tpu.memory_space<vmem>>, vector<1x1x16xf32>,
          %get3A_633 = vector.shape_cast %get3A_632 : vector<1x1x16xf32> to vector<16xf32>
          %add3A_634 = arith.addf %scan3A_599, %get3A_633 : vector<16xf32>
          %mul3A_635 = arith.constant 8 : i32
          %mul3A_636 = arith.muli %scan3A_595, %mul3A_635 : i32
          %add3A_637 = arith.constant 1 : i32
          %add3A_638 = arith.addi %mul3A_636, %add3A_637 : i32
          %get3A_639 = arith.constant 3 : i32
          %get3A_640 = arith.index_cast %get3A_639 : i32 to index
          %get3A_641 = arith.index_cast %add3A_638 : i32 to index
          %get3A_642 = arith.constant 0 : index
          %get3A_643 = tpu.vector_load %arg6[%get3A_640, %get3A_641, %get3A_642] {strides = array<i32>} : memref<8x200x64xf32, #tpu.memory_space<vmem>>, vector<1x1x16xf32>,
          %get3A_644 = vector.shape_cast %get3A_643 : vector<1x1x16xf32> to vector<16xf32>
          %add3A_645 = arith.addf %scan3A_600, %get3A_644 : vector<16xf32>
          %get3A_646 = arith.constant 3 : i32
          %get3A_647 = arith.index_cast %get3A_646 : i32 to index
          %get3A_648 = arith.index_cast %add3A_638 : i32 to index
          %get3A_649 = arith.constant 16 : index
          %get3A_650 = tpu.vector_load %arg6[%get3A_647, %get3A_648, %get3A_649] {strides = array<i32>} : memref<8x200x64xf32, #tpu.memory_space<vmem>>, vector<1x1x16xf32>,
          %get3A_651 = vector.shape_cast %get3A_650 : vector<1x1x16xf32> to vector<16xf32>
          %add3A_652 = arith.addf %scan3A_601, %get3A_651 : vector<16xf32>
          %get3A_653 = arith.constant 3 : i32
          %get3A_654 = arith.index_cast %get3A_653 : i32 to index
          %get3A_655 = arith.index_cast %add3A_638 : i32 to index
          %get3A_656 = arith.constant 32 : index
          %get3A_657 = tpu.vector_load %arg6[%get3A_654, %get3A_655, %get3A_656] {strides = array<i32>} : memref<8x200x64xf32, #tpu.memory_space<vmem>>, vector<1x1x16xf32>,
          %get3A_658 = vector.shape_cast %get3A_657 : vector<1x1x16xf32> to vector<16xf32>
          %add3A_659 = arith.addf %scan3A_602, %get3A_658 : vector<16xf32>
          %get3A_660 = arith.constant 3 : i32
          %get3A_661 = arith.index_cast %get3A_660 : i32 to index
          %get3A_662 = arith.index_cast %add3A_638 : i32 to index
          %get3A_663 = arith.constant 48 : index
          %get3A_664 = tpu.vector_load %arg6[%get3A_661, %get3A_662, %get3A_663] {strides = array<i32>} : memref<8x200x64xf32, #tpu.memory_space<vmem>>, vector<1x1x16xf32>,
          %get3A_665 = vector.shape_cast %get3A_664 : vector<1x1x16xf32> to vector<16xf32>
          %add3A_666 = arith.addf %scan3A_603, %get3A_665 : vector<16xf32>
          %mul3A_667 = arith.constant 8 : i32
          %mul3A_668 = arith.muli %scan3A_595, %mul3A_667 : i32
          %add3A_669 = arith.constant 2 : i32
          %add3A_670 = arith.addi %mul3A_668, %add3A_669 : i32
          %get3A_671 = arith.constant 3 : i32
          %get3A_672 = arith.index_cast %get3A_671 : i32 to index
          %get3A_673 = arith.index_cast %add3A_670 : i32 to index
          %get3A_674 = arith.constant 0 : index
          %get3A_675 = tpu.vector_load %arg6[%get3A_672, %get3A_673, %get3A_674] {strides = array<i32>} : memref<8x200x64xf32, #tpu.memory_space<vmem>>, vector<1x1x16xf32>,
          %get3A_676 = vector.shape_cast %get3A_675 : vector<1x1x16xf32> to vector<16xf32>
          %add3A_677 = arith.addf %add3A_613, %get3A_676 : vector<16xf32>
          %get3A_678 = arith.constant 3 : i32
          %get3A_679 = arith.index_cast %get3A_678 : i32 to index
          %get3A_680 = arith.index_cast %add3A_670 : i32 to index
          %get3A_681 = arith.constant 16 : index
          %get3A_682 = tpu.vector_load %arg6[%get3A_679, %get3A_680, %get3A_681] {strides = array<i32>} : memref<8x200x64xf32, #tpu.memory_space<vmem>>, vector<1x1x16xf32>,
          %get3A_683 = vector.shape_cast %get3A_682 : vector<1x1x16xf32> to vector<16xf32>
          %add3A_684 = arith.addf %add3A_620, %get3A_683 : vector<16xf32>
          %get3A_685 = arith.constant 3 : i32
          %get3A_686 = arith.index_cast %get3A_685 : i32 to index
          %get3A_687 = arith.index_cast %add3A_670 : i32 to index
          %get3A_688 = arith.constant 32 : index
          %get3A_689 = tpu.vector_load %arg6[%get3A_686, %get3A_687, %get3A_688] {strides = array<i32>} : memref<8x200x64xf32, #tpu.memory_space<vmem>>, vector<1x1x16xf32>,
          %get3A_690 = vector.shape_cast %get3A_689 : vector<1x1x16xf32> to vector<16xf32>
          %add3A_691 = arith.addf %add3A_627, %get3A_690 : vector<16xf32>
          %get3A_692 = arith.constant 3 : i32
          %get3A_693 = arith.index_cast %get3A_692 : i32 to index
          %get3A_694 = arith.index_cast %add3A_670 : i32 to index
          %get3A_695 = arith.constant 48 : index
          %get3A_696 = tpu.vector_load %arg6[%get3A_693, %get3A_694, %get3A_695] {strides = array<i32>} : memref<8x200x64xf32, #tpu.memory_space<vmem>>, vector<1x1x16xf32>,
          %get3A_697 = vector.shape_cast %get3A_696 : vector<1x1x16xf32> to vector<16xf32>
          %add3A_698 = arith.addf %add3A_634, %get3A_697 : vector<16xf32>
          %mul3A_699 = arith.constant 8 : i32
          %mul3A_700 = arith.muli %scan3A_595, %mul3A_699 : i32
          %add3A_701 = arith.constant 3 : i32
          %add3A_702 = arith.addi %mul3A_700, %add3A_701 : i32
          %get3A_703 = arith.constant 3 : i32
          %get3A_704 = arith.index_cast %get3A_703 : i32 to index
          %get3A_705 = arith.index_cast %add3A_702 : i32 to index
          %get3A_706 = arith.constant 0 : index
          %get3A_707 = tpu.vector_load %arg6[%get3A_704, %get3A_705, %get3A_706] {strides = array<i32>} : memref<8x200x64xf32, #tpu.memory_space<vmem>>, vector<1x1x16xf32>,
          %get3A_708 = vector.shape_cast %get3A_707 : vector<1x1x16xf32> to vector<16xf32>
          %add3A_709 = arith.addf %add3A_645, %get3A_708 : vector<16xf32>
          %get3A_710 = arith.constant 3 : i32
          %get3A_711 = arith.index_cast %get3A_710 : i32 to index
          %get3A_712 = arith.index_cast %add3A_702 : i32 to index
          %get3A_713 = arith.constant 16 : index
          %get3A_714 = tpu.vector_load %arg6[%get3A_711, %get3A_712, %get3A_713] {strides = array<i32>} : memref<8x200x64xf32, #tpu.memory_space<vmem>>, vector<1x1x16xf32>,
          %get3A_715 = vector.shape_cast %get3A_714 : vector<1x1x16xf32> to vector<16xf32>
          %add3A_716 = arith.addf %add3A_652, %get3A_715 : vector<16xf32>
          %get3A_717 = arith.constant 3 : i32
          %get3A_718 = arith.index_cast %get3A_717 : i32 to index
          %get3A_719 = arith.index_cast %add3A_702 : i32 to index
          %get3A_720 = arith.constant 32 : index
          %get3A_721 = tpu.vector_load %arg6[%get3A_718, %get3A_719, %get3A_720] {strides = array<i32>} : memref<8x200x64xf32, #tpu.memory_space<vmem>>, vector<1x1x16xf32>,
          %get3A_722 = vector.shape_cast %get3A_721 : vector<1x1x16xf32> to vector<16xf32>
          %add3A_723 = arith.addf %add3A_659, %get3A_722 : vector<16xf32>
          %get3A_724 = arith.constant 3 : i32
          %get3A_725 = arith.index_cast %get3A_724 : i32 to index
          %get3A_726 = arith.index_cast %add3A_702 : i32 to index
          %get3A_727 = arith.constant 48 : index
          %get3A_728 = tpu.vector_load %arg6[%get3A_725, %get3A_726, %get3A_727] {strides = array<i32>} : memref<8x200x64xf32, #tpu.memory_space<vmem>>, vector<1x1x16xf32>,
          %get3A_729 = vector.shape_cast %get3A_728 : vector<1x1x16xf32> to vector<16xf32>
          %add3A_730 = arith.addf %add3A_666, %get3A_729 : vector<16xf32>
          %mul3A_731 = arith.constant 8 : i32
          %mul3A_732 = arith.muli %scan3A_595, %mul3A_731 : i32
          %add3A_733 = arith.constant 4 : i32
          %add3A_734 = arith.addi %mul3A_732, %add3A_733 : i32
          %get3A_735 = arith.constant 3 : i32
          %get3A_736 = arith.index_cast %get3A_735 : i32 to index
          %get3A_737 = arith.index_cast %add3A_734 : i32 to index
          %get3A_738 = arith.constant 0 : index
          %get3A_739 = tpu.vector_load %arg6[%get3A_736, %get3A_737, %get3A_738] {strides = array<i32>} : memref<8x200x64xf32, #tpu.memory_space<vmem>>, vector<1x1x16xf32>,
          %get3A_740 = vector.shape_cast %get3A_739 : vector<1x1x16xf32> to vector<16xf32>
          %add3A_741 = arith.addf %add3A_677, %get3A_740 : vector<16xf32>
          %get3A_742 = arith.constant 3 : i32
          %get3A_743 = arith.index_cast %get3A_742 : i32 to index
          %get3A_744 = arith.index_cast %add3A_734 : i32 to index
          %get3A_745 = arith.constant 16 : index
          %get3A_746 = tpu.vector_load %arg6[%get3A_743, %get3A_744, %get3A_745] {strides = array<i32>} : memref<8x200x64xf32, #tpu.memory_space<vmem>>, vector<1x1x16xf32>,
          %get3A_747 = vector.shape_cast %get3A_746 : vector<1x1x16xf32> to vector<16xf32>
          %add3A_748 = arith.addf %add3A_684, %get3A_747 : vector<16xf32>
          %get3A_749 = arith.constant 3 : i32
          %get3A_750 = arith.index_cast %get3A_749 : i32 to index
          %get3A_751 = arith.index_cast %add3A_734 : i32 to index
          %get3A_752 = arith.constant 32 : index
          %get3A_753 = tpu.vector_load %arg6[%get3A_750, %get3A_751, %get3A_752] {strides = array<i32>} : memref<8x200x64xf32, #tpu.memory_space<vmem>>, vector<1x1x16xf32>,
          %get3A_754 = vector.shape_cast %get3A_753 : vector<1x1x16xf32> to vector<16xf32>
          %add3A_755 = arith.addf %add3A_691, %get3A_754 : vector<16xf32>
          %get3A_756 = arith.constant 3 : i32
          %get3A_757 = arith.index_cast %get3A_756 : i32 to index
          %get3A_758 = arith.index_cast %add3A_734 : i32 to index
          %get3A_759 = arith.constant 48 : index
          %get3A_760 = tpu.vector_load %arg6[%get3A_757, %get3A_758, %get3A_759] {strides = array<i32>} : memref<8x200x64xf32, #tpu.memory_space<vmem>>, vector<1x1x16xf32>,
          %get3A_761 = vector.shape_cast %get3A_760 : vector<1x1x16xf32> to vector<16xf32>
          %add3A_762 = arith.addf %add3A_698, %get3A_761 : vector<16xf32>
          %mul3A_763 = arith.constant 8 : i32
          %mul3A_764 = arith.muli %scan3A_595, %mul3A_763 : i32
          %add3A_765 = arith.constant 5 : i32
          %add3A_766 = arith.addi %mul3A_764, %add3A_765 : i32
          %get3A_767 = arith.constant 3 : i32
          %get3A_768 = arith.index_cast %get3A_767 : i32 to index
          %get3A_769 = arith.index_cast %add3A_766 : i32 to index
          %get3A_770 = arith.constant 0 : index
          %get3A_771 = tpu.vector_load %arg6[%get3A_768, %get3A_769, %get3A_770] {strides = array<i32>} : memref<8x200x64xf32, #tpu.memory_space<vmem>>, vector<1x1x16xf32>,
          %get3A_772 = vector.shape_cast %get3A_771 : vector<1x1x16xf32> to vector<16xf32>
          %add3A_773 = arith.addf %add3A_709, %get3A_772 : vector<16xf32>
          %get3A_774 = arith.constant 3 : i32
          %get3A_775 = arith.index_cast %get3A_774 : i32 to index
          %get3A_776 = arith.index_cast %add3A_766 : i32 to index
          %get3A_777 = arith.constant 16 : index
          %get3A_778 = tpu.vector_load %arg6[%get3A_775, %get3A_776, %get3A_777] {strides = array<i32>} : memref<8x200x64xf32, #tpu.memory_space<vmem>>, vector<1x1x16xf32>,
          %get3A_779 = vector.shape_cast %get3A_778 : vector<1x1x16xf32> to vector<16xf32>
          %add3A_780 = arith.addf %add3A_716, %get3A_779 : vector<16xf32>
          %get3A_781 = arith.constant 3 : i32
          %get3A_782 = arith.index_cast %get3A_781 : i32 to index
          %get3A_783 = arith.index_cast %add3A_766 : i32 to index
          %get3A_784 = arith.constant 32 : index
          %get3A_785 = tpu.vector_load %arg6[%get3A_782, %get3A_783, %get3A_784] {strides = array<i32>} : memref<8x200x64xf32, #tpu.memory_space<vmem>>, vector<1x1x16xf32>,
          %get3A_786 = vector.shape_cast %get3A_785 : vector<1x1x16xf32> to vector<16xf32>
          %add3A_787 = arith.addf %add3A_723, %get3A_786 : vector<16xf32>
          %get3A_788 = arith.constant 3 : i32
          %get3A_789 = arith.index_cast %get3A_788 : i32 to index
          %get3A_790 = arith.index_cast %add3A_766 : i32 to index
          %get3A_791 = arith.constant 48 : index
          %get3A_792 = tpu.vector_load %arg6[%get3A_789, %get3A_790, %get3A_791] {strides = array<i32>} : memref<8x200x64xf32, #tpu.memory_space<vmem>>, vector<1x1x16xf32>,
          %get3A_793 = vector.shape_cast %get3A_792 : vector<1x1x16xf32> to vector<16xf32>
          %add3A_794 = arith.addf %add3A_730, %get3A_793 : vector<16xf32>
          %mul3A_795 = arith.constant 8 : i32
          %mul3A_796 = arith.muli %scan3A_595, %mul3A_795 : i32
          %add3A_797 = arith.constant 6 : i32
          %add3A_798 = arith.addi %mul3A_796, %add3A_797 : i32
          %get3A_799 = arith.constant 3 : i32
          %get3A_800 = arith.index_cast %get3A_799 : i32 to index
          %get3A_801 = arith.index_cast %add3A_798 : i32 to index
          %get3A_802 = arith.constant 0 : index
          %get3A_803 = tpu.vector_load %arg6[%get3A_800, %get3A_801, %get3A_802] {strides = array<i32>} : memref<8x200x64xf32, #tpu.memory_space<vmem>>, vector<1x1x16xf32>,
          %get3A_804 = vector.shape_cast %get3A_803 : vector<1x1x16xf32> to vector<16xf32>
          %add3A_805 = arith.addf %add3A_741, %get3A_804 : vector<16xf32>
          %get3A_806 = arith.constant 3 : i32
          %get3A_807 = arith.index_cast %get3A_806 : i32 to index
          %get3A_808 = arith.index_cast %add3A_798 : i32 to index
          %get3A_809 = arith.constant 16 : index
          %get3A_810 = tpu.vector_load %arg6[%get3A_807, %get3A_808, %get3A_809] {strides = array<i32>} : memref<8x200x64xf32, #tpu.memory_space<vmem>>, vector<1x1x16xf32>,
          %get3A_811 = vector.shape_cast %get3A_810 : vector<1x1x16xf32> to vector<16xf32>
          %add3A_812 = arith.addf %add3A_748, %get3A_811 : vector<16xf32>
          %get3A_813 = arith.constant 3 : i32
          %get3A_814 = arith.index_cast %get3A_813 : i32 to index
          %get3A_815 = arith.index_cast %add3A_798 : i32 to index
          %get3A_816 = arith.constant 32 : index
          %get3A_817 = tpu.vector_load %arg6[%get3A_814, %get3A_815, %get3A_816] {strides = array<i32>} : memref<8x200x64xf32, #tpu.memory_space<vmem>>, vector<1x1x16xf32>,
          %get3A_818 = vector.shape_cast %get3A_817 : vector<1x1x16xf32> to vector<16xf32>
          %add3A_819 = arith.addf %add3A_755, %get3A_818 : vector<16xf32>
          %get3A_820 = arith.constant 3 : i32
          %get3A_821 = arith.index_cast %get3A_820 : i32 to index
          %get3A_822 = arith.index_cast %add3A_798 : i32 to index
          %get3A_823 = arith.constant 48 : index
          %get3A_824 = tpu.vector_load %arg6[%get3A_821, %get3A_822, %get3A_823] {strides = array<i32>} : memref<8x200x64xf32, #tpu.memory_space<vmem>>, vector<1x1x16xf32>,
          %get3A_825 = vector.shape_cast %get3A_824 : vector<1x1x16xf32> to vector<16xf32>
          %add3A_826 = arith.addf %add3A_762, %get3A_825 : vector<16xf32>
          %mul3A_827 = arith.constant 8 : i32
          %mul3A_828 = arith.muli %scan3A_595, %mul3A_827 : i32
          %add3A_829 = arith.constant 7 : i32
          %add3A_830 = arith.addi %mul3A_828, %add3A_829 : i32
          %get3A_831 = arith.constant 3 : i32
          %get3A_832 = arith.index_cast %get3A_831 : i32 to index
          %get3A_833 = arith.index_cast %add3A_830 : i32 to index
          %get3A_834 = arith.constant 0 : index
          %get3A_835 = tpu.vector_load %arg6[%get3A_832, %get3A_833, %get3A_834] {strides = array<i32>} : memref<8x200x64xf32, #tpu.memory_space<vmem>>, vector<1x1x16xf32>,
          %get3A_836 = vector.shape_cast %get3A_835 : vector<1x1x16xf32> to vector<16xf32>
          %add3A_837 = arith.addf %add3A_773, %get3A_836 : vector<16xf32>
          %get3A_838 = arith.constant 3 : i32
          %get3A_839 = arith.index_cast %get3A_838 : i32 to index
          %get3A_840 = arith.index_cast %add3A_830 : i32 to index
          %get3A_841 = arith.constant 16 : index
          %get3A_842 = tpu.vector_load %arg6[%get3A_839, %get3A_840, %get3A_841] {strides = array<i32>} : memref<8x200x64xf32, #tpu.memory_space<vmem>>, vector<1x1x16xf32>,
          %get3A_843 = vector.shape_cast %get3A_842 : vector<1x1x16xf32> to vector<16xf32>
          %add3A_844 = arith.addf %add3A_780, %get3A_843 : vector<16xf32>
          %get3A_845 = arith.constant 3 : i32
          %get3A_846 = arith.index_cast %get3A_845 : i32 to index
          %get3A_847 = arith.index_cast %add3A_830 : i32 to index
          %get3A_848 = arith.constant 32 : index
          %get3A_849 = tpu.vector_load %arg6[%get3A_846, %get3A_847, %get3A_848] {strides = array<i32>} : memref<8x200x64xf32, #tpu.memory_space<vmem>>, vector<1x1x16xf32>,
          %get3A_850 = vector.shape_cast %get3A_849 : vector<1x1x16xf32> to vector<16xf32>
          %add3A_851 = arith.addf %add3A_787, %get3A_850 : vector<16xf32>
          %get3A_852 = arith.constant 3 : i32
          %get3A_853 = arith.index_cast %get3A_852 : i32 to index
          %get3A_854 = arith.index_cast %add3A_830 : i32 to index
          %get3A_855 = arith.constant 48 : index
          %get3A_856 = tpu.vector_load %arg6[%get3A_853, %get3A_854, %get3A_855] {strides = array<i32>} : memref<8x200x64xf32, #tpu.memory_space<vmem>>, vector<1x1x16xf32>,
          %get3A_857 = vector.shape_cast %get3A_856 : vector<1x1x16xf32> to vector<16xf32>
          %add3A_858 = arith.addf %add3A_794, %get3A_857 : vector<16xf32>
          scf.yield %add3A_805, %add3A_812, %add3A_819, %add3A_826, %add3A_837, %add3A_844, %add3A_851, %add3A_858 : vector<16xf32>, vector<16xf32>, vector<16xf32>, vector<16xf32>, vector<16xf32>, vector<16xf32>, vector<16xf32>, vector<16xf32>
        }
        %scan3A_346 = arith.constant 25 : i32
        %add3A_347 = arith.addf %scan3A_345#0, %scan3A_345#4 : vector<16xf32>
        %swap3A_348 = arith.index_cast %add3A_316 : i32 to index
        %swap3A_349 = arith.constant 0 : index
        %swap3A_350 = tpu.vector_load %arg7[%swap3A_348, %swap3A_349] {strides = array<i32>} : memref<64x64xf32, #tpu.memory_space<vmem>>, vector<1x16xf32>,
        %swap3A_351 = vector.shape_cast %swap3A_350 : vector<1x16xf32> to vector<16xf32>
        %swap3A_352 = vector.shape_cast %add3A_347 : vector<16xf32> to vector<1x16xf32>
        tpu.vector_store %arg7[%swap3A_348, %swap3A_349], %swap3A_352 {strides = array<i32>} : memref<64x64xf32, #tpu.memory_space<vmem>>, vector<1x16xf32>,
        %add3A_353 = arith.addf %scan3A_345#1, %scan3A_345#5 : vector<16xf32>
        %swap3A_354 = arith.index_cast %add3A_316 : i32 to index
        %swap3A_355 = arith.constant 16 : index
        %swap3A_356 = tpu.vector_load %arg7[%swap3A_354, %swap3A_355] {strides = array<i32>} : memref<64x64xf32, #tpu.memory_space<vmem>>, vector<1x16xf32>,
        %swap3A_357 = vector.shape_cast %swap3A_356 : vector<1x16xf32> to vector<16xf32>
        %swap3A_358 = vector.shape_cast %add3A_353 : vector<16xf32> to vector<1x16xf32>
        tpu.vector_store %arg7[%swap3A_354, %swap3A_355], %swap3A_358 {strides = array<i32>} : memref<64x64xf32, #tpu.memory_space<vmem>>, vector<1x16xf32>,
        %add3A_359 = arith.addf %scan3A_345#2, %scan3A_345#6 : vector<16xf32>
        %swap3A_360 = arith.index_cast %add3A_316 : i32 to index
        %swap3A_361 = arith.constant 32 : index
        %swap3A_362 = tpu.vector_load %arg7[%swap3A_360, %swap3A_361] {strides = array<i32>} : memref<64x64xf32, #tpu.memory_space<vmem>>, vector<1x16xf32>,
        %swap3A_363 = vector.shape_cast %swap3A_362 : vector<1x16xf32> to vector<16xf32>
        %swap3A_364 = vector.shape_cast %add3A_359 : vector<16xf32> to vector<1x16xf32>
        tpu.vector_store %arg7[%swap3A_360, %swap3A_361], %swap3A_364 {strides = array<i32>} : memref<64x64xf32, #tpu.memory_space<vmem>>, vector<1x16xf32>,
        %add3A_365 = arith.addf %scan3A_345#3, %scan3A_345#7 : vector<16xf32>
        %swap3A_366 = arith.index_cast %add3A_316 : i32 to index
        %swap3A_367 = arith.constant 48 : index
        %swap3A_368 = tpu.vector_load %arg7[%swap3A_366, %swap3A_367] {strides = array<i32>} : memref<64x64xf32, #tpu.memory_space<vmem>>, vector<1x16xf32>,
        %swap3A_369 = vector.shape_cast %swap3A_368 : vector<1x16xf32> to vector<16xf32>
        %swap3A_370 = vector.shape_cast %add3A_365 : vector<16xf32> to vector<1x16xf32>
        tpu.vector_store %arg7[%swap3A_366, %swap3A_367], %swap3A_370 {strides = array<i32>} : memref<64x64xf32, #tpu.memory_space<vmem>>, vector<1x16xf32>,
        %add3A_371 = arith.constant 4 : i32
        %add3A_372 = arith.addi %mul3A_152, %add3A_371 : i32
        %dma_wait3A_373 = arith.constant 4 : i32
        %dma_wait3A_374 = arith.constant 0 : i32
        %dma_wait3A_375 = arith.constant 0 : i32
        %dma_wait3A_376 = tpu.memref_slice %arg6[%dma_wait3A_373, %dma_wait3A_374, %dma_wait3A_375] : memref<8x200x64xf32, #tpu.memory_space<vmem>> -> memref<1x200x64xf32, #tpu.memory_space<vmem>>
        %dma_wait3A_377 = tpu.memref_squeeze %dma_wait3A_376 : memref<1x200x64xf32, #tpu.memory_space<vmem>> -> memref<200x64xf32, #tpu.memory_space<vmem>>
        %dma_wait3A_378 = arith.constant 0 : i32
        %dma_wait3A_379 = arith.constant 0 : i32
        %dma_wait3A_380 = tpu.memref_slice %arg3[%dma_wait3A_378, %dma_wait3A_379] : memref<1000000x64xf32, #tpu.memory_space<hbm>> -> memref<200x64xf32, #tpu.memory_space<hbm>>
        %dma_wait3A_381 = arith.constant 0 : i32
        %dma_wait3A_382 = arith.constant 0 : i32
        %dma_wait3A_383 = tpu.memref_slice %arg6[%dma_wait3A_373, %dma_wait3A_381, %dma_wait3A_382] : memref<8x200x64xf32, #tpu.memory_space<vmem>> -> memref<1x200x64xf32, #tpu.memory_space<vmem>>
        %dma_wait3A_384 = tpu.memref_squeeze %dma_wait3A_383 : memref<1x200x64xf32, #tpu.memory_space<vmem>> -> memref<200x64xf32, #tpu.memory_space<vmem>>
        %dma_wait3A_385 = arith.constant 0 : i32
        %dma_wait3A_386 = arith.constant 0 : i32
        %dma_wait3A_387 = tpu.memref_slice %arg3[%dma_wait3A_385, %dma_wait3A_386] : memref<1000000x64xf32, #tpu.memory_space<hbm>> -> memref<200x64xf32, #tpu.memory_space<hbm>>
        tpu.wait_dma2 semaphore(%arg12 : memref<!tpu.dma_semaphore, #tpu.memory_space<semaphore_mem>>) src(%dma_wait3A_387 : memref<200x64xf32, #tpu.memory_space<hbm>>) dst(%dma_wait3A_384 : memref<200x64xf32, #tpu.memory_space<vmem>>)
        %add3A_388 = arith.constant 6 : i32
        %add3A_389 = arith.addi %add3A_372, %add3A_388 : i32
        %lt3A_390 = arith.constant 64 : i32
        %lt3A_391 = arith.cmpi slt, %add3A_389, %lt3A_390 : i32
        %convert_element_type3A_392 = arith.extui %lt3A_391 : i1 to i32
        %cond3A_393 = arith.constant 0 : i32
        %cond3A_394 = arith.cmpi ne, %convert_element_type3A_392, %cond3A_393 : i32
        scf.if %cond3A_394 {
          %add3A_595 = arith.constant 6 : i32
          %add3A_596 = arith.addi %add3A_372, %add3A_595 : i32
          %mul3A_597 = arith.constant 200 : i32
          %mul3A_598 = arith.muli %add3A_596, %mul3A_597 : i32
          %multiple_of3A_599 = tpu.assume_multiple %mul3A_598, 8 : i32
          %dma_start3A_600 = arith.constant 2 : i32
          %dma_start3A_601 = arith.constant 0 : i32
          %dma_start3A_602 = arith.constant 0 : i32
          %dma_start3A_603 = tpu.memref_slice %arg6[%dma_start3A_600, %dma_start3A_601, %dma_start3A_602] : memref<8x200x64xf32, #tpu.memory_space<vmem>> -> memref<1x104x64xf32, #tpu.memory_space<vmem>>
          %dma_start3A_604 = tpu.memref_squeeze %dma_start3A_603 : memref<1x104x64xf32, #tpu.memory_space<vmem>> -> memref<104x64xf32, #tpu.memory_space<vmem>>
          %dma_start3A_605 = tpu.memref_slice %arg5[%multiple_of3A_599] : memref<12800xi32, #tpu.memory_space<vmem>> -> memref<104xi32, #tpu.memory_space<vmem>>
          %dma_start3A_606 = arith.constant 0 : i32
          %dma_start3A_607 = arith.constant 0 : i32
          %dma_start3A_608 = tpu.memref_slice %arg3[%dma_start3A_606, %dma_start3A_607] : memref<1000000x64xf32, #tpu.memory_space<hbm>> -> memref<1000000x64xf32, #tpu.memory_space<hbm>>
          tpu.enqueue_indirect_dma source(%dma_start3A_608 : memref<1000000x64xf32, #tpu.memory_space<hbm>>) target(%dma_start3A_604 : memref<104x64xf32, #tpu.memory_space<vmem>>) offsets(%dma_start3A_605 : memref<104xi32, #tpu.memory_space<vmem>>) semaphore(%arg10 : memref<!tpu.dma_semaphore, #tpu.memory_space<semaphore_mem>>)
          %mul3A_609 = arith.constant 200 : i32
          %mul3A_610 = arith.muli %add3A_596, %mul3A_609 : i32
          %add3A_611 = arith.constant 104 : i32
          %add3A_612 = arith.addi %mul3A_610, %add3A_611 : i32
          %multiple_of3A_613 = tpu.assume_multiple %add3A_612, 8 : i32
          %dma_start3A_614 = arith.constant 2 : i32
          %dma_start3A_615 = arith.constant 104 : i32
          %dma_start3A_616 = arith.constant 0 : i32
          %dma_start3A_617 = tpu.memref_slice %arg6[%dma_start3A_614, %dma_start3A_615, %dma_start3A_616] : memref<8x200x64xf32, #tpu.memory_space<vmem>> -> memref<1x96x64xf32, #tpu.memory_space<vmem>>
          %dma_start3A_618 = tpu.memref_squeeze %dma_start3A_617 : memref<1x96x64xf32, #tpu.memory_space<vmem>> -> memref<96x64xf32, #tpu.memory_space<vmem>>
          %dma_start3A_619 = tpu.memref_slice %arg5[%multiple_of3A_613] : memref<12800xi32, #tpu.memory_space<vmem>> -> memref<96xi32, #tpu.memory_space<vmem>>
          %dma_start3A_620 = arith.constant 0 : i32
          %dma_start3A_621 = arith.constant 0 : i32
          %dma_start3A_622 = tpu.memref_slice %arg3[%dma_start3A_620, %dma_start3A_621] : memref<1000000x64xf32, #tpu.memory_space<hbm>> -> memref<1000000x64xf32, #tpu.memory_space<hbm>>
          tpu.enqueue_indirect_dma source(%dma_start3A_622 : memref<1000000x64xf32, #tpu.memory_space<hbm>>) target(%dma_start3A_618 : memref<96x64xf32, #tpu.memory_space<vmem>>) offsets(%dma_start3A_619 : memref<96xi32, #tpu.memory_space<vmem>>) semaphore(%arg10 : memref<!tpu.dma_semaphore, #tpu.memory_space<semaphore_mem>>)
        } else {
        }
        %broadcast_in_dim3A_395 = arith.constant 0.000000e+00 : f32
        %broadcast_in_dim3A_396 = vector.broadcast %broadcast_in_dim3A_395 : f32 to vector<16xf32>
        %scan3A_397 = arith.constant 0 : i32
        %scan3A_398 = arith.constant 25 : i32
        %scan3A_399 = arith.addi %scan3A_397, %scan3A_398 : i32
        %scan3A_400 = arith.constant 1 : i32
        %scan3A_401:8 = scf.for %scan3A_595 = %scan3A_397 to %scan3A_399 step %scan3A_400 iter_args(%scan3A_596 = %broadcast_in_dim3A_396, %scan3A_597 = %broadcast_in_dim3A_396, %scan3A_598 = %broadcast_in_dim3A_396, %scan3A_599 = %broadcast_in_dim3A_396, %scan3A_600 = %broadcast_in_dim3A_396, %scan3A_601 = %broadcast_in_dim3A_396, %scan3A_602 = %broadcast_in_dim3A_396, %scan3A_603 = %broadcast_in_dim3A_396) -> (vector<16xf32>, vector<16xf32>, vector<16xf32>, vector<16xf32>, vector<16xf32>, vector<16xf32>, vector<16xf32>, vector<16xf32>)  : i32 {
          %mul3A_604 = arith.constant 8 : i32
          %mul3A_605 = arith.muli %scan3A_595, %mul3A_604 : i32
          %add3A_606 = arith.constant 0 : i32
          %add3A_607 = arith.addi %mul3A_605, %add3A_606 : i32
          %get3A = arith.constant 4 : i32
          %get3A_608 = arith.index_cast %get3A : i32 to index
          %get3A_609 = arith.index_cast %add3A_607 : i32 to index
          %get3A_610 = arith.constant 0 : index
          %get3A_611 = tpu.vector_load %arg6[%get3A_608, %get3A_609, %get3A_610] {strides = array<i32>} : memref<8x200x64xf32, #tpu.memory_space<vmem>>, vector<1x1x16xf32>,
          %get3A_612 = vector.shape_cast %get3A_611 : vector<1x1x16xf32> to vector<16xf32>
          %add3A_613 = arith.addf %scan3A_596, %get3A_612 : vector<16xf32>
          %get3A_614 = arith.constant 4 : i32
          %get3A_615 = arith.index_cast %get3A_614 : i32 to index
          %get3A_616 = arith.index_cast %add3A_607 : i32 to index
          %get3A_617 = arith.constant 16 : index
          %get3A_618 = tpu.vector_load %arg6[%get3A_615, %get3A_616, %get3A_617] {strides = array<i32>} : memref<8x200x64xf32, #tpu.memory_space<vmem>>, vector<1x1x16xf32>,
          %get3A_619 = vector.shape_cast %get3A_618 : vector<1x1x16xf32> to vector<16xf32>
          %add3A_620 = arith.addf %scan3A_597, %get3A_619 : vector<16xf32>
          %get3A_621 = arith.constant 4 : i32
          %get3A_622 = arith.index_cast %get3A_621 : i32 to index
          %get3A_623 = arith.index_cast %add3A_607 : i32 to index
          %get3A_624 = arith.constant 32 : index
          %get3A_625 = tpu.vector_load %arg6[%get3A_622, %get3A_623, %get3A_624] {strides = array<i32>} : memref<8x200x64xf32, #tpu.memory_space<vmem>>, vector<1x1x16xf32>,
          %get3A_626 = vector.shape_cast %get3A_625 : vector<1x1x16xf32> to vector<16xf32>
          %add3A_627 = arith.addf %scan3A_598, %get3A_626 : vector<16xf32>
          %get3A_628 = arith.constant 4 : i32
          %get3A_629 = arith.index_cast %get3A_628 : i32 to index
          %get3A_630 = arith.index_cast %add3A_607 : i32 to index
          %get3A_631 = arith.constant 48 : index
          %get3A_632 = tpu.vector_load %arg6[%get3A_629, %get3A_630, %get3A_631] {strides = array<i32>} : memref<8x200x64xf32, #tpu.memory_space<vmem>>, vector<1x1x16xf32>,
          %get3A_633 = vector.shape_cast %get3A_632 : vector<1x1x16xf32> to vector<16xf32>
          %add3A_634 = arith.addf %scan3A_599, %get3A_633 : vector<16xf32>
          %mul3A_635 = arith.constant 8 : i32
          %mul3A_636 = arith.muli %scan3A_595, %mul3A_635 : i32
          %add3A_637 = arith.constant 1 : i32
          %add3A_638 = arith.addi %mul3A_636, %add3A_637 : i32
          %get3A_639 = arith.constant 4 : i32
          %get3A_640 = arith.index_cast %get3A_639 : i32 to index
          %get3A_641 = arith.index_cast %add3A_638 : i32 to index
          %get3A_642 = arith.constant 0 : index
          %get3A_643 = tpu.vector_load %arg6[%get3A_640, %get3A_641, %get3A_642] {strides = array<i32>} : memref<8x200x64xf32, #tpu.memory_space<vmem>>, vector<1x1x16xf32>,
          %get3A_644 = vector.shape_cast %get3A_643 : vector<1x1x16xf32> to vector<16xf32>
          %add3A_645 = arith.addf %scan3A_600, %get3A_644 : vector<16xf32>
          %get3A_646 = arith.constant 4 : i32
          %get3A_647 = arith.index_cast %get3A_646 : i32 to index
          %get3A_648 = arith.index_cast %add3A_638 : i32 to index
          %get3A_649 = arith.constant 16 : index
          %get3A_650 = tpu.vector_load %arg6[%get3A_647, %get3A_648, %get3A_649] {strides = array<i32>} : memref<8x200x64xf32, #tpu.memory_space<vmem>>, vector<1x1x16xf32>,
          %get3A_651 = vector.shape_cast %get3A_650 : vector<1x1x16xf32> to vector<16xf32>
          %add3A_652 = arith.addf %scan3A_601, %get3A_651 : vector<16xf32>
          %get3A_653 = arith.constant 4 : i32
          %get3A_654 = arith.index_cast %get3A_653 : i32 to index
          %get3A_655 = arith.index_cast %add3A_638 : i32 to index
          %get3A_656 = arith.constant 32 : index
          %get3A_657 = tpu.vector_load %arg6[%get3A_654, %get3A_655, %get3A_656] {strides = array<i32>} : memref<8x200x64xf32, #tpu.memory_space<vmem>>, vector<1x1x16xf32>,
          %get3A_658 = vector.shape_cast %get3A_657 : vector<1x1x16xf32> to vector<16xf32>
          %add3A_659 = arith.addf %scan3A_602, %get3A_658 : vector<16xf32>
          %get3A_660 = arith.constant 4 : i32
          %get3A_661 = arith.index_cast %get3A_660 : i32 to index
          %get3A_662 = arith.index_cast %add3A_638 : i32 to index
          %get3A_663 = arith.constant 48 : index
          %get3A_664 = tpu.vector_load %arg6[%get3A_661, %get3A_662, %get3A_663] {strides = array<i32>} : memref<8x200x64xf32, #tpu.memory_space<vmem>>, vector<1x1x16xf32>,
          %get3A_665 = vector.shape_cast %get3A_664 : vector<1x1x16xf32> to vector<16xf32>
          %add3A_666 = arith.addf %scan3A_603, %get3A_665 : vector<16xf32>
          %mul3A_667 = arith.constant 8 : i32
          %mul3A_668 = arith.muli %scan3A_595, %mul3A_667 : i32
          %add3A_669 = arith.constant 2 : i32
          %add3A_670 = arith.addi %mul3A_668, %add3A_669 : i32
          %get3A_671 = arith.constant 4 : i32
          %get3A_672 = arith.index_cast %get3A_671 : i32 to index
          %get3A_673 = arith.index_cast %add3A_670 : i32 to index
          %get3A_674 = arith.constant 0 : index
          %get3A_675 = tpu.vector_load %arg6[%get3A_672, %get3A_673, %get3A_674] {strides = array<i32>} : memref<8x200x64xf32, #tpu.memory_space<vmem>>, vector<1x1x16xf32>,
          %get3A_676 = vector.shape_cast %get3A_675 : vector<1x1x16xf32> to vector<16xf32>
          %add3A_677 = arith.addf %add3A_613, %get3A_676 : vector<16xf32>
          %get3A_678 = arith.constant 4 : i32
          %get3A_679 = arith.index_cast %get3A_678 : i32 to index
          %get3A_680 = arith.index_cast %add3A_670 : i32 to index
          %get3A_681 = arith.constant 16 : index
          %get3A_682 = tpu.vector_load %arg6[%get3A_679, %get3A_680, %get3A_681] {strides = array<i32>} : memref<8x200x64xf32, #tpu.memory_space<vmem>>, vector<1x1x16xf32>,
          %get3A_683 = vector.shape_cast %get3A_682 : vector<1x1x16xf32> to vector<16xf32>
          %add3A_684 = arith.addf %add3A_620, %get3A_683 : vector<16xf32>
          %get3A_685 = arith.constant 4 : i32
          %get3A_686 = arith.index_cast %get3A_685 : i32 to index
          %get3A_687 = arith.index_cast %add3A_670 : i32 to index
          %get3A_688 = arith.constant 32 : index
          %get3A_689 = tpu.vector_load %arg6[%get3A_686, %get3A_687, %get3A_688] {strides = array<i32>} : memref<8x200x64xf32, #tpu.memory_space<vmem>>, vector<1x1x16xf32>,
          %get3A_690 = vector.shape_cast %get3A_689 : vector<1x1x16xf32> to vector<16xf32>
          %add3A_691 = arith.addf %add3A_627, %get3A_690 : vector<16xf32>
          %get3A_692 = arith.constant 4 : i32
          %get3A_693 = arith.index_cast %get3A_692 : i32 to index
          %get3A_694 = arith.index_cast %add3A_670 : i32 to index
          %get3A_695 = arith.constant 48 : index
          %get3A_696 = tpu.vector_load %arg6[%get3A_693, %get3A_694, %get3A_695] {strides = array<i32>} : memref<8x200x64xf32, #tpu.memory_space<vmem>>, vector<1x1x16xf32>,
          %get3A_697 = vector.shape_cast %get3A_696 : vector<1x1x16xf32> to vector<16xf32>
          %add3A_698 = arith.addf %add3A_634, %get3A_697 : vector<16xf32>
          %mul3A_699 = arith.constant 8 : i32
          %mul3A_700 = arith.muli %scan3A_595, %mul3A_699 : i32
          %add3A_701 = arith.constant 3 : i32
          %add3A_702 = arith.addi %mul3A_700, %add3A_701 : i32
          %get3A_703 = arith.constant 4 : i32
          %get3A_704 = arith.index_cast %get3A_703 : i32 to index
          %get3A_705 = arith.index_cast %add3A_702 : i32 to index
          %get3A_706 = arith.constant 0 : index
          %get3A_707 = tpu.vector_load %arg6[%get3A_704, %get3A_705, %get3A_706] {strides = array<i32>} : memref<8x200x64xf32, #tpu.memory_space<vmem>>, vector<1x1x16xf32>,
          %get3A_708 = vector.shape_cast %get3A_707 : vector<1x1x16xf32> to vector<16xf32>
          %add3A_709 = arith.addf %add3A_645, %get3A_708 : vector<16xf32>
          %get3A_710 = arith.constant 4 : i32
          %get3A_711 = arith.index_cast %get3A_710 : i32 to index
          %get3A_712 = arith.index_cast %add3A_702 : i32 to index
          %get3A_713 = arith.constant 16 : index
          %get3A_714 = tpu.vector_load %arg6[%get3A_711, %get3A_712, %get3A_713] {strides = array<i32>} : memref<8x200x64xf32, #tpu.memory_space<vmem>>, vector<1x1x16xf32>,
          %get3A_715 = vector.shape_cast %get3A_714 : vector<1x1x16xf32> to vector<16xf32>
          %add3A_716 = arith.addf %add3A_652, %get3A_715 : vector<16xf32>
          %get3A_717 = arith.constant 4 : i32
          %get3A_718 = arith.index_cast %get3A_717 : i32 to index
          %get3A_719 = arith.index_cast %add3A_702 : i32 to index
          %get3A_720 = arith.constant 32 : index
          %get3A_721 = tpu.vector_load %arg6[%get3A_718, %get3A_719, %get3A_720] {strides = array<i32>} : memref<8x200x64xf32, #tpu.memory_space<vmem>>, vector<1x1x16xf32>,
          %get3A_722 = vector.shape_cast %get3A_721 : vector<1x1x16xf32> to vector<16xf32>
          %add3A_723 = arith.addf %add3A_659, %get3A_722 : vector<16xf32>
          %get3A_724 = arith.constant 4 : i32
          %get3A_725 = arith.index_cast %get3A_724 : i32 to index
          %get3A_726 = arith.index_cast %add3A_702 : i32 to index
          %get3A_727 = arith.constant 48 : index
          %get3A_728 = tpu.vector_load %arg6[%get3A_725, %get3A_726, %get3A_727] {strides = array<i32>} : memref<8x200x64xf32, #tpu.memory_space<vmem>>, vector<1x1x16xf32>,
          %get3A_729 = vector.shape_cast %get3A_728 : vector<1x1x16xf32> to vector<16xf32>
          %add3A_730 = arith.addf %add3A_666, %get3A_729 : vector<16xf32>
          %mul3A_731 = arith.constant 8 : i32
          %mul3A_732 = arith.muli %scan3A_595, %mul3A_731 : i32
          %add3A_733 = arith.constant 4 : i32
          %add3A_734 = arith.addi %mul3A_732, %add3A_733 : i32
          %get3A_735 = arith.constant 4 : i32
          %get3A_736 = arith.index_cast %get3A_735 : i32 to index
          %get3A_737 = arith.index_cast %add3A_734 : i32 to index
          %get3A_738 = arith.constant 0 : index
          %get3A_739 = tpu.vector_load %arg6[%get3A_736, %get3A_737, %get3A_738] {strides = array<i32>} : memref<8x200x64xf32, #tpu.memory_space<vmem>>, vector<1x1x16xf32>,
          %get3A_740 = vector.shape_cast %get3A_739 : vector<1x1x16xf32> to vector<16xf32>
          %add3A_741 = arith.addf %add3A_677, %get3A_740 : vector<16xf32>
          %get3A_742 = arith.constant 4 : i32
          %get3A_743 = arith.index_cast %get3A_742 : i32 to index
          %get3A_744 = arith.index_cast %add3A_734 : i32 to index
          %get3A_745 = arith.constant 16 : index
          %get3A_746 = tpu.vector_load %arg6[%get3A_743, %get3A_744, %get3A_745] {strides = array<i32>} : memref<8x200x64xf32, #tpu.memory_space<vmem>>, vector<1x1x16xf32>,
          %get3A_747 = vector.shape_cast %get3A_746 : vector<1x1x16xf32> to vector<16xf32>
          %add3A_748 = arith.addf %add3A_684, %get3A_747 : vector<16xf32>
          %get3A_749 = arith.constant 4 : i32
          %get3A_750 = arith.index_cast %get3A_749 : i32 to index
          %get3A_751 = arith.index_cast %add3A_734 : i32 to index
          %get3A_752 = arith.constant 32 : index
          %get3A_753 = tpu.vector_load %arg6[%get3A_750, %get3A_751, %get3A_752] {strides = array<i32>} : memref<8x200x64xf32, #tpu.memory_space<vmem>>, vector<1x1x16xf32>,
          %get3A_754 = vector.shape_cast %get3A_753 : vector<1x1x16xf32> to vector<16xf32>
          %add3A_755 = arith.addf %add3A_691, %get3A_754 : vector<16xf32>
          %get3A_756 = arith.constant 4 : i32
          %get3A_757 = arith.index_cast %get3A_756 : i32 to index
          %get3A_758 = arith.index_cast %add3A_734 : i32 to index
          %get3A_759 = arith.constant 48 : index
          %get3A_760 = tpu.vector_load %arg6[%get3A_757, %get3A_758, %get3A_759] {strides = array<i32>} : memref<8x200x64xf32, #tpu.memory_space<vmem>>, vector<1x1x16xf32>,
          %get3A_761 = vector.shape_cast %get3A_760 : vector<1x1x16xf32> to vector<16xf32>
          %add3A_762 = arith.addf %add3A_698, %get3A_761 : vector<16xf32>
          %mul3A_763 = arith.constant 8 : i32
          %mul3A_764 = arith.muli %scan3A_595, %mul3A_763 : i32
          %add3A_765 = arith.constant 5 : i32
          %add3A_766 = arith.addi %mul3A_764, %add3A_765 : i32
          %get3A_767 = arith.constant 4 : i32
          %get3A_768 = arith.index_cast %get3A_767 : i32 to index
          %get3A_769 = arith.index_cast %add3A_766 : i32 to index
          %get3A_770 = arith.constant 0 : index
          %get3A_771 = tpu.vector_load %arg6[%get3A_768, %get3A_769, %get3A_770] {strides = array<i32>} : memref<8x200x64xf32, #tpu.memory_space<vmem>>, vector<1x1x16xf32>,
          %get3A_772 = vector.shape_cast %get3A_771 : vector<1x1x16xf32> to vector<16xf32>
          %add3A_773 = arith.addf %add3A_709, %get3A_772 : vector<16xf32>
          %get3A_774 = arith.constant 4 : i32
          %get3A_775 = arith.index_cast %get3A_774 : i32 to index
          %get3A_776 = arith.index_cast %add3A_766 : i32 to index
          %get3A_777 = arith.constant 16 : index
          %get3A_778 = tpu.vector_load %arg6[%get3A_775, %get3A_776, %get3A_777] {strides = array<i32>} : memref<8x200x64xf32, #tpu.memory_space<vmem>>, vector<1x1x16xf32>,
          %get3A_779 = vector.shape_cast %get3A_778 : vector<1x1x16xf32> to vector<16xf32>
          %add3A_780 = arith.addf %add3A_716, %get3A_779 : vector<16xf32>
          %get3A_781 = arith.constant 4 : i32
          %get3A_782 = arith.index_cast %get3A_781 : i32 to index
          %get3A_783 = arith.index_cast %add3A_766 : i32 to index
          %get3A_784 = arith.constant 32 : index
          %get3A_785 = tpu.vector_load %arg6[%get3A_782, %get3A_783, %get3A_784] {strides = array<i32>} : memref<8x200x64xf32, #tpu.memory_space<vmem>>, vector<1x1x16xf32>,
          %get3A_786 = vector.shape_cast %get3A_785 : vector<1x1x16xf32> to vector<16xf32>
          %add3A_787 = arith.addf %add3A_723, %get3A_786 : vector<16xf32>
          %get3A_788 = arith.constant 4 : i32
          %get3A_789 = arith.index_cast %get3A_788 : i32 to index
          %get3A_790 = arith.index_cast %add3A_766 : i32 to index
          %get3A_791 = arith.constant 48 : index
          %get3A_792 = tpu.vector_load %arg6[%get3A_789, %get3A_790, %get3A_791] {strides = array<i32>} : memref<8x200x64xf32, #tpu.memory_space<vmem>>, vector<1x1x16xf32>,
          %get3A_793 = vector.shape_cast %get3A_792 : vector<1x1x16xf32> to vector<16xf32>
          %add3A_794 = arith.addf %add3A_730, %get3A_793 : vector<16xf32>
          %mul3A_795 = arith.constant 8 : i32
          %mul3A_796 = arith.muli %scan3A_595, %mul3A_795 : i32
          %add3A_797 = arith.constant 6 : i32
          %add3A_798 = arith.addi %mul3A_796, %add3A_797 : i32
          %get3A_799 = arith.constant 4 : i32
          %get3A_800 = arith.index_cast %get3A_799 : i32 to index
          %get3A_801 = arith.index_cast %add3A_798 : i32 to index
          %get3A_802 = arith.constant 0 : index
          %get3A_803 = tpu.vector_load %arg6[%get3A_800, %get3A_801, %get3A_802] {strides = array<i32>} : memref<8x200x64xf32, #tpu.memory_space<vmem>>, vector<1x1x16xf32>,
          %get3A_804 = vector.shape_cast %get3A_803 : vector<1x1x16xf32> to vector<16xf32>
          %add3A_805 = arith.addf %add3A_741, %get3A_804 : vector<16xf32>
          %get3A_806 = arith.constant 4 : i32
          %get3A_807 = arith.index_cast %get3A_806 : i32 to index
          %get3A_808 = arith.index_cast %add3A_798 : i32 to index
          %get3A_809 = arith.constant 16 : index
          %get3A_810 = tpu.vector_load %arg6[%get3A_807, %get3A_808, %get3A_809] {strides = array<i32>} : memref<8x200x64xf32, #tpu.memory_space<vmem>>, vector<1x1x16xf32>,
          %get3A_811 = vector.shape_cast %get3A_810 : vector<1x1x16xf32> to vector<16xf32>
          %add3A_812 = arith.addf %add3A_748, %get3A_811 : vector<16xf32>
          %get3A_813 = arith.constant 4 : i32
          %get3A_814 = arith.index_cast %get3A_813 : i32 to index
          %get3A_815 = arith.index_cast %add3A_798 : i32 to index
          %get3A_816 = arith.constant 32 : index
          %get3A_817 = tpu.vector_load %arg6[%get3A_814, %get3A_815, %get3A_816] {strides = array<i32>} : memref<8x200x64xf32, #tpu.memory_space<vmem>>, vector<1x1x16xf32>,
          %get3A_818 = vector.shape_cast %get3A_817 : vector<1x1x16xf32> to vector<16xf32>
          %add3A_819 = arith.addf %add3A_755, %get3A_818 : vector<16xf32>
          %get3A_820 = arith.constant 4 : i32
          %get3A_821 = arith.index_cast %get3A_820 : i32 to index
          %get3A_822 = arith.index_cast %add3A_798 : i32 to index
          %get3A_823 = arith.constant 48 : index
          %get3A_824 = tpu.vector_load %arg6[%get3A_821, %get3A_822, %get3A_823] {strides = array<i32>} : memref<8x200x64xf32, #tpu.memory_space<vmem>>, vector<1x1x16xf32>,
          %get3A_825 = vector.shape_cast %get3A_824 : vector<1x1x16xf32> to vector<16xf32>
          %add3A_826 = arith.addf %add3A_762, %get3A_825 : vector<16xf32>
          %mul3A_827 = arith.constant 8 : i32
          %mul3A_828 = arith.muli %scan3A_595, %mul3A_827 : i32
          %add3A_829 = arith.constant 7 : i32
          %add3A_830 = arith.addi %mul3A_828, %add3A_829 : i32
          %get3A_831 = arith.constant 4 : i32
          %get3A_832 = arith.index_cast %get3A_831 : i32 to index
          %get3A_833 = arith.index_cast %add3A_830 : i32 to index
          %get3A_834 = arith.constant 0 : index
          %get3A_835 = tpu.vector_load %arg6[%get3A_832, %get3A_833, %get3A_834] {strides = array<i32>} : memref<8x200x64xf32, #tpu.memory_space<vmem>>, vector<1x1x16xf32>,
          %get3A_836 = vector.shape_cast %get3A_835 : vector<1x1x16xf32> to vector<16xf32>
          %add3A_837 = arith.addf %add3A_773, %get3A_836 : vector<16xf32>
          %get3A_838 = arith.constant 4 : i32
          %get3A_839 = arith.index_cast %get3A_838 : i32 to index
          %get3A_840 = arith.index_cast %add3A_830 : i32 to index
          %get3A_841 = arith.constant 16 : index
          %get3A_842 = tpu.vector_load %arg6[%get3A_839, %get3A_840, %get3A_841] {strides = array<i32>} : memref<8x200x64xf32, #tpu.memory_space<vmem>>, vector<1x1x16xf32>,
          %get3A_843 = vector.shape_cast %get3A_842 : vector<1x1x16xf32> to vector<16xf32>
          %add3A_844 = arith.addf %add3A_780, %get3A_843 : vector<16xf32>
          %get3A_845 = arith.constant 4 : i32
          %get3A_846 = arith.index_cast %get3A_845 : i32 to index
          %get3A_847 = arith.index_cast %add3A_830 : i32 to index
          %get3A_848 = arith.constant 32 : index
          %get3A_849 = tpu.vector_load %arg6[%get3A_846, %get3A_847, %get3A_848] {strides = array<i32>} : memref<8x200x64xf32, #tpu.memory_space<vmem>>, vector<1x1x16xf32>,
          %get3A_850 = vector.shape_cast %get3A_849 : vector<1x1x16xf32> to vector<16xf32>
          %add3A_851 = arith.addf %add3A_787, %get3A_850 : vector<16xf32>
          %get3A_852 = arith.constant 4 : i32
          %get3A_853 = arith.index_cast %get3A_852 : i32 to index
          %get3A_854 = arith.index_cast %add3A_830 : i32 to index
          %get3A_855 = arith.constant 48 : index
          %get3A_856 = tpu.vector_load %arg6[%get3A_853, %get3A_854, %get3A_855] {strides = array<i32>} : memref<8x200x64xf32, #tpu.memory_space<vmem>>, vector<1x1x16xf32>,
          %get3A_857 = vector.shape_cast %get3A_856 : vector<1x1x16xf32> to vector<16xf32>
          %add3A_858 = arith.addf %add3A_794, %get3A_857 : vector<16xf32>
          scf.yield %add3A_805, %add3A_812, %add3A_819, %add3A_826, %add3A_837, %add3A_844, %add3A_851, %add3A_858 : vector<16xf32>, vector<16xf32>, vector<16xf32>, vector<16xf32>, vector<16xf32>, vector<16xf32>, vector<16xf32>, vector<16xf32>
        }
        %scan3A_402 = arith.constant 25 : i32
        %add3A_403 = arith.addf %scan3A_401#0, %scan3A_401#4 : vector<16xf32>
        %swap3A_404 = arith.index_cast %add3A_372 : i32 to index
        %swap3A_405 = arith.constant 0 : index
        %swap3A_406 = tpu.vector_load %arg7[%swap3A_404, %swap3A_405] {strides = array<i32>} : memref<64x64xf32, #tpu.memory_space<vmem>>, vector<1x16xf32>,
        %swap3A_407 = vector.shape_cast %swap3A_406 : vector<1x16xf32> to vector<16xf32>
        %swap3A_408 = vector.shape_cast %add3A_403 : vector<16xf32> to vector<1x16xf32>
        tpu.vector_store %arg7[%swap3A_404, %swap3A_405], %swap3A_408 {strides = array<i32>} : memref<64x64xf32, #tpu.memory_space<vmem>>, vector<1x16xf32>,
        %add3A_409 = arith.addf %scan3A_401#1, %scan3A_401#5 : vector<16xf32>
        %swap3A_410 = arith.index_cast %add3A_372 : i32 to index
        %swap3A_411 = arith.constant 16 : index
        %swap3A_412 = tpu.vector_load %arg7[%swap3A_410, %swap3A_411] {strides = array<i32>} : memref<64x64xf32, #tpu.memory_space<vmem>>, vector<1x16xf32>,
        %swap3A_413 = vector.shape_cast %swap3A_412 : vector<1x16xf32> to vector<16xf32>
        %swap3A_414 = vector.shape_cast %add3A_409 : vector<16xf32> to vector<1x16xf32>
        tpu.vector_store %arg7[%swap3A_410, %swap3A_411], %swap3A_414 {strides = array<i32>} : memref<64x64xf32, #tpu.memory_space<vmem>>, vector<1x16xf32>,
        %add3A_415 = arith.addf %scan3A_401#2, %scan3A_401#6 : vector<16xf32>
        %swap3A_416 = arith.index_cast %add3A_372 : i32 to index
        %swap3A_417 = arith.constant 32 : index
        %swap3A_418 = tpu.vector_load %arg7[%swap3A_416, %swap3A_417] {strides = array<i32>} : memref<64x64xf32, #tpu.memory_space<vmem>>, vector<1x16xf32>,
        %swap3A_419 = vector.shape_cast %swap3A_418 : vector<1x16xf32> to vector<16xf32>
        %swap3A_420 = vector.shape_cast %add3A_415 : vector<16xf32> to vector<1x16xf32>
        tpu.vector_store %arg7[%swap3A_416, %swap3A_417], %swap3A_420 {strides = array<i32>} : memref<64x64xf32, #tpu.memory_space<vmem>>, vector<1x16xf32>,
        %add3A_421 = arith.addf %scan3A_401#3, %scan3A_401#7 : vector<16xf32>
        %swap3A_422 = arith.index_cast %add3A_372 : i32 to index
        %swap3A_423 = arith.constant 48 : index
        %swap3A_424 = tpu.vector_load %arg7[%swap3A_422, %swap3A_423] {strides = array<i32>} : memref<64x64xf32, #tpu.memory_space<vmem>>, vector<1x16xf32>,
        %swap3A_425 = vector.shape_cast %swap3A_424 : vector<1x16xf32> to vector<16xf32>
        %swap3A_426 = vector.shape_cast %add3A_421 : vector<16xf32> to vector<1x16xf32>
        tpu.vector_store %arg7[%swap3A_422, %swap3A_423], %swap3A_426 {strides = array<i32>} : memref<64x64xf32, #tpu.memory_space<vmem>>, vector<1x16xf32>,
        %add3A_427 = arith.constant 5 : i32
        %add3A_428 = arith.addi %mul3A_152, %add3A_427 : i32
        %dma_wait3A_429 = arith.constant 5 : i32
        %dma_wait3A_430 = arith.constant 0 : i32
        %dma_wait3A_431 = arith.constant 0 : i32
        %dma_wait3A_432 = tpu.memref_slice %arg6[%dma_wait3A_429, %dma_wait3A_430, %dma_wait3A_431] : memref<8x200x64xf32, #tpu.memory_space<vmem>> -> memref<1x200x64xf32, #tpu.memory_space<vmem>>
        %dma_wait3A_433 = tpu.memref_squeeze %dma_wait3A_432 : memref<1x200x64xf32, #tpu.memory_space<vmem>> -> memref<200x64xf32, #tpu.memory_space<vmem>>
        %dma_wait3A_434 = arith.constant 0 : i32
        %dma_wait3A_435 = arith.constant 0 : i32
        %dma_wait3A_436 = tpu.memref_slice %arg3[%dma_wait3A_434, %dma_wait3A_435] : memref<1000000x64xf32, #tpu.memory_space<hbm>> -> memref<200x64xf32, #tpu.memory_space<hbm>>
        %dma_wait3A_437 = arith.constant 0 : i32
        %dma_wait3A_438 = arith.constant 0 : i32
        %dma_wait3A_439 = tpu.memref_slice %arg6[%dma_wait3A_429, %dma_wait3A_437, %dma_wait3A_438] : memref<8x200x64xf32, #tpu.memory_space<vmem>> -> memref<1x200x64xf32, #tpu.memory_space<vmem>>
        %dma_wait3A_440 = tpu.memref_squeeze %dma_wait3A_439 : memref<1x200x64xf32, #tpu.memory_space<vmem>> -> memref<200x64xf32, #tpu.memory_space<vmem>>
        %dma_wait3A_441 = arith.constant 0 : i32
        %dma_wait3A_442 = arith.constant 0 : i32
        %dma_wait3A_443 = tpu.memref_slice %arg3[%dma_wait3A_441, %dma_wait3A_442] : memref<1000000x64xf32, #tpu.memory_space<hbm>> -> memref<200x64xf32, #tpu.memory_space<hbm>>
        tpu.wait_dma2 semaphore(%arg13 : memref<!tpu.dma_semaphore, #tpu.memory_space<semaphore_mem>>) src(%dma_wait3A_443 : memref<200x64xf32, #tpu.memory_space<hbm>>) dst(%dma_wait3A_440 : memref<200x64xf32, #tpu.memory_space<vmem>>)
        %add3A_444 = arith.constant 6 : i32
        %add3A_445 = arith.addi %add3A_428, %add3A_444 : i32
        %lt3A_446 = arith.constant 64 : i32
        %lt3A_447 = arith.cmpi slt, %add3A_445, %lt3A_446 : i32
        %convert_element_type3A_448 = arith.extui %lt3A_447 : i1 to i32
        %cond3A_449 = arith.constant 0 : i32
        %cond3A_450 = arith.cmpi ne, %convert_element_type3A_448, %cond3A_449 : i32
        scf.if %cond3A_450 {
          %add3A_595 = arith.constant 6 : i32
          %add3A_596 = arith.addi %add3A_428, %add3A_595 : i32
          %mul3A_597 = arith.constant 200 : i32
          %mul3A_598 = arith.muli %add3A_596, %mul3A_597 : i32
          %multiple_of3A_599 = tpu.assume_multiple %mul3A_598, 8 : i32
          %dma_start3A_600 = arith.constant 3 : i32
          %dma_start3A_601 = arith.constant 0 : i32
          %dma_start3A_602 = arith.constant 0 : i32
          %dma_start3A_603 = tpu.memref_slice %arg6[%dma_start3A_600, %dma_start3A_601, %dma_start3A_602] : memref<8x200x64xf32, #tpu.memory_space<vmem>> -> memref<1x104x64xf32, #tpu.memory_space<vmem>>
          %dma_start3A_604 = tpu.memref_squeeze %dma_start3A_603 : memref<1x104x64xf32, #tpu.memory_space<vmem>> -> memref<104x64xf32, #tpu.memory_space<vmem>>
          %dma_start3A_605 = tpu.memref_slice %arg5[%multiple_of3A_599] : memref<12800xi32, #tpu.memory_space<vmem>> -> memref<104xi32, #tpu.memory_space<vmem>>
          %dma_start3A_606 = arith.constant 0 : i32
          %dma_start3A_607 = arith.constant 0 : i32
          %dma_start3A_608 = tpu.memref_slice %arg3[%dma_start3A_606, %dma_start3A_607] : memref<1000000x64xf32, #tpu.memory_space<hbm>> -> memref<1000000x64xf32, #tpu.memory_space<hbm>>
          tpu.enqueue_indirect_dma source(%dma_start3A_608 : memref<1000000x64xf32, #tpu.memory_space<hbm>>) target(%dma_start3A_604 : memref<104x64xf32, #tpu.memory_space<vmem>>) offsets(%dma_start3A_605 : memref<104xi32, #tpu.memory_space<vmem>>) semaphore(%arg11 : memref<!tpu.dma_semaphore, #tpu.memory_space<semaphore_mem>>)
          %mul3A_609 = arith.constant 200 : i32
          %mul3A_610 = arith.muli %add3A_596, %mul3A_609 : i32
          %add3A_611 = arith.constant 104 : i32
          %add3A_612 = arith.addi %mul3A_610, %add3A_611 : i32
          %multiple_of3A_613 = tpu.assume_multiple %add3A_612, 8 : i32
          %dma_start3A_614 = arith.constant 3 : i32
          %dma_start3A_615 = arith.constant 104 : i32
          %dma_start3A_616 = arith.constant 0 : i32
          %dma_start3A_617 = tpu.memref_slice %arg6[%dma_start3A_614, %dma_start3A_615, %dma_start3A_616] : memref<8x200x64xf32, #tpu.memory_space<vmem>> -> memref<1x96x64xf32, #tpu.memory_space<vmem>>
          %dma_start3A_618 = tpu.memref_squeeze %dma_start3A_617 : memref<1x96x64xf32, #tpu.memory_space<vmem>> -> memref<96x64xf32, #tpu.memory_space<vmem>>
          %dma_start3A_619 = tpu.memref_slice %arg5[%multiple_of3A_613] : memref<12800xi32, #tpu.memory_space<vmem>> -> memref<96xi32, #tpu.memory_space<vmem>>
          %dma_start3A_620 = arith.constant 0 : i32
          %dma_start3A_621 = arith.constant 0 : i32
          %dma_start3A_622 = tpu.memref_slice %arg3[%dma_start3A_620, %dma_start3A_621] : memref<1000000x64xf32, #tpu.memory_space<hbm>> -> memref<1000000x64xf32, #tpu.memory_space<hbm>>
          tpu.enqueue_indirect_dma source(%dma_start3A_622 : memref<1000000x64xf32, #tpu.memory_space<hbm>>) target(%dma_start3A_618 : memref<96x64xf32, #tpu.memory_space<vmem>>) offsets(%dma_start3A_619 : memref<96xi32, #tpu.memory_space<vmem>>) semaphore(%arg11 : memref<!tpu.dma_semaphore, #tpu.memory_space<semaphore_mem>>)
        } else {
        }
        %broadcast_in_dim3A_451 = arith.constant 0.000000e+00 : f32
        %broadcast_in_dim3A_452 = vector.broadcast %broadcast_in_dim3A_451 : f32 to vector<16xf32>
        %scan3A_453 = arith.constant 0 : i32
        %scan3A_454 = arith.constant 25 : i32
        %scan3A_455 = arith.addi %scan3A_453, %scan3A_454 : i32
        %scan3A_456 = arith.constant 1 : i32
        %scan3A_457:8 = scf.for %scan3A_595 = %scan3A_453 to %scan3A_455 step %scan3A_456 iter_args(%scan3A_596 = %broadcast_in_dim3A_452, %scan3A_597 = %broadcast_in_dim3A_452, %scan3A_598 = %broadcast_in_dim3A_452, %scan3A_599 = %broadcast_in_dim3A_452, %scan3A_600 = %broadcast_in_dim3A_452, %scan3A_601 = %broadcast_in_dim3A_452, %scan3A_602 = %broadcast_in_dim3A_452, %scan3A_603 = %broadcast_in_dim3A_452) -> (vector<16xf32>, vector<16xf32>, vector<16xf32>, vector<16xf32>, vector<16xf32>, vector<16xf32>, vector<16xf32>, vector<16xf32>)  : i32 {
          %mul3A_604 = arith.constant 8 : i32
          %mul3A_605 = arith.muli %scan3A_595, %mul3A_604 : i32
          %add3A_606 = arith.constant 0 : i32
          %add3A_607 = arith.addi %mul3A_605, %add3A_606 : i32
          %get3A = arith.constant 5 : i32
          %get3A_608 = arith.index_cast %get3A : i32 to index
          %get3A_609 = arith.index_cast %add3A_607 : i32 to index
          %get3A_610 = arith.constant 0 : index
          %get3A_611 = tpu.vector_load %arg6[%get3A_608, %get3A_609, %get3A_610] {strides = array<i32>} : memref<8x200x64xf32, #tpu.memory_space<vmem>>, vector<1x1x16xf32>,
          %get3A_612 = vector.shape_cast %get3A_611 : vector<1x1x16xf32> to vector<16xf32>
          %add3A_613 = arith.addf %scan3A_596, %get3A_612 : vector<16xf32>
          %get3A_614 = arith.constant 5 : i32
          %get3A_615 = arith.index_cast %get3A_614 : i32 to index
          %get3A_616 = arith.index_cast %add3A_607 : i32 to index
          %get3A_617 = arith.constant 16 : index
          %get3A_618 = tpu.vector_load %arg6[%get3A_615, %get3A_616, %get3A_617] {strides = array<i32>} : memref<8x200x64xf32, #tpu.memory_space<vmem>>, vector<1x1x16xf32>,
          %get3A_619 = vector.shape_cast %get3A_618 : vector<1x1x16xf32> to vector<16xf32>
          %add3A_620 = arith.addf %scan3A_597, %get3A_619 : vector<16xf32>
          %get3A_621 = arith.constant 5 : i32
          %get3A_622 = arith.index_cast %get3A_621 : i32 to index
          %get3A_623 = arith.index_cast %add3A_607 : i32 to index
          %get3A_624 = arith.constant 32 : index
          %get3A_625 = tpu.vector_load %arg6[%get3A_622, %get3A_623, %get3A_624] {strides = array<i32>} : memref<8x200x64xf32, #tpu.memory_space<vmem>>, vector<1x1x16xf32>,
          %get3A_626 = vector.shape_cast %get3A_625 : vector<1x1x16xf32> to vector<16xf32>
          %add3A_627 = arith.addf %scan3A_598, %get3A_626 : vector<16xf32>
          %get3A_628 = arith.constant 5 : i32
          %get3A_629 = arith.index_cast %get3A_628 : i32 to index
          %get3A_630 = arith.index_cast %add3A_607 : i32 to index
          %get3A_631 = arith.constant 48 : index
          %get3A_632 = tpu.vector_load %arg6[%get3A_629, %get3A_630, %get3A_631] {strides = array<i32>} : memref<8x200x64xf32, #tpu.memory_space<vmem>>, vector<1x1x16xf32>,
          %get3A_633 = vector.shape_cast %get3A_632 : vector<1x1x16xf32> to vector<16xf32>
          %add3A_634 = arith.addf %scan3A_599, %get3A_633 : vector<16xf32>
          %mul3A_635 = arith.constant 8 : i32
          %mul3A_636 = arith.muli %scan3A_595, %mul3A_635 : i32
          %add3A_637 = arith.constant 1 : i32
          %add3A_638 = arith.addi %mul3A_636, %add3A_637 : i32
          %get3A_639 = arith.constant 5 : i32
          %get3A_640 = arith.index_cast %get3A_639 : i32 to index
          %get3A_641 = arith.index_cast %add3A_638 : i32 to index
          %get3A_642 = arith.constant 0 : index
          %get3A_643 = tpu.vector_load %arg6[%get3A_640, %get3A_641, %get3A_642] {strides = array<i32>} : memref<8x200x64xf32, #tpu.memory_space<vmem>>, vector<1x1x16xf32>,
          %get3A_644 = vector.shape_cast %get3A_643 : vector<1x1x16xf32> to vector<16xf32>
          %add3A_645 = arith.addf %scan3A_600, %get3A_644 : vector<16xf32>
          %get3A_646 = arith.constant 5 : i32
          %get3A_647 = arith.index_cast %get3A_646 : i32 to index
          %get3A_648 = arith.index_cast %add3A_638 : i32 to index
          %get3A_649 = arith.constant 16 : index
          %get3A_650 = tpu.vector_load %arg6[%get3A_647, %get3A_648, %get3A_649] {strides = array<i32>} : memref<8x200x64xf32, #tpu.memory_space<vmem>>, vector<1x1x16xf32>,
          %get3A_651 = vector.shape_cast %get3A_650 : vector<1x1x16xf32> to vector<16xf32>
          %add3A_652 = arith.addf %scan3A_601, %get3A_651 : vector<16xf32>
          %get3A_653 = arith.constant 5 : i32
          %get3A_654 = arith.index_cast %get3A_653 : i32 to index
          %get3A_655 = arith.index_cast %add3A_638 : i32 to index
          %get3A_656 = arith.constant 32 : index
          %get3A_657 = tpu.vector_load %arg6[%get3A_654, %get3A_655, %get3A_656] {strides = array<i32>} : memref<8x200x64xf32, #tpu.memory_space<vmem>>, vector<1x1x16xf32>,
          %get3A_658 = vector.shape_cast %get3A_657 : vector<1x1x16xf32> to vector<16xf32>
          %add3A_659 = arith.addf %scan3A_602, %get3A_658 : vector<16xf32>
          %get3A_660 = arith.constant 5 : i32
          %get3A_661 = arith.index_cast %get3A_660 : i32 to index
          %get3A_662 = arith.index_cast %add3A_638 : i32 to index
          %get3A_663 = arith.constant 48 : index
          %get3A_664 = tpu.vector_load %arg6[%get3A_661, %get3A_662, %get3A_663] {strides = array<i32>} : memref<8x200x64xf32, #tpu.memory_space<vmem>>, vector<1x1x16xf32>,
          %get3A_665 = vector.shape_cast %get3A_664 : vector<1x1x16xf32> to vector<16xf32>
          %add3A_666 = arith.addf %scan3A_603, %get3A_665 : vector<16xf32>
          %mul3A_667 = arith.constant 8 : i32
          %mul3A_668 = arith.muli %scan3A_595, %mul3A_667 : i32
          %add3A_669 = arith.constant 2 : i32
          %add3A_670 = arith.addi %mul3A_668, %add3A_669 : i32
          %get3A_671 = arith.constant 5 : i32
          %get3A_672 = arith.index_cast %get3A_671 : i32 to index
          %get3A_673 = arith.index_cast %add3A_670 : i32 to index
          %get3A_674 = arith.constant 0 : index
          %get3A_675 = tpu.vector_load %arg6[%get3A_672, %get3A_673, %get3A_674] {strides = array<i32>} : memref<8x200x64xf32, #tpu.memory_space<vmem>>, vector<1x1x16xf32>,
          %get3A_676 = vector.shape_cast %get3A_675 : vector<1x1x16xf32> to vector<16xf32>
          %add3A_677 = arith.addf %add3A_613, %get3A_676 : vector<16xf32>
          %get3A_678 = arith.constant 5 : i32
          %get3A_679 = arith.index_cast %get3A_678 : i32 to index
          %get3A_680 = arith.index_cast %add3A_670 : i32 to index
          %get3A_681 = arith.constant 16 : index
          %get3A_682 = tpu.vector_load %arg6[%get3A_679, %get3A_680, %get3A_681] {strides = array<i32>} : memref<8x200x64xf32, #tpu.memory_space<vmem>>, vector<1x1x16xf32>,
          %get3A_683 = vector.shape_cast %get3A_682 : vector<1x1x16xf32> to vector<16xf32>
          %add3A_684 = arith.addf %add3A_620, %get3A_683 : vector<16xf32>
          %get3A_685 = arith.constant 5 : i32
          %get3A_686 = arith.index_cast %get3A_685 : i32 to index
          %get3A_687 = arith.index_cast %add3A_670 : i32 to index
          %get3A_688 = arith.constant 32 : index
          %get3A_689 = tpu.vector_load %arg6[%get3A_686, %get3A_687, %get3A_688] {strides = array<i32>} : memref<8x200x64xf32, #tpu.memory_space<vmem>>, vector<1x1x16xf32>,
          %get3A_690 = vector.shape_cast %get3A_689 : vector<1x1x16xf32> to vector<16xf32>
          %add3A_691 = arith.addf %add3A_627, %get3A_690 : vector<16xf32>
          %get3A_692 = arith.constant 5 : i32
          %get3A_693 = arith.index_cast %get3A_692 : i32 to index
          %get3A_694 = arith.index_cast %add3A_670 : i32 to index
          %get3A_695 = arith.constant 48 : index
          %get3A_696 = tpu.vector_load %arg6[%get3A_693, %get3A_694, %get3A_695] {strides = array<i32>} : memref<8x200x64xf32, #tpu.memory_space<vmem>>, vector<1x1x16xf32>,
          %get3A_697 = vector.shape_cast %get3A_696 : vector<1x1x16xf32> to vector<16xf32>
          %add3A_698 = arith.addf %add3A_634, %get3A_697 : vector<16xf32>
          %mul3A_699 = arith.constant 8 : i32
          %mul3A_700 = arith.muli %scan3A_595, %mul3A_699 : i32
          %add3A_701 = arith.constant 3 : i32
          %add3A_702 = arith.addi %mul3A_700, %add3A_701 : i32
          %get3A_703 = arith.constant 5 : i32
          %get3A_704 = arith.index_cast %get3A_703 : i32 to index
          %get3A_705 = arith.index_cast %add3A_702 : i32 to index
          %get3A_706 = arith.constant 0 : index
          %get3A_707 = tpu.vector_load %arg6[%get3A_704, %get3A_705, %get3A_706] {strides = array<i32>} : memref<8x200x64xf32, #tpu.memory_space<vmem>>, vector<1x1x16xf32>,
          %get3A_708 = vector.shape_cast %get3A_707 : vector<1x1x16xf32> to vector<16xf32>
          %add3A_709 = arith.addf %add3A_645, %get3A_708 : vector<16xf32>
          %get3A_710 = arith.constant 5 : i32
          %get3A_711 = arith.index_cast %get3A_710 : i32 to index
          %get3A_712 = arith.index_cast %add3A_702 : i32 to index
          %get3A_713 = arith.constant 16 : index
          %get3A_714 = tpu.vector_load %arg6[%get3A_711, %get3A_712, %get3A_713] {strides = array<i32>} : memref<8x200x64xf32, #tpu.memory_space<vmem>>, vector<1x1x16xf32>,
          %get3A_715 = vector.shape_cast %get3A_714 : vector<1x1x16xf32> to vector<16xf32>
          %add3A_716 = arith.addf %add3A_652, %get3A_715 : vector<16xf32>
          %get3A_717 = arith.constant 5 : i32
          %get3A_718 = arith.index_cast %get3A_717 : i32 to index
          %get3A_719 = arith.index_cast %add3A_702 : i32 to index
          %get3A_720 = arith.constant 32 : index
          %get3A_721 = tpu.vector_load %arg6[%get3A_718, %get3A_719, %get3A_720] {strides = array<i32>} : memref<8x200x64xf32, #tpu.memory_space<vmem>>, vector<1x1x16xf32>,
          %get3A_722 = vector.shape_cast %get3A_721 : vector<1x1x16xf32> to vector<16xf32>
          %add3A_723 = arith.addf %add3A_659, %get3A_722 : vector<16xf32>
          %get3A_724 = arith.constant 5 : i32
          %get3A_725 = arith.index_cast %get3A_724 : i32 to index
          %get3A_726 = arith.index_cast %add3A_702 : i32 to index
          %get3A_727 = arith.constant 48 : index
          %get3A_728 = tpu.vector_load %arg6[%get3A_725, %get3A_726, %get3A_727] {strides = array<i32>} : memref<8x200x64xf32, #tpu.memory_space<vmem>>, vector<1x1x16xf32>,
          %get3A_729 = vector.shape_cast %get3A_728 : vector<1x1x16xf32> to vector<16xf32>
          %add3A_730 = arith.addf %add3A_666, %get3A_729 : vector<16xf32>
          %mul3A_731 = arith.constant 8 : i32
          %mul3A_732 = arith.muli %scan3A_595, %mul3A_731 : i32
          %add3A_733 = arith.constant 4 : i32
          %add3A_734 = arith.addi %mul3A_732, %add3A_733 : i32
          %get3A_735 = arith.constant 5 : i32
          %get3A_736 = arith.index_cast %get3A_735 : i32 to index
          %get3A_737 = arith.index_cast %add3A_734 : i32 to index
          %get3A_738 = arith.constant 0 : index
          %get3A_739 = tpu.vector_load %arg6[%get3A_736, %get3A_737, %get3A_738] {strides = array<i32>} : memref<8x200x64xf32, #tpu.memory_space<vmem>>, vector<1x1x16xf32>,
          %get3A_740 = vector.shape_cast %get3A_739 : vector<1x1x16xf32> to vector<16xf32>
          %add3A_741 = arith.addf %add3A_677, %get3A_740 : vector<16xf32>
          %get3A_742 = arith.constant 5 : i32
          %get3A_743 = arith.index_cast %get3A_742 : i32 to index
          %get3A_744 = arith.index_cast %add3A_734 : i32 to index
          %get3A_745 = arith.constant 16 : index
          %get3A_746 = tpu.vector_load %arg6[%get3A_743, %get3A_744, %get3A_745] {strides = array<i32>} : memref<8x200x64xf32, #tpu.memory_space<vmem>>, vector<1x1x16xf32>,
          %get3A_747 = vector.shape_cast %get3A_746 : vector<1x1x16xf32> to vector<16xf32>
          %add3A_748 = arith.addf %add3A_684, %get3A_747 : vector<16xf32>
          %get3A_749 = arith.constant 5 : i32
          %get3A_750 = arith.index_cast %get3A_749 : i32 to index
          %get3A_751 = arith.index_cast %add3A_734 : i32 to index
          %get3A_752 = arith.constant 32 : index
          %get3A_753 = tpu.vector_load %arg6[%get3A_750, %get3A_751, %get3A_752] {strides = array<i32>} : memref<8x200x64xf32, #tpu.memory_space<vmem>>, vector<1x1x16xf32>,
          %get3A_754 = vector.shape_cast %get3A_753 : vector<1x1x16xf32> to vector<16xf32>
          %add3A_755 = arith.addf %add3A_691, %get3A_754 : vector<16xf32>
          %get3A_756 = arith.constant 5 : i32
          %get3A_757 = arith.index_cast %get3A_756 : i32 to index
          %get3A_758 = arith.index_cast %add3A_734 : i32 to index
          %get3A_759 = arith.constant 48 : index
          %get3A_760 = tpu.vector_load %arg6[%get3A_757, %get3A_758, %get3A_759] {strides = array<i32>} : memref<8x200x64xf32, #tpu.memory_space<vmem>>, vector<1x1x16xf32>,
          %get3A_761 = vector.shape_cast %get3A_760 : vector<1x1x16xf32> to vector<16xf32>
          %add3A_762 = arith.addf %add3A_698, %get3A_761 : vector<16xf32>
          %mul3A_763 = arith.constant 8 : i32
          %mul3A_764 = arith.muli %scan3A_595, %mul3A_763 : i32
          %add3A_765 = arith.constant 5 : i32
          %add3A_766 = arith.addi %mul3A_764, %add3A_765 : i32
          %get3A_767 = arith.constant 5 : i32
          %get3A_768 = arith.index_cast %get3A_767 : i32 to index
          %get3A_769 = arith.index_cast %add3A_766 : i32 to index
          %get3A_770 = arith.constant 0 : index
          %get3A_771 = tpu.vector_load %arg6[%get3A_768, %get3A_769, %get3A_770] {strides = array<i32>} : memref<8x200x64xf32, #tpu.memory_space<vmem>>, vector<1x1x16xf32>,
          %get3A_772 = vector.shape_cast %get3A_771 : vector<1x1x16xf32> to vector<16xf32>
          %add3A_773 = arith.addf %add3A_709, %get3A_772 : vector<16xf32>
          %get3A_774 = arith.constant 5 : i32
          %get3A_775 = arith.index_cast %get3A_774 : i32 to index
          %get3A_776 = arith.index_cast %add3A_766 : i32 to index
          %get3A_777 = arith.constant 16 : index
          %get3A_778 = tpu.vector_load %arg6[%get3A_775, %get3A_776, %get3A_777] {strides = array<i32>} : memref<8x200x64xf32, #tpu.memory_space<vmem>>, vector<1x1x16xf32>,
          %get3A_779 = vector.shape_cast %get3A_778 : vector<1x1x16xf32> to vector<16xf32>
          %add3A_780 = arith.addf %add3A_716, %get3A_779 : vector<16xf32>
          %get3A_781 = arith.constant 5 : i32
          %get3A_782 = arith.index_cast %get3A_781 : i32 to index
          %get3A_783 = arith.index_cast %add3A_766 : i32 to index
          %get3A_784 = arith.constant 32 : index
          %get3A_785 = tpu.vector_load %arg6[%get3A_782, %get3A_783, %get3A_784] {strides = array<i32>} : memref<8x200x64xf32, #tpu.memory_space<vmem>>, vector<1x1x16xf32>,
          %get3A_786 = vector.shape_cast %get3A_785 : vector<1x1x16xf32> to vector<16xf32>
          %add3A_787 = arith.addf %add3A_723, %get3A_786 : vector<16xf32>
          %get3A_788 = arith.constant 5 : i32
          %get3A_789 = arith.index_cast %get3A_788 : i32 to index
          %get3A_790 = arith.index_cast %add3A_766 : i32 to index
          %get3A_791 = arith.constant 48 : index
          %get3A_792 = tpu.vector_load %arg6[%get3A_789, %get3A_790, %get3A_791] {strides = array<i32>} : memref<8x200x64xf32, #tpu.memory_space<vmem>>, vector<1x1x16xf32>,
          %get3A_793 = vector.shape_cast %get3A_792 : vector<1x1x16xf32> to vector<16xf32>
          %add3A_794 = arith.addf %add3A_730, %get3A_793 : vector<16xf32>
          %mul3A_795 = arith.constant 8 : i32
          %mul3A_796 = arith.muli %scan3A_595, %mul3A_795 : i32
          %add3A_797 = arith.constant 6 : i32
          %add3A_798 = arith.addi %mul3A_796, %add3A_797 : i32
          %get3A_799 = arith.constant 5 : i32
          %get3A_800 = arith.index_cast %get3A_799 : i32 to index
          %get3A_801 = arith.index_cast %add3A_798 : i32 to index
          %get3A_802 = arith.constant 0 : index
          %get3A_803 = tpu.vector_load %arg6[%get3A_800, %get3A_801, %get3A_802] {strides = array<i32>} : memref<8x200x64xf32, #tpu.memory_space<vmem>>, vector<1x1x16xf32>,
          %get3A_804 = vector.shape_cast %get3A_803 : vector<1x1x16xf32> to vector<16xf32>
          %add3A_805 = arith.addf %add3A_741, %get3A_804 : vector<16xf32>
          %get3A_806 = arith.constant 5 : i32
          %get3A_807 = arith.index_cast %get3A_806 : i32 to index
          %get3A_808 = arith.index_cast %add3A_798 : i32 to index
          %get3A_809 = arith.constant 16 : index
          %get3A_810 = tpu.vector_load %arg6[%get3A_807, %get3A_808, %get3A_809] {strides = array<i32>} : memref<8x200x64xf32, #tpu.memory_space<vmem>>, vector<1x1x16xf32>,
          %get3A_811 = vector.shape_cast %get3A_810 : vector<1x1x16xf32> to vector<16xf32>
          %add3A_812 = arith.addf %add3A_748, %get3A_811 : vector<16xf32>
          %get3A_813 = arith.constant 5 : i32
          %get3A_814 = arith.index_cast %get3A_813 : i32 to index
          %get3A_815 = arith.index_cast %add3A_798 : i32 to index
          %get3A_816 = arith.constant 32 : index
          %get3A_817 = tpu.vector_load %arg6[%get3A_814, %get3A_815, %get3A_816] {strides = array<i32>} : memref<8x200x64xf32, #tpu.memory_space<vmem>>, vector<1x1x16xf32>,
          %get3A_818 = vector.shape_cast %get3A_817 : vector<1x1x16xf32> to vector<16xf32>
          %add3A_819 = arith.addf %add3A_755, %get3A_818 : vector<16xf32>
          %get3A_820 = arith.constant 5 : i32
          %get3A_821 = arith.index_cast %get3A_820 : i32 to index
          %get3A_822 = arith.index_cast %add3A_798 : i32 to index
          %get3A_823 = arith.constant 48 : index
          %get3A_824 = tpu.vector_load %arg6[%get3A_821, %get3A_822, %get3A_823] {strides = array<i32>} : memref<8x200x64xf32, #tpu.memory_space<vmem>>, vector<1x1x16xf32>,
          %get3A_825 = vector.shape_cast %get3A_824 : vector<1x1x16xf32> to vector<16xf32>
          %add3A_826 = arith.addf %add3A_762, %get3A_825 : vector<16xf32>
          %mul3A_827 = arith.constant 8 : i32
          %mul3A_828 = arith.muli %scan3A_595, %mul3A_827 : i32
          %add3A_829 = arith.constant 7 : i32
          %add3A_830 = arith.addi %mul3A_828, %add3A_829 : i32
          %get3A_831 = arith.constant 5 : i32
          %get3A_832 = arith.index_cast %get3A_831 : i32 to index
          %get3A_833 = arith.index_cast %add3A_830 : i32 to index
          %get3A_834 = arith.constant 0 : index
          %get3A_835 = tpu.vector_load %arg6[%get3A_832, %get3A_833, %get3A_834] {strides = array<i32>} : memref<8x200x64xf32, #tpu.memory_space<vmem>>, vector<1x1x16xf32>,
          %get3A_836 = vector.shape_cast %get3A_835 : vector<1x1x16xf32> to vector<16xf32>
          %add3A_837 = arith.addf %add3A_773, %get3A_836 : vector<16xf32>
          %get3A_838 = arith.constant 5 : i32
          %get3A_839 = arith.index_cast %get3A_838 : i32 to index
          %get3A_840 = arith.index_cast %add3A_830 : i32 to index
          %get3A_841 = arith.constant 16 : index
          %get3A_842 = tpu.vector_load %arg6[%get3A_839, %get3A_840, %get3A_841] {strides = array<i32>} : memref<8x200x64xf32, #tpu.memory_space<vmem>>, vector<1x1x16xf32>,
          %get3A_843 = vector.shape_cast %get3A_842 : vector<1x1x16xf32> to vector<16xf32>
          %add3A_844 = arith.addf %add3A_780, %get3A_843 : vector<16xf32>
          %get3A_845 = arith.constant 5 : i32
          %get3A_846 = arith.index_cast %get3A_845 : i32 to index
          %get3A_847 = arith.index_cast %add3A_830 : i32 to index
          %get3A_848 = arith.constant 32 : index
          %get3A_849 = tpu.vector_load %arg6[%get3A_846, %get3A_847, %get3A_848] {strides = array<i32>} : memref<8x200x64xf32, #tpu.memory_space<vmem>>, vector<1x1x16xf32>,
          %get3A_850 = vector.shape_cast %get3A_849 : vector<1x1x16xf32> to vector<16xf32>
          %add3A_851 = arith.addf %add3A_787, %get3A_850 : vector<16xf32>
          %get3A_852 = arith.constant 5 : i32
          %get3A_853 = arith.index_cast %get3A_852 : i32 to index
          %get3A_854 = arith.index_cast %add3A_830 : i32 to index
          %get3A_855 = arith.constant 48 : index
          %get3A_856 = tpu.vector_load %arg6[%get3A_853, %get3A_854, %get3A_855] {strides = array<i32>} : memref<8x200x64xf32, #tpu.memory_space<vmem>>, vector<1x1x16xf32>,
          %get3A_857 = vector.shape_cast %get3A_856 : vector<1x1x16xf32> to vector<16xf32>
          %add3A_858 = arith.addf %add3A_794, %get3A_857 : vector<16xf32>
          scf.yield %add3A_805, %add3A_812, %add3A_819, %add3A_826, %add3A_837, %add3A_844, %add3A_851, %add3A_858 : vector<16xf32>, vector<16xf32>, vector<16xf32>, vector<16xf32>, vector<16xf32>, vector<16xf32>, vector<16xf32>, vector<16xf32>
        }
        %scan3A_458 = arith.constant 25 : i32
        %add3A_459 = arith.addf %scan3A_457#0, %scan3A_457#4 : vector<16xf32>
        %swap3A_460 = arith.index_cast %add3A_428 : i32 to index
        %swap3A_461 = arith.constant 0 : index
        %swap3A_462 = tpu.vector_load %arg7[%swap3A_460, %swap3A_461] {strides = array<i32>} : memref<64x64xf32, #tpu.memory_space<vmem>>, vector<1x16xf32>,
        %swap3A_463 = vector.shape_cast %swap3A_462 : vector<1x16xf32> to vector<16xf32>
        %swap3A_464 = vector.shape_cast %add3A_459 : vector<16xf32> to vector<1x16xf32>
        tpu.vector_store %arg7[%swap3A_460, %swap3A_461], %swap3A_464 {strides = array<i32>} : memref<64x64xf32, #tpu.memory_space<vmem>>, vector<1x16xf32>,
        %add3A_465 = arith.addf %scan3A_457#1, %scan3A_457#5 : vector<16xf32>
        %swap3A_466 = arith.index_cast %add3A_428 : i32 to index
        %swap3A_467 = arith.constant 16 : index
        %swap3A_468 = tpu.vector_load %arg7[%swap3A_466, %swap3A_467] {strides = array<i32>} : memref<64x64xf32, #tpu.memory_space<vmem>>, vector<1x16xf32>,
        %swap3A_469 = vector.shape_cast %swap3A_468 : vector<1x16xf32> to vector<16xf32>
        %swap3A_470 = vector.shape_cast %add3A_465 : vector<16xf32> to vector<1x16xf32>
        tpu.vector_store %arg7[%swap3A_466, %swap3A_467], %swap3A_470 {strides = array<i32>} : memref<64x64xf32, #tpu.memory_space<vmem>>, vector<1x16xf32>,
        %add3A_471 = arith.addf %scan3A_457#2, %scan3A_457#6 : vector<16xf32>
        %swap3A_472 = arith.index_cast %add3A_428 : i32 to index
        %swap3A_473 = arith.constant 32 : index
        %swap3A_474 = tpu.vector_load %arg7[%swap3A_472, %swap3A_473] {strides = array<i32>} : memref<64x64xf32, #tpu.memory_space<vmem>>, vector<1x16xf32>,
        %swap3A_475 = vector.shape_cast %swap3A_474 : vector<1x16xf32> to vector<16xf32>
        %swap3A_476 = vector.shape_cast %add3A_471 : vector<16xf32> to vector<1x16xf32>
        tpu.vector_store %arg7[%swap3A_472, %swap3A_473], %swap3A_476 {strides = array<i32>} : memref<64x64xf32, #tpu.memory_space<vmem>>, vector<1x16xf32>,
        %add3A_477 = arith.addf %scan3A_457#3, %scan3A_457#7 : vector<16xf32>
        %swap3A_478 = arith.index_cast %add3A_428 : i32 to index
        %swap3A_479 = arith.constant 48 : index
        %swap3A_480 = tpu.vector_load %arg7[%swap3A_478, %swap3A_479] {strides = array<i32>} : memref<64x64xf32, #tpu.memory_space<vmem>>, vector<1x16xf32>,
        %swap3A_481 = vector.shape_cast %swap3A_480 : vector<1x16xf32> to vector<16xf32>
        %swap3A_482 = vector.shape_cast %add3A_477 : vector<16xf32> to vector<1x16xf32>
        tpu.vector_store %arg7[%swap3A_478, %swap3A_479], %swap3A_482 {strides = array<i32>} : memref<64x64xf32, #tpu.memory_space<vmem>>, vector<1x16xf32>,
        %add3A_483 = arith.constant 6 : i32
        %add3A_484 = arith.addi %mul3A_152, %add3A_483 : i32
        %dma_wait3A_485 = arith.constant 6 : i32
        %dma_wait3A_486 = arith.constant 0 : i32
        %dma_wait3A_487 = arith.constant 0 : i32
        %dma_wait3A_488 = tpu.memref_slice %arg6[%dma_wait3A_485, %dma_wait3A_486, %dma_wait3A_487] : memref<8x200x64xf32, #tpu.memory_space<vmem>> -> memref<1x200x64xf32, #tpu.memory_space<vmem>>
        %dma_wait3A_489 = tpu.memref_squeeze %dma_wait3A_488 : memref<1x200x64xf32, #tpu.memory_space<vmem>> -> memref<200x64xf32, #tpu.memory_space<vmem>>
        %dma_wait3A_490 = arith.constant 0 : i32
        %dma_wait3A_491 = arith.constant 0 : i32
        %dma_wait3A_492 = tpu.memref_slice %arg3[%dma_wait3A_490, %dma_wait3A_491] : memref<1000000x64xf32, #tpu.memory_space<hbm>> -> memref<200x64xf32, #tpu.memory_space<hbm>>
        %dma_wait3A_493 = arith.constant 0 : i32
        %dma_wait3A_494 = arith.constant 0 : i32
        %dma_wait3A_495 = tpu.memref_slice %arg6[%dma_wait3A_485, %dma_wait3A_493, %dma_wait3A_494] : memref<8x200x64xf32, #tpu.memory_space<vmem>> -> memref<1x200x64xf32, #tpu.memory_space<vmem>>
        %dma_wait3A_496 = tpu.memref_squeeze %dma_wait3A_495 : memref<1x200x64xf32, #tpu.memory_space<vmem>> -> memref<200x64xf32, #tpu.memory_space<vmem>>
        %dma_wait3A_497 = arith.constant 0 : i32
        %dma_wait3A_498 = arith.constant 0 : i32
        %dma_wait3A_499 = tpu.memref_slice %arg3[%dma_wait3A_497, %dma_wait3A_498] : memref<1000000x64xf32, #tpu.memory_space<hbm>> -> memref<200x64xf32, #tpu.memory_space<hbm>>
        tpu.wait_dma2 semaphore(%arg14 : memref<!tpu.dma_semaphore, #tpu.memory_space<semaphore_mem>>) src(%dma_wait3A_499 : memref<200x64xf32, #tpu.memory_space<hbm>>) dst(%dma_wait3A_496 : memref<200x64xf32, #tpu.memory_space<vmem>>)
        %add3A_500 = arith.constant 6 : i32
        %add3A_501 = arith.addi %add3A_484, %add3A_500 : i32
        %lt3A_502 = arith.constant 64 : i32
        %lt3A_503 = arith.cmpi slt, %add3A_501, %lt3A_502 : i32
        %convert_element_type3A_504 = arith.extui %lt3A_503 : i1 to i32
        %cond3A_505 = arith.constant 0 : i32
        %cond3A_506 = arith.cmpi ne, %convert_element_type3A_504, %cond3A_505 : i32
        scf.if %cond3A_506 {
          %add3A_595 = arith.constant 6 : i32
          %add3A_596 = arith.addi %add3A_484, %add3A_595 : i32
          %mul3A_597 = arith.constant 200 : i32
          %mul3A_598 = arith.muli %add3A_596, %mul3A_597 : i32
          %multiple_of3A_599 = tpu.assume_multiple %mul3A_598, 8 : i32
          %dma_start3A_600 = arith.constant 4 : i32
          %dma_start3A_601 = arith.constant 0 : i32
          %dma_start3A_602 = arith.constant 0 : i32
          %dma_start3A_603 = tpu.memref_slice %arg6[%dma_start3A_600, %dma_start3A_601, %dma_start3A_602] : memref<8x200x64xf32, #tpu.memory_space<vmem>> -> memref<1x104x64xf32, #tpu.memory_space<vmem>>
          %dma_start3A_604 = tpu.memref_squeeze %dma_start3A_603 : memref<1x104x64xf32, #tpu.memory_space<vmem>> -> memref<104x64xf32, #tpu.memory_space<vmem>>
          %dma_start3A_605 = tpu.memref_slice %arg5[%multiple_of3A_599] : memref<12800xi32, #tpu.memory_space<vmem>> -> memref<104xi32, #tpu.memory_space<vmem>>
          %dma_start3A_606 = arith.constant 0 : i32
          %dma_start3A_607 = arith.constant 0 : i32
          %dma_start3A_608 = tpu.memref_slice %arg3[%dma_start3A_606, %dma_start3A_607] : memref<1000000x64xf32, #tpu.memory_space<hbm>> -> memref<1000000x64xf32, #tpu.memory_space<hbm>>
          tpu.enqueue_indirect_dma source(%dma_start3A_608 : memref<1000000x64xf32, #tpu.memory_space<hbm>>) target(%dma_start3A_604 : memref<104x64xf32, #tpu.memory_space<vmem>>) offsets(%dma_start3A_605 : memref<104xi32, #tpu.memory_space<vmem>>) semaphore(%arg12 : memref<!tpu.dma_semaphore, #tpu.memory_space<semaphore_mem>>)
          %mul3A_609 = arith.constant 200 : i32
          %mul3A_610 = arith.muli %add3A_596, %mul3A_609 : i32
          %add3A_611 = arith.constant 104 : i32
          %add3A_612 = arith.addi %mul3A_610, %add3A_611 : i32
          %multiple_of3A_613 = tpu.assume_multiple %add3A_612, 8 : i32
          %dma_start3A_614 = arith.constant 4 : i32
          %dma_start3A_615 = arith.constant 104 : i32
          %dma_start3A_616 = arith.constant 0 : i32
          %dma_start3A_617 = tpu.memref_slice %arg6[%dma_start3A_614, %dma_start3A_615, %dma_start3A_616] : memref<8x200x64xf32, #tpu.memory_space<vmem>> -> memref<1x96x64xf32, #tpu.memory_space<vmem>>
          %dma_start3A_618 = tpu.memref_squeeze %dma_start3A_617 : memref<1x96x64xf32, #tpu.memory_space<vmem>> -> memref<96x64xf32, #tpu.memory_space<vmem>>
          %dma_start3A_619 = tpu.memref_slice %arg5[%multiple_of3A_613] : memref<12800xi32, #tpu.memory_space<vmem>> -> memref<96xi32, #tpu.memory_space<vmem>>
          %dma_start3A_620 = arith.constant 0 : i32
          %dma_start3A_621 = arith.constant 0 : i32
          %dma_start3A_622 = tpu.memref_slice %arg3[%dma_start3A_620, %dma_start3A_621] : memref<1000000x64xf32, #tpu.memory_space<hbm>> -> memref<1000000x64xf32, #tpu.memory_space<hbm>>
          tpu.enqueue_indirect_dma source(%dma_start3A_622 : memref<1000000x64xf32, #tpu.memory_space<hbm>>) target(%dma_start3A_618 : memref<96x64xf32, #tpu.memory_space<vmem>>) offsets(%dma_start3A_619 : memref<96xi32, #tpu.memory_space<vmem>>) semaphore(%arg12 : memref<!tpu.dma_semaphore, #tpu.memory_space<semaphore_mem>>)
        } else {
        }
        %broadcast_in_dim3A_507 = arith.constant 0.000000e+00 : f32
        %broadcast_in_dim3A_508 = vector.broadcast %broadcast_in_dim3A_507 : f32 to vector<16xf32>
        %scan3A_509 = arith.constant 0 : i32
        %scan3A_510 = arith.constant 25 : i32
        %scan3A_511 = arith.addi %scan3A_509, %scan3A_510 : i32
        %scan3A_512 = arith.constant 1 : i32
        %scan3A_513:8 = scf.for %scan3A_595 = %scan3A_509 to %scan3A_511 step %scan3A_512 iter_args(%scan3A_596 = %broadcast_in_dim3A_508, %scan3A_597 = %broadcast_in_dim3A_508, %scan3A_598 = %broadcast_in_dim3A_508, %scan3A_599 = %broadcast_in_dim3A_508, %scan3A_600 = %broadcast_in_dim3A_508, %scan3A_601 = %broadcast_in_dim3A_508, %scan3A_602 = %broadcast_in_dim3A_508, %scan3A_603 = %broadcast_in_dim3A_508) -> (vector<16xf32>, vector<16xf32>, vector<16xf32>, vector<16xf32>, vector<16xf32>, vector<16xf32>, vector<16xf32>, vector<16xf32>)  : i32 {
          %mul3A_604 = arith.constant 8 : i32
          %mul3A_605 = arith.muli %scan3A_595, %mul3A_604 : i32
          %add3A_606 = arith.constant 0 : i32
          %add3A_607 = arith.addi %mul3A_605, %add3A_606 : i32
          %get3A = arith.constant 6 : i32
          %get3A_608 = arith.index_cast %get3A : i32 to index
          %get3A_609 = arith.index_cast %add3A_607 : i32 to index
          %get3A_610 = arith.constant 0 : index
          %get3A_611 = tpu.vector_load %arg6[%get3A_608, %get3A_609, %get3A_610] {strides = array<i32>} : memref<8x200x64xf32, #tpu.memory_space<vmem>>, vector<1x1x16xf32>,
          %get3A_612 = vector.shape_cast %get3A_611 : vector<1x1x16xf32> to vector<16xf32>
          %add3A_613 = arith.addf %scan3A_596, %get3A_612 : vector<16xf32>
          %get3A_614 = arith.constant 6 : i32
          %get3A_615 = arith.index_cast %get3A_614 : i32 to index
          %get3A_616 = arith.index_cast %add3A_607 : i32 to index
          %get3A_617 = arith.constant 16 : index
          %get3A_618 = tpu.vector_load %arg6[%get3A_615, %get3A_616, %get3A_617] {strides = array<i32>} : memref<8x200x64xf32, #tpu.memory_space<vmem>>, vector<1x1x16xf32>,
          %get3A_619 = vector.shape_cast %get3A_618 : vector<1x1x16xf32> to vector<16xf32>
          %add3A_620 = arith.addf %scan3A_597, %get3A_619 : vector<16xf32>
          %get3A_621 = arith.constant 6 : i32
          %get3A_622 = arith.index_cast %get3A_621 : i32 to index
          %get3A_623 = arith.index_cast %add3A_607 : i32 to index
          %get3A_624 = arith.constant 32 : index
          %get3A_625 = tpu.vector_load %arg6[%get3A_622, %get3A_623, %get3A_624] {strides = array<i32>} : memref<8x200x64xf32, #tpu.memory_space<vmem>>, vector<1x1x16xf32>,
          %get3A_626 = vector.shape_cast %get3A_625 : vector<1x1x16xf32> to vector<16xf32>
          %add3A_627 = arith.addf %scan3A_598, %get3A_626 : vector<16xf32>
          %get3A_628 = arith.constant 6 : i32
          %get3A_629 = arith.index_cast %get3A_628 : i32 to index
          %get3A_630 = arith.index_cast %add3A_607 : i32 to index
          %get3A_631 = arith.constant 48 : index
          %get3A_632 = tpu.vector_load %arg6[%get3A_629, %get3A_630, %get3A_631] {strides = array<i32>} : memref<8x200x64xf32, #tpu.memory_space<vmem>>, vector<1x1x16xf32>,
          %get3A_633 = vector.shape_cast %get3A_632 : vector<1x1x16xf32> to vector<16xf32>
          %add3A_634 = arith.addf %scan3A_599, %get3A_633 : vector<16xf32>
          %mul3A_635 = arith.constant 8 : i32
          %mul3A_636 = arith.muli %scan3A_595, %mul3A_635 : i32
          %add3A_637 = arith.constant 1 : i32
          %add3A_638 = arith.addi %mul3A_636, %add3A_637 : i32
          %get3A_639 = arith.constant 6 : i32
          %get3A_640 = arith.index_cast %get3A_639 : i32 to index
          %get3A_641 = arith.index_cast %add3A_638 : i32 to index
          %get3A_642 = arith.constant 0 : index
          %get3A_643 = tpu.vector_load %arg6[%get3A_640, %get3A_641, %get3A_642] {strides = array<i32>} : memref<8x200x64xf32, #tpu.memory_space<vmem>>, vector<1x1x16xf32>,
          %get3A_644 = vector.shape_cast %get3A_643 : vector<1x1x16xf32> to vector<16xf32>
          %add3A_645 = arith.addf %scan3A_600, %get3A_644 : vector<16xf32>
          %get3A_646 = arith.constant 6 : i32
          %get3A_647 = arith.index_cast %get3A_646 : i32 to index
          %get3A_648 = arith.index_cast %add3A_638 : i32 to index
          %get3A_649 = arith.constant 16 : index
          %get3A_650 = tpu.vector_load %arg6[%get3A_647, %get3A_648, %get3A_649] {strides = array<i32>} : memref<8x200x64xf32, #tpu.memory_space<vmem>>, vector<1x1x16xf32>,
          %get3A_651 = vector.shape_cast %get3A_650 : vector<1x1x16xf32> to vector<16xf32>
          %add3A_652 = arith.addf %scan3A_601, %get3A_651 : vector<16xf32>
          %get3A_653 = arith.constant 6 : i32
          %get3A_654 = arith.index_cast %get3A_653 : i32 to index
          %get3A_655 = arith.index_cast %add3A_638 : i32 to index
          %get3A_656 = arith.constant 32 : index
          %get3A_657 = tpu.vector_load %arg6[%get3A_654, %get3A_655, %get3A_656] {strides = array<i32>} : memref<8x200x64xf32, #tpu.memory_space<vmem>>, vector<1x1x16xf32>,
          %get3A_658 = vector.shape_cast %get3A_657 : vector<1x1x16xf32> to vector<16xf32>
          %add3A_659 = arith.addf %scan3A_602, %get3A_658 : vector<16xf32>
          %get3A_660 = arith.constant 6 : i32
          %get3A_661 = arith.index_cast %get3A_660 : i32 to index
          %get3A_662 = arith.index_cast %add3A_638 : i32 to index
          %get3A_663 = arith.constant 48 : index
          %get3A_664 = tpu.vector_load %arg6[%get3A_661, %get3A_662, %get3A_663] {strides = array<i32>} : memref<8x200x64xf32, #tpu.memory_space<vmem>>, vector<1x1x16xf32>,
          %get3A_665 = vector.shape_cast %get3A_664 : vector<1x1x16xf32> to vector<16xf32>
          %add3A_666 = arith.addf %scan3A_603, %get3A_665 : vector<16xf32>
          %mul3A_667 = arith.constant 8 : i32
          %mul3A_668 = arith.muli %scan3A_595, %mul3A_667 : i32
          %add3A_669 = arith.constant 2 : i32
          %add3A_670 = arith.addi %mul3A_668, %add3A_669 : i32
          %get3A_671 = arith.constant 6 : i32
          %get3A_672 = arith.index_cast %get3A_671 : i32 to index
          %get3A_673 = arith.index_cast %add3A_670 : i32 to index
          %get3A_674 = arith.constant 0 : index
          %get3A_675 = tpu.vector_load %arg6[%get3A_672, %get3A_673, %get3A_674] {strides = array<i32>} : memref<8x200x64xf32, #tpu.memory_space<vmem>>, vector<1x1x16xf32>,
          %get3A_676 = vector.shape_cast %get3A_675 : vector<1x1x16xf32> to vector<16xf32>
          %add3A_677 = arith.addf %add3A_613, %get3A_676 : vector<16xf32>
          %get3A_678 = arith.constant 6 : i32
          %get3A_679 = arith.index_cast %get3A_678 : i32 to index
          %get3A_680 = arith.index_cast %add3A_670 : i32 to index
          %get3A_681 = arith.constant 16 : index
          %get3A_682 = tpu.vector_load %arg6[%get3A_679, %get3A_680, %get3A_681] {strides = array<i32>} : memref<8x200x64xf32, #tpu.memory_space<vmem>>, vector<1x1x16xf32>,
          %get3A_683 = vector.shape_cast %get3A_682 : vector<1x1x16xf32> to vector<16xf32>
          %add3A_684 = arith.addf %add3A_620, %get3A_683 : vector<16xf32>
          %get3A_685 = arith.constant 6 : i32
          %get3A_686 = arith.index_cast %get3A_685 : i32 to index
          %get3A_687 = arith.index_cast %add3A_670 : i32 to index
          %get3A_688 = arith.constant 32 : index
          %get3A_689 = tpu.vector_load %arg6[%get3A_686, %get3A_687, %get3A_688] {strides = array<i32>} : memref<8x200x64xf32, #tpu.memory_space<vmem>>, vector<1x1x16xf32>,
          %get3A_690 = vector.shape_cast %get3A_689 : vector<1x1x16xf32> to vector<16xf32>
          %add3A_691 = arith.addf %add3A_627, %get3A_690 : vector<16xf32>
          %get3A_692 = arith.constant 6 : i32
          %get3A_693 = arith.index_cast %get3A_692 : i32 to index
          %get3A_694 = arith.index_cast %add3A_670 : i32 to index
          %get3A_695 = arith.constant 48 : index
          %get3A_696 = tpu.vector_load %arg6[%get3A_693, %get3A_694, %get3A_695] {strides = array<i32>} : memref<8x200x64xf32, #tpu.memory_space<vmem>>, vector<1x1x16xf32>,
          %get3A_697 = vector.shape_cast %get3A_696 : vector<1x1x16xf32> to vector<16xf32>
          %add3A_698 = arith.addf %add3A_634, %get3A_697 : vector<16xf32>
          %mul3A_699 = arith.constant 8 : i32
          %mul3A_700 = arith.muli %scan3A_595, %mul3A_699 : i32
          %add3A_701 = arith.constant 3 : i32
          %add3A_702 = arith.addi %mul3A_700, %add3A_701 : i32
          %get3A_703 = arith.constant 6 : i32
          %get3A_704 = arith.index_cast %get3A_703 : i32 to index
          %get3A_705 = arith.index_cast %add3A_702 : i32 to index
          %get3A_706 = arith.constant 0 : index
          %get3A_707 = tpu.vector_load %arg6[%get3A_704, %get3A_705, %get3A_706] {strides = array<i32>} : memref<8x200x64xf32, #tpu.memory_space<vmem>>, vector<1x1x16xf32>,
          %get3A_708 = vector.shape_cast %get3A_707 : vector<1x1x16xf32> to vector<16xf32>
          %add3A_709 = arith.addf %add3A_645, %get3A_708 : vector<16xf32>
          %get3A_710 = arith.constant 6 : i32
          %get3A_711 = arith.index_cast %get3A_710 : i32 to index
          %get3A_712 = arith.index_cast %add3A_702 : i32 to index
          %get3A_713 = arith.constant 16 : index
          %get3A_714 = tpu.vector_load %arg6[%get3A_711, %get3A_712, %get3A_713] {strides = array<i32>} : memref<8x200x64xf32, #tpu.memory_space<vmem>>, vector<1x1x16xf32>,
          %get3A_715 = vector.shape_cast %get3A_714 : vector<1x1x16xf32> to vector<16xf32>
          %add3A_716 = arith.addf %add3A_652, %get3A_715 : vector<16xf32>
          %get3A_717 = arith.constant 6 : i32
          %get3A_718 = arith.index_cast %get3A_717 : i32 to index
          %get3A_719 = arith.index_cast %add3A_702 : i32 to index
          %get3A_720 = arith.constant 32 : index
          %get3A_721 = tpu.vector_load %arg6[%get3A_718, %get3A_719, %get3A_720] {strides = array<i32>} : memref<8x200x64xf32, #tpu.memory_space<vmem>>, vector<1x1x16xf32>,
          %get3A_722 = vector.shape_cast %get3A_721 : vector<1x1x16xf32> to vector<16xf32>
          %add3A_723 = arith.addf %add3A_659, %get3A_722 : vector<16xf32>
          %get3A_724 = arith.constant 6 : i32
          %get3A_725 = arith.index_cast %get3A_724 : i32 to index
          %get3A_726 = arith.index_cast %add3A_702 : i32 to index
          %get3A_727 = arith.constant 48 : index
          %get3A_728 = tpu.vector_load %arg6[%get3A_725, %get3A_726, %get3A_727] {strides = array<i32>} : memref<8x200x64xf32, #tpu.memory_space<vmem>>, vector<1x1x16xf32>,
          %get3A_729 = vector.shape_cast %get3A_728 : vector<1x1x16xf32> to vector<16xf32>
          %add3A_730 = arith.addf %add3A_666, %get3A_729 : vector<16xf32>
          %mul3A_731 = arith.constant 8 : i32
          %mul3A_732 = arith.muli %scan3A_595, %mul3A_731 : i32
          %add3A_733 = arith.constant 4 : i32
          %add3A_734 = arith.addi %mul3A_732, %add3A_733 : i32
          %get3A_735 = arith.constant 6 : i32
          %get3A_736 = arith.index_cast %get3A_735 : i32 to index
          %get3A_737 = arith.index_cast %add3A_734 : i32 to index
          %get3A_738 = arith.constant 0 : index
          %get3A_739 = tpu.vector_load %arg6[%get3A_736, %get3A_737, %get3A_738] {strides = array<i32>} : memref<8x200x64xf32, #tpu.memory_space<vmem>>, vector<1x1x16xf32>,
          %get3A_740 = vector.shape_cast %get3A_739 : vector<1x1x16xf32> to vector<16xf32>
          %add3A_741 = arith.addf %add3A_677, %get3A_740 : vector<16xf32>
          %get3A_742 = arith.constant 6 : i32
          %get3A_743 = arith.index_cast %get3A_742 : i32 to index
          %get3A_744 = arith.index_cast %add3A_734 : i32 to index
          %get3A_745 = arith.constant 16 : index
          %get3A_746 = tpu.vector_load %arg6[%get3A_743, %get3A_744, %get3A_745] {strides = array<i32>} : memref<8x200x64xf32, #tpu.memory_space<vmem>>, vector<1x1x16xf32>,
          %get3A_747 = vector.shape_cast %get3A_746 : vector<1x1x16xf32> to vector<16xf32>
          %add3A_748 = arith.addf %add3A_684, %get3A_747 : vector<16xf32>
          %get3A_749 = arith.constant 6 : i32
          %get3A_750 = arith.index_cast %get3A_749 : i32 to index
          %get3A_751 = arith.index_cast %add3A_734 : i32 to index
          %get3A_752 = arith.constant 32 : index
          %get3A_753 = tpu.vector_load %arg6[%get3A_750, %get3A_751, %get3A_752] {strides = array<i32>} : memref<8x200x64xf32, #tpu.memory_space<vmem>>, vector<1x1x16xf32>,
          %get3A_754 = vector.shape_cast %get3A_753 : vector<1x1x16xf32> to vector<16xf32>
          %add3A_755 = arith.addf %add3A_691, %get3A_754 : vector<16xf32>
          %get3A_756 = arith.constant 6 : i32
          %get3A_757 = arith.index_cast %get3A_756 : i32 to index
          %get3A_758 = arith.index_cast %add3A_734 : i32 to index
          %get3A_759 = arith.constant 48 : index
          %get3A_760 = tpu.vector_load %arg6[%get3A_757, %get3A_758, %get3A_759] {strides = array<i32>} : memref<8x200x64xf32, #tpu.memory_space<vmem>>, vector<1x1x16xf32>,
          %get3A_761 = vector.shape_cast %get3A_760 : vector<1x1x16xf32> to vector<16xf32>
          %add3A_762 = arith.addf %add3A_698, %get3A_761 : vector<16xf32>
          %mul3A_763 = arith.constant 8 : i32
          %mul3A_764 = arith.muli %scan3A_595, %mul3A_763 : i32
          %add3A_765 = arith.constant 5 : i32
          %add3A_766 = arith.addi %mul3A_764, %add3A_765 : i32
          %get3A_767 = arith.constant 6 : i32
          %get3A_768 = arith.index_cast %get3A_767 : i32 to index
          %get3A_769 = arith.index_cast %add3A_766 : i32 to index
          %get3A_770 = arith.constant 0 : index
          %get3A_771 = tpu.vector_load %arg6[%get3A_768, %get3A_769, %get3A_770] {strides = array<i32>} : memref<8x200x64xf32, #tpu.memory_space<vmem>>, vector<1x1x16xf32>,
          %get3A_772 = vector.shape_cast %get3A_771 : vector<1x1x16xf32> to vector<16xf32>
          %add3A_773 = arith.addf %add3A_709, %get3A_772 : vector<16xf32>
          %get3A_774 = arith.constant 6 : i32
          %get3A_775 = arith.index_cast %get3A_774 : i32 to index
          %get3A_776 = arith.index_cast %add3A_766 : i32 to index
          %get3A_777 = arith.constant 16 : index
          %get3A_778 = tpu.vector_load %arg6[%get3A_775, %get3A_776, %get3A_777] {strides = array<i32>} : memref<8x200x64xf32, #tpu.memory_space<vmem>>, vector<1x1x16xf32>,
          %get3A_779 = vector.shape_cast %get3A_778 : vector<1x1x16xf32> to vector<16xf32>
          %add3A_780 = arith.addf %add3A_716, %get3A_779 : vector<16xf32>
          %get3A_781 = arith.constant 6 : i32
          %get3A_782 = arith.index_cast %get3A_781 : i32 to index
          %get3A_783 = arith.index_cast %add3A_766 : i32 to index
          %get3A_784 = arith.constant 32 : index
          %get3A_785 = tpu.vector_load %arg6[%get3A_782, %get3A_783, %get3A_784] {strides = array<i32>} : memref<8x200x64xf32, #tpu.memory_space<vmem>>, vector<1x1x16xf32>,
          %get3A_786 = vector.shape_cast %get3A_785 : vector<1x1x16xf32> to vector<16xf32>
          %add3A_787 = arith.addf %add3A_723, %get3A_786 : vector<16xf32>
          %get3A_788 = arith.constant 6 : i32
          %get3A_789 = arith.index_cast %get3A_788 : i32 to index
          %get3A_790 = arith.index_cast %add3A_766 : i32 to index
          %get3A_791 = arith.constant 48 : index
          %get3A_792 = tpu.vector_load %arg6[%get3A_789, %get3A_790, %get3A_791] {strides = array<i32>} : memref<8x200x64xf32, #tpu.memory_space<vmem>>, vector<1x1x16xf32>,
          %get3A_793 = vector.shape_cast %get3A_792 : vector<1x1x16xf32> to vector<16xf32>
          %add3A_794 = arith.addf %add3A_730, %get3A_793 : vector<16xf32>
          %mul3A_795 = arith.constant 8 : i32
          %mul3A_796 = arith.muli %scan3A_595, %mul3A_795 : i32
          %add3A_797 = arith.constant 6 : i32
          %add3A_798 = arith.addi %mul3A_796, %add3A_797 : i32
          %get3A_799 = arith.constant 6 : i32
          %get3A_800 = arith.index_cast %get3A_799 : i32 to index
          %get3A_801 = arith.index_cast %add3A_798 : i32 to index
          %get3A_802 = arith.constant 0 : index
          %get3A_803 = tpu.vector_load %arg6[%get3A_800, %get3A_801, %get3A_802] {strides = array<i32>} : memref<8x200x64xf32, #tpu.memory_space<vmem>>, vector<1x1x16xf32>,
          %get3A_804 = vector.shape_cast %get3A_803 : vector<1x1x16xf32> to vector<16xf32>
          %add3A_805 = arith.addf %add3A_741, %get3A_804 : vector<16xf32>
          %get3A_806 = arith.constant 6 : i32
          %get3A_807 = arith.index_cast %get3A_806 : i32 to index
          %get3A_808 = arith.index_cast %add3A_798 : i32 to index
          %get3A_809 = arith.constant 16 : index
          %get3A_810 = tpu.vector_load %arg6[%get3A_807, %get3A_808, %get3A_809] {strides = array<i32>} : memref<8x200x64xf32, #tpu.memory_space<vmem>>, vector<1x1x16xf32>,
          %get3A_811 = vector.shape_cast %get3A_810 : vector<1x1x16xf32> to vector<16xf32>
          %add3A_812 = arith.addf %add3A_748, %get3A_811 : vector<16xf32>
          %get3A_813 = arith.constant 6 : i32
          %get3A_814 = arith.index_cast %get3A_813 : i32 to index
          %get3A_815 = arith.index_cast %add3A_798 : i32 to index
          %get3A_816 = arith.constant 32 : index
          %get3A_817 = tpu.vector_load %arg6[%get3A_814, %get3A_815, %get3A_816] {strides = array<i32>} : memref<8x200x64xf32, #tpu.memory_space<vmem>>, vector<1x1x16xf32>,
          %get3A_818 = vector.shape_cast %get3A_817 : vector<1x1x16xf32> to vector<16xf32>
          %add3A_819 = arith.addf %add3A_755, %get3A_818 : vector<16xf32>
          %get3A_820 = arith.constant 6 : i32
          %get3A_821 = arith.index_cast %get3A_820 : i32 to index
          %get3A_822 = arith.index_cast %add3A_798 : i32 to index
          %get3A_823 = arith.constant 48 : index
          %get3A_824 = tpu.vector_load %arg6[%get3A_821, %get3A_822, %get3A_823] {strides = array<i32>} : memref<8x200x64xf32, #tpu.memory_space<vmem>>, vector<1x1x16xf32>,
          %get3A_825 = vector.shape_cast %get3A_824 : vector<1x1x16xf32> to vector<16xf32>
          %add3A_826 = arith.addf %add3A_762, %get3A_825 : vector<16xf32>
          %mul3A_827 = arith.constant 8 : i32
          %mul3A_828 = arith.muli %scan3A_595, %mul3A_827 : i32
          %add3A_829 = arith.constant 7 : i32
          %add3A_830 = arith.addi %mul3A_828, %add3A_829 : i32
          %get3A_831 = arith.constant 6 : i32
          %get3A_832 = arith.index_cast %get3A_831 : i32 to index
          %get3A_833 = arith.index_cast %add3A_830 : i32 to index
          %get3A_834 = arith.constant 0 : index
          %get3A_835 = tpu.vector_load %arg6[%get3A_832, %get3A_833, %get3A_834] {strides = array<i32>} : memref<8x200x64xf32, #tpu.memory_space<vmem>>, vector<1x1x16xf32>,
          %get3A_836 = vector.shape_cast %get3A_835 : vector<1x1x16xf32> to vector<16xf32>
          %add3A_837 = arith.addf %add3A_773, %get3A_836 : vector<16xf32>
          %get3A_838 = arith.constant 6 : i32
          %get3A_839 = arith.index_cast %get3A_838 : i32 to index
          %get3A_840 = arith.index_cast %add3A_830 : i32 to index
          %get3A_841 = arith.constant 16 : index
          %get3A_842 = tpu.vector_load %arg6[%get3A_839, %get3A_840, %get3A_841] {strides = array<i32>} : memref<8x200x64xf32, #tpu.memory_space<vmem>>, vector<1x1x16xf32>,
          %get3A_843 = vector.shape_cast %get3A_842 : vector<1x1x16xf32> to vector<16xf32>
          %add3A_844 = arith.addf %add3A_780, %get3A_843 : vector<16xf32>
          %get3A_845 = arith.constant 6 : i32
          %get3A_846 = arith.index_cast %get3A_845 : i32 to index
          %get3A_847 = arith.index_cast %add3A_830 : i32 to index
          %get3A_848 = arith.constant 32 : index
          %get3A_849 = tpu.vector_load %arg6[%get3A_846, %get3A_847, %get3A_848] {strides = array<i32>} : memref<8x200x64xf32, #tpu.memory_space<vmem>>, vector<1x1x16xf32>,
          %get3A_850 = vector.shape_cast %get3A_849 : vector<1x1x16xf32> to vector<16xf32>
          %add3A_851 = arith.addf %add3A_787, %get3A_850 : vector<16xf32>
          %get3A_852 = arith.constant 6 : i32
          %get3A_853 = arith.index_cast %get3A_852 : i32 to index
          %get3A_854 = arith.index_cast %add3A_830 : i32 to index
          %get3A_855 = arith.constant 48 : index
          %get3A_856 = tpu.vector_load %arg6[%get3A_853, %get3A_854, %get3A_855] {strides = array<i32>} : memref<8x200x64xf32, #tpu.memory_space<vmem>>, vector<1x1x16xf32>,
          %get3A_857 = vector.shape_cast %get3A_856 : vector<1x1x16xf32> to vector<16xf32>
          %add3A_858 = arith.addf %add3A_794, %get3A_857 : vector<16xf32>
          scf.yield %add3A_805, %add3A_812, %add3A_819, %add3A_826, %add3A_837, %add3A_844, %add3A_851, %add3A_858 : vector<16xf32>, vector<16xf32>, vector<16xf32>, vector<16xf32>, vector<16xf32>, vector<16xf32>, vector<16xf32>, vector<16xf32>
        }
        %scan3A_514 = arith.constant 25 : i32
        %add3A_515 = arith.addf %scan3A_513#0, %scan3A_513#4 : vector<16xf32>
        %swap3A_516 = arith.index_cast %add3A_484 : i32 to index
        %swap3A_517 = arith.constant 0 : index
        %swap3A_518 = tpu.vector_load %arg7[%swap3A_516, %swap3A_517] {strides = array<i32>} : memref<64x64xf32, #tpu.memory_space<vmem>>, vector<1x16xf32>,
        %swap3A_519 = vector.shape_cast %swap3A_518 : vector<1x16xf32> to vector<16xf32>
        %swap3A_520 = vector.shape_cast %add3A_515 : vector<16xf32> to vector<1x16xf32>
        tpu.vector_store %arg7[%swap3A_516, %swap3A_517], %swap3A_520 {strides = array<i32>} : memref<64x64xf32, #tpu.memory_space<vmem>>, vector<1x16xf32>,
        %add3A_521 = arith.addf %scan3A_513#1, %scan3A_513#5 : vector<16xf32>
        %swap3A_522 = arith.index_cast %add3A_484 : i32 to index
        %swap3A_523 = arith.constant 16 : index
        %swap3A_524 = tpu.vector_load %arg7[%swap3A_522, %swap3A_523] {strides = array<i32>} : memref<64x64xf32, #tpu.memory_space<vmem>>, vector<1x16xf32>,
        %swap3A_525 = vector.shape_cast %swap3A_524 : vector<1x16xf32> to vector<16xf32>
        %swap3A_526 = vector.shape_cast %add3A_521 : vector<16xf32> to vector<1x16xf32>
        tpu.vector_store %arg7[%swap3A_522, %swap3A_523], %swap3A_526 {strides = array<i32>} : memref<64x64xf32, #tpu.memory_space<vmem>>, vector<1x16xf32>,
        %add3A_527 = arith.addf %scan3A_513#2, %scan3A_513#6 : vector<16xf32>
        %swap3A_528 = arith.index_cast %add3A_484 : i32 to index
        %swap3A_529 = arith.constant 32 : index
        %swap3A_530 = tpu.vector_load %arg7[%swap3A_528, %swap3A_529] {strides = array<i32>} : memref<64x64xf32, #tpu.memory_space<vmem>>, vector<1x16xf32>,
        %swap3A_531 = vector.shape_cast %swap3A_530 : vector<1x16xf32> to vector<16xf32>
        %swap3A_532 = vector.shape_cast %add3A_527 : vector<16xf32> to vector<1x16xf32>
        tpu.vector_store %arg7[%swap3A_528, %swap3A_529], %swap3A_532 {strides = array<i32>} : memref<64x64xf32, #tpu.memory_space<vmem>>, vector<1x16xf32>,
        %add3A_533 = arith.addf %scan3A_513#3, %scan3A_513#7 : vector<16xf32>
        %swap3A_534 = arith.index_cast %add3A_484 : i32 to index
        %swap3A_535 = arith.constant 48 : index
        %swap3A_536 = tpu.vector_load %arg7[%swap3A_534, %swap3A_535] {strides = array<i32>} : memref<64x64xf32, #tpu.memory_space<vmem>>, vector<1x16xf32>,
        %swap3A_537 = vector.shape_cast %swap3A_536 : vector<1x16xf32> to vector<16xf32>
        %swap3A_538 = vector.shape_cast %add3A_533 : vector<16xf32> to vector<1x16xf32>
        tpu.vector_store %arg7[%swap3A_534, %swap3A_535], %swap3A_538 {strides = array<i32>} : memref<64x64xf32, #tpu.memory_space<vmem>>, vector<1x16xf32>,
        %add3A_539 = arith.constant 7 : i32
        %add3A_540 = arith.addi %mul3A_152, %add3A_539 : i32
        %dma_wait3A_541 = arith.constant 7 : i32
        %dma_wait3A_542 = arith.constant 0 : i32
        %dma_wait3A_543 = arith.constant 0 : i32
        %dma_wait3A_544 = tpu.memref_slice %arg6[%dma_wait3A_541, %dma_wait3A_542, %dma_wait3A_543] : memref<8x200x64xf32, #tpu.memory_space<vmem>> -> memref<1x200x64xf32, #tpu.memory_space<vmem>>
        %dma_wait3A_545 = tpu.memref_squeeze %dma_wait3A_544 : memref<1x200x64xf32, #tpu.memory_space<vmem>> -> memref<200x64xf32, #tpu.memory_space<vmem>>
        %dma_wait3A_546 = arith.constant 0 : i32
        %dma_wait3A_547 = arith.constant 0 : i32
        %dma_wait3A_548 = tpu.memref_slice %arg3[%dma_wait3A_546, %dma_wait3A_547] : memref<1000000x64xf32, #tpu.memory_space<hbm>> -> memref<200x64xf32, #tpu.memory_space<hbm>>
        %dma_wait3A_549 = arith.constant 0 : i32
        %dma_wait3A_550 = arith.constant 0 : i32
        %dma_wait3A_551 = tpu.memref_slice %arg6[%dma_wait3A_541, %dma_wait3A_549, %dma_wait3A_550] : memref<8x200x64xf32, #tpu.memory_space<vmem>> -> memref<1x200x64xf32, #tpu.memory_space<vmem>>
        %dma_wait3A_552 = tpu.memref_squeeze %dma_wait3A_551 : memref<1x200x64xf32, #tpu.memory_space<vmem>> -> memref<200x64xf32, #tpu.memory_space<vmem>>
        %dma_wait3A_553 = arith.constant 0 : i32
        %dma_wait3A_554 = arith.constant 0 : i32
        %dma_wait3A_555 = tpu.memref_slice %arg3[%dma_wait3A_553, %dma_wait3A_554] : memref<1000000x64xf32, #tpu.memory_space<hbm>> -> memref<200x64xf32, #tpu.memory_space<hbm>>
        tpu.wait_dma2 semaphore(%arg15 : memref<!tpu.dma_semaphore, #tpu.memory_space<semaphore_mem>>) src(%dma_wait3A_555 : memref<200x64xf32, #tpu.memory_space<hbm>>) dst(%dma_wait3A_552 : memref<200x64xf32, #tpu.memory_space<vmem>>)
        %add3A_556 = arith.constant 6 : i32
        %add3A_557 = arith.addi %add3A_540, %add3A_556 : i32
        %lt3A_558 = arith.constant 64 : i32
        %lt3A_559 = arith.cmpi slt, %add3A_557, %lt3A_558 : i32
        %convert_element_type3A_560 = arith.extui %lt3A_559 : i1 to i32
        %cond3A_561 = arith.constant 0 : i32
        %cond3A_562 = arith.cmpi ne, %convert_element_type3A_560, %cond3A_561 : i32
        scf.if %cond3A_562 {
          %add3A_595 = arith.constant 6 : i32
          %add3A_596 = arith.addi %add3A_540, %add3A_595 : i32
          %mul3A_597 = arith.constant 200 : i32
          %mul3A_598 = arith.muli %add3A_596, %mul3A_597 : i32
          %multiple_of3A_599 = tpu.assume_multiple %mul3A_598, 8 : i32
          %dma_start3A_600 = arith.constant 5 : i32
          %dma_start3A_601 = arith.constant 0 : i32
          %dma_start3A_602 = arith.constant 0 : i32
          %dma_start3A_603 = tpu.memref_slice %arg6[%dma_start3A_600, %dma_start3A_601, %dma_start3A_602] : memref<8x200x64xf32, #tpu.memory_space<vmem>> -> memref<1x104x64xf32, #tpu.memory_space<vmem>>
          %dma_start3A_604 = tpu.memref_squeeze %dma_start3A_603 : memref<1x104x64xf32, #tpu.memory_space<vmem>> -> memref<104x64xf32, #tpu.memory_space<vmem>>
          %dma_start3A_605 = tpu.memref_slice %arg5[%multiple_of3A_599] : memref<12800xi32, #tpu.memory_space<vmem>> -> memref<104xi32, #tpu.memory_space<vmem>>
          %dma_start3A_606 = arith.constant 0 : i32
          %dma_start3A_607 = arith.constant 0 : i32
          %dma_start3A_608 = tpu.memref_slice %arg3[%dma_start3A_606, %dma_start3A_607] : memref<1000000x64xf32, #tpu.memory_space<hbm>> -> memref<1000000x64xf32, #tpu.memory_space<hbm>>
          tpu.enqueue_indirect_dma source(%dma_start3A_608 : memref<1000000x64xf32, #tpu.memory_space<hbm>>) target(%dma_start3A_604 : memref<104x64xf32, #tpu.memory_space<vmem>>) offsets(%dma_start3A_605 : memref<104xi32, #tpu.memory_space<vmem>>) semaphore(%arg13 : memref<!tpu.dma_semaphore, #tpu.memory_space<semaphore_mem>>)
          %mul3A_609 = arith.constant 200 : i32
          %mul3A_610 = arith.muli %add3A_596, %mul3A_609 : i32
          %add3A_611 = arith.constant 104 : i32
          %add3A_612 = arith.addi %mul3A_610, %add3A_611 : i32
          %multiple_of3A_613 = tpu.assume_multiple %add3A_612, 8 : i32
          %dma_start3A_614 = arith.constant 5 : i32
          %dma_start3A_615 = arith.constant 104 : i32
          %dma_start3A_616 = arith.constant 0 : i32
          %dma_start3A_617 = tpu.memref_slice %arg6[%dma_start3A_614, %dma_start3A_615, %dma_start3A_616] : memref<8x200x64xf32, #tpu.memory_space<vmem>> -> memref<1x96x64xf32, #tpu.memory_space<vmem>>
          %dma_start3A_618 = tpu.memref_squeeze %dma_start3A_617 : memref<1x96x64xf32, #tpu.memory_space<vmem>> -> memref<96x64xf32, #tpu.memory_space<vmem>>
          %dma_start3A_619 = tpu.memref_slice %arg5[%multiple_of3A_613] : memref<12800xi32, #tpu.memory_space<vmem>> -> memref<96xi32, #tpu.memory_space<vmem>>
          %dma_start3A_620 = arith.constant 0 : i32
          %dma_start3A_621 = arith.constant 0 : i32
          %dma_start3A_622 = tpu.memref_slice %arg3[%dma_start3A_620, %dma_start3A_621] : memref<1000000x64xf32, #tpu.memory_space<hbm>> -> memref<1000000x64xf32, #tpu.memory_space<hbm>>
          tpu.enqueue_indirect_dma source(%dma_start3A_622 : memref<1000000x64xf32, #tpu.memory_space<hbm>>) target(%dma_start3A_618 : memref<96x64xf32, #tpu.memory_space<vmem>>) offsets(%dma_start3A_619 : memref<96xi32, #tpu.memory_space<vmem>>) semaphore(%arg13 : memref<!tpu.dma_semaphore, #tpu.memory_space<semaphore_mem>>)
        } else {
        }
        %broadcast_in_dim3A_563 = arith.constant 0.000000e+00 : f32
        %broadcast_in_dim3A_564 = vector.broadcast %broadcast_in_dim3A_563 : f32 to vector<16xf32>
        %scan3A_565 = arith.constant 0 : i32
        %scan3A_566 = arith.constant 25 : i32
        %scan3A_567 = arith.addi %scan3A_565, %scan3A_566 : i32
        %scan3A_568 = arith.constant 1 : i32
        %scan3A_569:8 = scf.for %scan3A_595 = %scan3A_565 to %scan3A_567 step %scan3A_568 iter_args(%scan3A_596 = %broadcast_in_dim3A_564, %scan3A_597 = %broadcast_in_dim3A_564, %scan3A_598 = %broadcast_in_dim3A_564, %scan3A_599 = %broadcast_in_dim3A_564, %scan3A_600 = %broadcast_in_dim3A_564, %scan3A_601 = %broadcast_in_dim3A_564, %scan3A_602 = %broadcast_in_dim3A_564, %scan3A_603 = %broadcast_in_dim3A_564) -> (vector<16xf32>, vector<16xf32>, vector<16xf32>, vector<16xf32>, vector<16xf32>, vector<16xf32>, vector<16xf32>, vector<16xf32>)  : i32 {
          %mul3A_604 = arith.constant 8 : i32
          %mul3A_605 = arith.muli %scan3A_595, %mul3A_604 : i32
          %add3A_606 = arith.constant 0 : i32
          %add3A_607 = arith.addi %mul3A_605, %add3A_606 : i32
          %get3A = arith.constant 7 : i32
          %get3A_608 = arith.index_cast %get3A : i32 to index
          %get3A_609 = arith.index_cast %add3A_607 : i32 to index
          %get3A_610 = arith.constant 0 : index
          %get3A_611 = tpu.vector_load %arg6[%get3A_608, %get3A_609, %get3A_610] {strides = array<i32>} : memref<8x200x64xf32, #tpu.memory_space<vmem>>, vector<1x1x16xf32>,
          %get3A_612 = vector.shape_cast %get3A_611 : vector<1x1x16xf32> to vector<16xf32>
          %add3A_613 = arith.addf %scan3A_596, %get3A_612 : vector<16xf32>
          %get3A_614 = arith.constant 7 : i32
          %get3A_615 = arith.index_cast %get3A_614 : i32 to index
          %get3A_616 = arith.index_cast %add3A_607 : i32 to index
          %get3A_617 = arith.constant 16 : index
          %get3A_618 = tpu.vector_load %arg6[%get3A_615, %get3A_616, %get3A_617] {strides = array<i32>} : memref<8x200x64xf32, #tpu.memory_space<vmem>>, vector<1x1x16xf32>,
          %get3A_619 = vector.shape_cast %get3A_618 : vector<1x1x16xf32> to vector<16xf32>
          %add3A_620 = arith.addf %scan3A_597, %get3A_619 : vector<16xf32>
          %get3A_621 = arith.constant 7 : i32
          %get3A_622 = arith.index_cast %get3A_621 : i32 to index
          %get3A_623 = arith.index_cast %add3A_607 : i32 to index
          %get3A_624 = arith.constant 32 : index
          %get3A_625 = tpu.vector_load %arg6[%get3A_622, %get3A_623, %get3A_624] {strides = array<i32>} : memref<8x200x64xf32, #tpu.memory_space<vmem>>, vector<1x1x16xf32>,
          %get3A_626 = vector.shape_cast %get3A_625 : vector<1x1x16xf32> to vector<16xf32>
          %add3A_627 = arith.addf %scan3A_598, %get3A_626 : vector<16xf32>
          %get3A_628 = arith.constant 7 : i32
          %get3A_629 = arith.index_cast %get3A_628 : i32 to index
          %get3A_630 = arith.index_cast %add3A_607 : i32 to index
          %get3A_631 = arith.constant 48 : index
          %get3A_632 = tpu.vector_load %arg6[%get3A_629, %get3A_630, %get3A_631] {strides = array<i32>} : memref<8x200x64xf32, #tpu.memory_space<vmem>>, vector<1x1x16xf32>,
          %get3A_633 = vector.shape_cast %get3A_632 : vector<1x1x16xf32> to vector<16xf32>
          %add3A_634 = arith.addf %scan3A_599, %get3A_633 : vector<16xf32>
          %mul3A_635 = arith.constant 8 : i32
          %mul3A_636 = arith.muli %scan3A_595, %mul3A_635 : i32
          %add3A_637 = arith.constant 1 : i32
          %add3A_638 = arith.addi %mul3A_636, %add3A_637 : i32
          %get3A_639 = arith.constant 7 : i32
          %get3A_640 = arith.index_cast %get3A_639 : i32 to index
          %get3A_641 = arith.index_cast %add3A_638 : i32 to index
          %get3A_642 = arith.constant 0 : index
          %get3A_643 = tpu.vector_load %arg6[%get3A_640, %get3A_641, %get3A_642] {strides = array<i32>} : memref<8x200x64xf32, #tpu.memory_space<vmem>>, vector<1x1x16xf32>,
          %get3A_644 = vector.shape_cast %get3A_643 : vector<1x1x16xf32> to vector<16xf32>
          %add3A_645 = arith.addf %scan3A_600, %get3A_644 : vector<16xf32>
          %get3A_646 = arith.constant 7 : i32
          %get3A_647 = arith.index_cast %get3A_646 : i32 to index
          %get3A_648 = arith.index_cast %add3A_638 : i32 to index
          %get3A_649 = arith.constant 16 : index
          %get3A_650 = tpu.vector_load %arg6[%get3A_647, %get3A_648, %get3A_649] {strides = array<i32>} : memref<8x200x64xf32, #tpu.memory_space<vmem>>, vector<1x1x16xf32>,
          %get3A_651 = vector.shape_cast %get3A_650 : vector<1x1x16xf32> to vector<16xf32>
          %add3A_652 = arith.addf %scan3A_601, %get3A_651 : vector<16xf32>
          %get3A_653 = arith.constant 7 : i32
          %get3A_654 = arith.index_cast %get3A_653 : i32 to index
          %get3A_655 = arith.index_cast %add3A_638 : i32 to index
          %get3A_656 = arith.constant 32 : index
          %get3A_657 = tpu.vector_load %arg6[%get3A_654, %get3A_655, %get3A_656] {strides = array<i32>} : memref<8x200x64xf32, #tpu.memory_space<vmem>>, vector<1x1x16xf32>,
          %get3A_658 = vector.shape_cast %get3A_657 : vector<1x1x16xf32> to vector<16xf32>
          %add3A_659 = arith.addf %scan3A_602, %get3A_658 : vector<16xf32>
          %get3A_660 = arith.constant 7 : i32
          %get3A_661 = arith.index_cast %get3A_660 : i32 to index
          %get3A_662 = arith.index_cast %add3A_638 : i32 to index
          %get3A_663 = arith.constant 48 : index
          %get3A_664 = tpu.vector_load %arg6[%get3A_661, %get3A_662, %get3A_663] {strides = array<i32>} : memref<8x200x64xf32, #tpu.memory_space<vmem>>, vector<1x1x16xf32>,
          %get3A_665 = vector.shape_cast %get3A_664 : vector<1x1x16xf32> to vector<16xf32>
          %add3A_666 = arith.addf %scan3A_603, %get3A_665 : vector<16xf32>
          %mul3A_667 = arith.constant 8 : i32
          %mul3A_668 = arith.muli %scan3A_595, %mul3A_667 : i32
          %add3A_669 = arith.constant 2 : i32
          %add3A_670 = arith.addi %mul3A_668, %add3A_669 : i32
          %get3A_671 = arith.constant 7 : i32
          %get3A_672 = arith.index_cast %get3A_671 : i32 to index
          %get3A_673 = arith.index_cast %add3A_670 : i32 to index
          %get3A_674 = arith.constant 0 : index
          %get3A_675 = tpu.vector_load %arg6[%get3A_672, %get3A_673, %get3A_674] {strides = array<i32>} : memref<8x200x64xf32, #tpu.memory_space<vmem>>, vector<1x1x16xf32>,
          %get3A_676 = vector.shape_cast %get3A_675 : vector<1x1x16xf32> to vector<16xf32>
          %add3A_677 = arith.addf %add3A_613, %get3A_676 : vector<16xf32>
          %get3A_678 = arith.constant 7 : i32
          %get3A_679 = arith.index_cast %get3A_678 : i32 to index
          %get3A_680 = arith.index_cast %add3A_670 : i32 to index
          %get3A_681 = arith.constant 16 : index
          %get3A_682 = tpu.vector_load %arg6[%get3A_679, %get3A_680, %get3A_681] {strides = array<i32>} : memref<8x200x64xf32, #tpu.memory_space<vmem>>, vector<1x1x16xf32>,
          %get3A_683 = vector.shape_cast %get3A_682 : vector<1x1x16xf32> to vector<16xf32>
          %add3A_684 = arith.addf %add3A_620, %get3A_683 : vector<16xf32>
          %get3A_685 = arith.constant 7 : i32
          %get3A_686 = arith.index_cast %get3A_685 : i32 to index
          %get3A_687 = arith.index_cast %add3A_670 : i32 to index
          %get3A_688 = arith.constant 32 : index
          %get3A_689 = tpu.vector_load %arg6[%get3A_686, %get3A_687, %get3A_688] {strides = array<i32>} : memref<8x200x64xf32, #tpu.memory_space<vmem>>, vector<1x1x16xf32>,
          %get3A_690 = vector.shape_cast %get3A_689 : vector<1x1x16xf32> to vector<16xf32>
          %add3A_691 = arith.addf %add3A_627, %get3A_690 : vector<16xf32>
          %get3A_692 = arith.constant 7 : i32
          %get3A_693 = arith.index_cast %get3A_692 : i32 to index
          %get3A_694 = arith.index_cast %add3A_670 : i32 to index
          %get3A_695 = arith.constant 48 : index
          %get3A_696 = tpu.vector_load %arg6[%get3A_693, %get3A_694, %get3A_695] {strides = array<i32>} : memref<8x200x64xf32, #tpu.memory_space<vmem>>, vector<1x1x16xf32>,
          %get3A_697 = vector.shape_cast %get3A_696 : vector<1x1x16xf32> to vector<16xf32>
          %add3A_698 = arith.addf %add3A_634, %get3A_697 : vector<16xf32>
          %mul3A_699 = arith.constant 8 : i32
          %mul3A_700 = arith.muli %scan3A_595, %mul3A_699 : i32
          %add3A_701 = arith.constant 3 : i32
          %add3A_702 = arith.addi %mul3A_700, %add3A_701 : i32
          %get3A_703 = arith.constant 7 : i32
          %get3A_704 = arith.index_cast %get3A_703 : i32 to index
          %get3A_705 = arith.index_cast %add3A_702 : i32 to index
          %get3A_706 = arith.constant 0 : index
          %get3A_707 = tpu.vector_load %arg6[%get3A_704, %get3A_705, %get3A_706] {strides = array<i32>} : memref<8x200x64xf32, #tpu.memory_space<vmem>>, vector<1x1x16xf32>,
          %get3A_708 = vector.shape_cast %get3A_707 : vector<1x1x16xf32> to vector<16xf32>
          %add3A_709 = arith.addf %add3A_645, %get3A_708 : vector<16xf32>
          %get3A_710 = arith.constant 7 : i32
          %get3A_711 = arith.index_cast %get3A_710 : i32 to index
          %get3A_712 = arith.index_cast %add3A_702 : i32 to index
          %get3A_713 = arith.constant 16 : index
          %get3A_714 = tpu.vector_load %arg6[%get3A_711, %get3A_712, %get3A_713] {strides = array<i32>} : memref<8x200x64xf32, #tpu.memory_space<vmem>>, vector<1x1x16xf32>,
          %get3A_715 = vector.shape_cast %get3A_714 : vector<1x1x16xf32> to vector<16xf32>
          %add3A_716 = arith.addf %add3A_652, %get3A_715 : vector<16xf32>
          %get3A_717 = arith.constant 7 : i32
          %get3A_718 = arith.index_cast %get3A_717 : i32 to index
          %get3A_719 = arith.index_cast %add3A_702 : i32 to index
          %get3A_720 = arith.constant 32 : index
          %get3A_721 = tpu.vector_load %arg6[%get3A_718, %get3A_719, %get3A_720] {strides = array<i32>} : memref<8x200x64xf32, #tpu.memory_space<vmem>>, vector<1x1x16xf32>,
          %get3A_722 = vector.shape_cast %get3A_721 : vector<1x1x16xf32> to vector<16xf32>
          %add3A_723 = arith.addf %add3A_659, %get3A_722 : vector<16xf32>
          %get3A_724 = arith.constant 7 : i32
          %get3A_725 = arith.index_cast %get3A_724 : i32 to index
          %get3A_726 = arith.index_cast %add3A_702 : i32 to index
          %get3A_727 = arith.constant 48 : index
          %get3A_728 = tpu.vector_load %arg6[%get3A_725, %get3A_726, %get3A_727] {strides = array<i32>} : memref<8x200x64xf32, #tpu.memory_space<vmem>>, vector<1x1x16xf32>,
          %get3A_729 = vector.shape_cast %get3A_728 : vector<1x1x16xf32> to vector<16xf32>
          %add3A_730 = arith.addf %add3A_666, %get3A_729 : vector<16xf32>
          %mul3A_731 = arith.constant 8 : i32
          %mul3A_732 = arith.muli %scan3A_595, %mul3A_731 : i32
          %add3A_733 = arith.constant 4 : i32
          %add3A_734 = arith.addi %mul3A_732, %add3A_733 : i32
          %get3A_735 = arith.constant 7 : i32
          %get3A_736 = arith.index_cast %get3A_735 : i32 to index
          %get3A_737 = arith.index_cast %add3A_734 : i32 to index
          %get3A_738 = arith.constant 0 : index
          %get3A_739 = tpu.vector_load %arg6[%get3A_736, %get3A_737, %get3A_738] {strides = array<i32>} : memref<8x200x64xf32, #tpu.memory_space<vmem>>, vector<1x1x16xf32>,
          %get3A_740 = vector.shape_cast %get3A_739 : vector<1x1x16xf32> to vector<16xf32>
          %add3A_741 = arith.addf %add3A_677, %get3A_740 : vector<16xf32>
          %get3A_742 = arith.constant 7 : i32
          %get3A_743 = arith.index_cast %get3A_742 : i32 to index
          %get3A_744 = arith.index_cast %add3A_734 : i32 to index
          %get3A_745 = arith.constant 16 : index
          %get3A_746 = tpu.vector_load %arg6[%get3A_743, %get3A_744, %get3A_745] {strides = array<i32>} : memref<8x200x64xf32, #tpu.memory_space<vmem>>, vector<1x1x16xf32>,
          %get3A_747 = vector.shape_cast %get3A_746 : vector<1x1x16xf32> to vector<16xf32>
          %add3A_748 = arith.addf %add3A_684, %get3A_747 : vector<16xf32>
          %get3A_749 = arith.constant 7 : i32
          %get3A_750 = arith.index_cast %get3A_749 : i32 to index
          %get3A_751 = arith.index_cast %add3A_734 : i32 to index
          %get3A_752 = arith.constant 32 : index
          %get3A_753 = tpu.vector_load %arg6[%get3A_750, %get3A_751, %get3A_752] {strides = array<i32>} : memref<8x200x64xf32, #tpu.memory_space<vmem>>, vector<1x1x16xf32>,
          %get3A_754 = vector.shape_cast %get3A_753 : vector<1x1x16xf32> to vector<16xf32>
          %add3A_755 = arith.addf %add3A_691, %get3A_754 : vector<16xf32>
          %get3A_756 = arith.constant 7 : i32
          %get3A_757 = arith.index_cast %get3A_756 : i32 to index
          %get3A_758 = arith.index_cast %add3A_734 : i32 to index
          %get3A_759 = arith.constant 48 : index
          %get3A_760 = tpu.vector_load %arg6[%get3A_757, %get3A_758, %get3A_759] {strides = array<i32>} : memref<8x200x64xf32, #tpu.memory_space<vmem>>, vector<1x1x16xf32>,
          %get3A_761 = vector.shape_cast %get3A_760 : vector<1x1x16xf32> to vector<16xf32>
          %add3A_762 = arith.addf %add3A_698, %get3A_761 : vector<16xf32>
          %mul3A_763 = arith.constant 8 : i32
          %mul3A_764 = arith.muli %scan3A_595, %mul3A_763 : i32
          %add3A_765 = arith.constant 5 : i32
          %add3A_766 = arith.addi %mul3A_764, %add3A_765 : i32
          %get3A_767 = arith.constant 7 : i32
          %get3A_768 = arith.index_cast %get3A_767 : i32 to index
          %get3A_769 = arith.index_cast %add3A_766 : i32 to index
          %get3A_770 = arith.constant 0 : index
          %get3A_771 = tpu.vector_load %arg6[%get3A_768, %get3A_769, %get3A_770] {strides = array<i32>} : memref<8x200x64xf32, #tpu.memory_space<vmem>>, vector<1x1x16xf32>,
          %get3A_772 = vector.shape_cast %get3A_771 : vector<1x1x16xf32> to vector<16xf32>
          %add3A_773 = arith.addf %add3A_709, %get3A_772 : vector<16xf32>
          %get3A_774 = arith.constant 7 : i32
          %get3A_775 = arith.index_cast %get3A_774 : i32 to index
          %get3A_776 = arith.index_cast %add3A_766 : i32 to index
          %get3A_777 = arith.constant 16 : index
          %get3A_778 = tpu.vector_load %arg6[%get3A_775, %get3A_776, %get3A_777] {strides = array<i32>} : memref<8x200x64xf32, #tpu.memory_space<vmem>>, vector<1x1x16xf32>,
          %get3A_779 = vector.shape_cast %get3A_778 : vector<1x1x16xf32> to vector<16xf32>
          %add3A_780 = arith.addf %add3A_716, %get3A_779 : vector<16xf32>
          %get3A_781 = arith.constant 7 : i32
          %get3A_782 = arith.index_cast %get3A_781 : i32 to index
          %get3A_783 = arith.index_cast %add3A_766 : i32 to index
          %get3A_784 = arith.constant 32 : index
          %get3A_785 = tpu.vector_load %arg6[%get3A_782, %get3A_783, %get3A_784] {strides = array<i32>} : memref<8x200x64xf32, #tpu.memory_space<vmem>>, vector<1x1x16xf32>,
          %get3A_786 = vector.shape_cast %get3A_785 : vector<1x1x16xf32> to vector<16xf32>
          %add3A_787 = arith.addf %add3A_723, %get3A_786 : vector<16xf32>
          %get3A_788 = arith.constant 7 : i32
          %get3A_789 = arith.index_cast %get3A_788 : i32 to index
          %get3A_790 = arith.index_cast %add3A_766 : i32 to index
          %get3A_791 = arith.constant 48 : index
          %get3A_792 = tpu.vector_load %arg6[%get3A_789, %get3A_790, %get3A_791] {strides = array<i32>} : memref<8x200x64xf32, #tpu.memory_space<vmem>>, vector<1x1x16xf32>,
          %get3A_793 = vector.shape_cast %get3A_792 : vector<1x1x16xf32> to vector<16xf32>
          %add3A_794 = arith.addf %add3A_730, %get3A_793 : vector<16xf32>
          %mul3A_795 = arith.constant 8 : i32
          %mul3A_796 = arith.muli %scan3A_595, %mul3A_795 : i32
          %add3A_797 = arith.constant 6 : i32
          %add3A_798 = arith.addi %mul3A_796, %add3A_797 : i32
          %get3A_799 = arith.constant 7 : i32
          %get3A_800 = arith.index_cast %get3A_799 : i32 to index
          %get3A_801 = arith.index_cast %add3A_798 : i32 to index
          %get3A_802 = arith.constant 0 : index
          %get3A_803 = tpu.vector_load %arg6[%get3A_800, %get3A_801, %get3A_802] {strides = array<i32>} : memref<8x200x64xf32, #tpu.memory_space<vmem>>, vector<1x1x16xf32>,
          %get3A_804 = vector.shape_cast %get3A_803 : vector<1x1x16xf32> to vector<16xf32>
          %add3A_805 = arith.addf %add3A_741, %get3A_804 : vector<16xf32>
          %get3A_806 = arith.constant 7 : i32
          %get3A_807 = arith.index_cast %get3A_806 : i32 to index
          %get3A_808 = arith.index_cast %add3A_798 : i32 to index
          %get3A_809 = arith.constant 16 : index
          %get3A_810 = tpu.vector_load %arg6[%get3A_807, %get3A_808, %get3A_809] {strides = array<i32>} : memref<8x200x64xf32, #tpu.memory_space<vmem>>, vector<1x1x16xf32>,
          %get3A_811 = vector.shape_cast %get3A_810 : vector<1x1x16xf32> to vector<16xf32>
          %add3A_812 = arith.addf %add3A_748, %get3A_811 : vector<16xf32>
          %get3A_813 = arith.constant 7 : i32
          %get3A_814 = arith.index_cast %get3A_813 : i32 to index
          %get3A_815 = arith.index_cast %add3A_798 : i32 to index
          %get3A_816 = arith.constant 32 : index
          %get3A_817 = tpu.vector_load %arg6[%get3A_814, %get3A_815, %get3A_816] {strides = array<i32>} : memref<8x200x64xf32, #tpu.memory_space<vmem>>, vector<1x1x16xf32>,
          %get3A_818 = vector.shape_cast %get3A_817 : vector<1x1x16xf32> to vector<16xf32>
          %add3A_819 = arith.addf %add3A_755, %get3A_818 : vector<16xf32>
          %get3A_820 = arith.constant 7 : i32
          %get3A_821 = arith.index_cast %get3A_820 : i32 to index
          %get3A_822 = arith.index_cast %add3A_798 : i32 to index
          %get3A_823 = arith.constant 48 : index
          %get3A_824 = tpu.vector_load %arg6[%get3A_821, %get3A_822, %get3A_823] {strides = array<i32>} : memref<8x200x64xf32, #tpu.memory_space<vmem>>, vector<1x1x16xf32>,
          %get3A_825 = vector.shape_cast %get3A_824 : vector<1x1x16xf32> to vector<16xf32>
          %add3A_826 = arith.addf %add3A_762, %get3A_825 : vector<16xf32>
          %mul3A_827 = arith.constant 8 : i32
          %mul3A_828 = arith.muli %scan3A_595, %mul3A_827 : i32
          %add3A_829 = arith.constant 7 : i32
          %add3A_830 = arith.addi %mul3A_828, %add3A_829 : i32
          %get3A_831 = arith.constant 7 : i32
          %get3A_832 = arith.index_cast %get3A_831 : i32 to index
          %get3A_833 = arith.index_cast %add3A_830 : i32 to index
          %get3A_834 = arith.constant 0 : index
          %get3A_835 = tpu.vector_load %arg6[%get3A_832, %get3A_833, %get3A_834] {strides = array<i32>} : memref<8x200x64xf32, #tpu.memory_space<vmem>>, vector<1x1x16xf32>,
          %get3A_836 = vector.shape_cast %get3A_835 : vector<1x1x16xf32> to vector<16xf32>
          %add3A_837 = arith.addf %add3A_773, %get3A_836 : vector<16xf32>
          %get3A_838 = arith.constant 7 : i32
          %get3A_839 = arith.index_cast %get3A_838 : i32 to index
          %get3A_840 = arith.index_cast %add3A_830 : i32 to index
          %get3A_841 = arith.constant 16 : index
          %get3A_842 = tpu.vector_load %arg6[%get3A_839, %get3A_840, %get3A_841] {strides = array<i32>} : memref<8x200x64xf32, #tpu.memory_space<vmem>>, vector<1x1x16xf32>,
          %get3A_843 = vector.shape_cast %get3A_842 : vector<1x1x16xf32> to vector<16xf32>
          %add3A_844 = arith.addf %add3A_780, %get3A_843 : vector<16xf32>
          %get3A_845 = arith.constant 7 : i32
          %get3A_846 = arith.index_cast %get3A_845 : i32 to index
          %get3A_847 = arith.index_cast %add3A_830 : i32 to index
          %get3A_848 = arith.constant 32 : index
          %get3A_849 = tpu.vector_load %arg6[%get3A_846, %get3A_847, %get3A_848] {strides = array<i32>} : memref<8x200x64xf32, #tpu.memory_space<vmem>>, vector<1x1x16xf32>,
          %get3A_850 = vector.shape_cast %get3A_849 : vector<1x1x16xf32> to vector<16xf32>
          %add3A_851 = arith.addf %add3A_787, %get3A_850 : vector<16xf32>
          %get3A_852 = arith.constant 7 : i32
          %get3A_853 = arith.index_cast %get3A_852 : i32 to index
          %get3A_854 = arith.index_cast %add3A_830 : i32 to index
          %get3A_855 = arith.constant 48 : index
          %get3A_856 = tpu.vector_load %arg6[%get3A_853, %get3A_854, %get3A_855] {strides = array<i32>} : memref<8x200x64xf32, #tpu.memory_space<vmem>>, vector<1x1x16xf32>,
          %get3A_857 = vector.shape_cast %get3A_856 : vector<1x1x16xf32> to vector<16xf32>
          %add3A_858 = arith.addf %add3A_794, %get3A_857 : vector<16xf32>
          scf.yield %add3A_805, %add3A_812, %add3A_819, %add3A_826, %add3A_837, %add3A_844, %add3A_851, %add3A_858 : vector<16xf32>, vector<16xf32>, vector<16xf32>, vector<16xf32>, vector<16xf32>, vector<16xf32>, vector<16xf32>, vector<16xf32>
        }
        %scan3A_570 = arith.constant 25 : i32
        %add3A_571 = arith.addf %scan3A_569#0, %scan3A_569#4 : vector<16xf32>
        %swap3A_572 = arith.index_cast %add3A_540 : i32 to index
        %swap3A_573 = arith.constant 0 : index
        %swap3A_574 = tpu.vector_load %arg7[%swap3A_572, %swap3A_573] {strides = array<i32>} : memref<64x64xf32, #tpu.memory_space<vmem>>, vector<1x16xf32>,
        %swap3A_575 = vector.shape_cast %swap3A_574 : vector<1x16xf32> to vector<16xf32>
        %swap3A_576 = vector.shape_cast %add3A_571 : vector<16xf32> to vector<1x16xf32>
        tpu.vector_store %arg7[%swap3A_572, %swap3A_573], %swap3A_576 {strides = array<i32>} : memref<64x64xf32, #tpu.memory_space<vmem>>, vector<1x16xf32>,
        %add3A_577 = arith.addf %scan3A_569#1, %scan3A_569#5 : vector<16xf32>
        %swap3A_578 = arith.index_cast %add3A_540 : i32 to index
        %swap3A_579 = arith.constant 16 : index
        %swap3A_580 = tpu.vector_load %arg7[%swap3A_578, %swap3A_579] {strides = array<i32>} : memref<64x64xf32, #tpu.memory_space<vmem>>, vector<1x16xf32>,
        %swap3A_581 = vector.shape_cast %swap3A_580 : vector<1x16xf32> to vector<16xf32>
        %swap3A_582 = vector.shape_cast %add3A_577 : vector<16xf32> to vector<1x16xf32>
        tpu.vector_store %arg7[%swap3A_578, %swap3A_579], %swap3A_582 {strides = array<i32>} : memref<64x64xf32, #tpu.memory_space<vmem>>, vector<1x16xf32>,
        %add3A_583 = arith.addf %scan3A_569#2, %scan3A_569#6 : vector<16xf32>
        %swap3A_584 = arith.index_cast %add3A_540 : i32 to index
        %swap3A_585 = arith.constant 32 : index
        %swap3A_586 = tpu.vector_load %arg7[%swap3A_584, %swap3A_585] {strides = array<i32>} : memref<64x64xf32, #tpu.memory_space<vmem>>, vector<1x16xf32>,
        %swap3A_587 = vector.shape_cast %swap3A_586 : vector<1x16xf32> to vector<16xf32>
        %swap3A_588 = vector.shape_cast %add3A_583 : vector<16xf32> to vector<1x16xf32>
        tpu.vector_store %arg7[%swap3A_584, %swap3A_585], %swap3A_588 {strides = array<i32>} : memref<64x64xf32, #tpu.memory_space<vmem>>, vector<1x16xf32>,
        %add3A_589 = arith.addf %scan3A_569#3, %scan3A_569#7 : vector<16xf32>
        %swap3A_590 = arith.index_cast %add3A_540 : i32 to index
        %swap3A_591 = arith.constant 48 : index
        %swap3A_592 = tpu.vector_load %arg7[%swap3A_590, %swap3A_591] {strides = array<i32>} : memref<64x64xf32, #tpu.memory_space<vmem>>, vector<1x16xf32>,
        %swap3A_593 = vector.shape_cast %swap3A_592 : vector<1x16xf32> to vector<16xf32>
        %swap3A_594 = vector.shape_cast %add3A_589 : vector<16xf32> to vector<1x16xf32>
        tpu.vector_store %arg7[%swap3A_590, %swap3A_591], %swap3A_594 {strides = array<i32>} : memref<64x64xf32, #tpu.memory_space<vmem>>, vector<1x16xf32>,
      }
      %scan3A_149 = arith.constant 8 : i32
      "tpu.region"() ({
        %run_scoped3A = tpu.sem_alloc : memref<!tpu.dma_semaphore, #tpu.memory_space<semaphore_mem>>
        %dma_start3A_150 = arith.constant 0 : i32
        %dma_start3A_151 = tpu.memref_slice %arg4[%add3A_11, %dma_start3A_150] : memref<16384x64xf32, #tpu.memory_space<hbm>> -> memref<64x64xf32, #tpu.memory_space<hbm>>
        %dma_start3A_152 = arith.constant 0 : i32
        %dma_start3A_153 = tpu.memref_slice %arg4[%add3A_11, %dma_start3A_152] : memref<16384x64xf32, #tpu.memory_space<hbm>> -> memref<64x64xf32, #tpu.memory_space<hbm>>
        tpu.enqueue_dma source(%arg7 : memref<64x64xf32, #tpu.memory_space<vmem>>) target(%dma_start3A_153 : memref<64x64xf32, #tpu.memory_space<hbm>>) target_semaphore(%run_scoped3A : memref<!tpu.dma_semaphore, #tpu.memory_space<semaphore_mem>>)
        %dma_wait3A = arith.constant 0 : i32
        %dma_wait3A_154 = tpu.memref_slice %arg4[%add3A_11, %dma_wait3A] : memref<16384x64xf32, #tpu.memory_space<hbm>> -> memref<64x64xf32, #tpu.memory_space<hbm>>
        %dma_wait3A_155 = arith.constant 0 : i32
        %dma_wait3A_156 = tpu.memref_slice %arg4[%add3A_11, %dma_wait3A_155] : memref<16384x64xf32, #tpu.memory_space<hbm>> -> memref<64x64xf32, #tpu.memory_space<hbm>>
        tpu.wait_dma2 semaphore(%run_scoped3A : memref<!tpu.dma_semaphore, #tpu.memory_space<semaphore_mem>>) src(%arg7 : memref<64x64xf32, #tpu.memory_space<vmem>>) dst(%dma_wait3A_156 : memref<64x64xf32, #tpu.memory_space<hbm>>)
        tpu.yield
      }) : () -> ()
    }
    %scan3A_7 = arith.constant 8 : i32
    return
  }
}

module attributes {stable_mosaic.version = 14 : i64} {
  func.func @_cls_body(%arg0: i32, %arg1: memref<2048x64xf32, #tpu.memory_space<vmem>>, %arg2: memref<100x64xf32, #tpu.memory_space<vmem>>, %arg3: memref<1x100xf32, #tpu.memory_space<vmem>>, %arg4: memref<2048x100xf32, #tpu.memory_space<vmem>>) attributes {dimension_semantics = [#tpu.dimension_semantics<arbitrary>], iteration_bounds = array<i64: 8>, scalar_prefetch = 0 : i64, scratch_operands = 0 : i64, tpu.core_type = #tpu.core_type<tc>, window_params = [{transform_indices = @transform_0, window_bounds = array<i64: 2048, 64>}, {pipeline_mode = #tpu.pipeline_mode<synchronous>, transform_indices = @transform_1, window_bounds = array<i64: 100, 64>}, {pipeline_mode = #tpu.pipeline_mode<synchronous>, transform_indices = @transform_2, window_bounds = array<i64: 1, 100>}, {transform_indices = @transform_3, window_bounds = array<i64: 2048, 100>}]} {
    %get3A = arith.constant 0 : index
    %get3A_0 = arith.constant 0 : index
    %get3A_1 = vector.load %arg1[%get3A, %get3A_0] : memref<2048x64xf32, #tpu.memory_space<vmem>>, vector<2048x64xf32>
    %get3A_2 = arith.constant 0 : index
    %get3A_3 = arith.constant 0 : index
    %get3A_4 = vector.load %arg2[%get3A_2, %get3A_3] : memref<100x64xf32, #tpu.memory_space<vmem>>, vector<100x64xf32>
    %dot_general3A = arith.constant dense<0.000000e+00> : vector<2048x100xf32>
    %dot_general3A_5 = tpu.matmul %get3A_1, %get3A_4, %dot_general3A {dimension_numbers = #tpu.dot_dimension_numbers<[1], [1], [0], [0], [0, 0, 1, 0], [], []>, transpose_lhs_hint = false} : vector<2048x64xf32>, vector<100x64xf32>, vector<2048x100xf32> -> vector<2048x100xf32>
    %mul3A = arith.constant 5.000000e-03 : f32
    %mul3A_6 = vector.broadcast %mul3A : f32 to vector<2048x100xf32>
    %mul3A_7 = arith.mulf %dot_general3A_5, %mul3A_6 : vector<2048x100xf32>
    %get3A_8 = arith.constant 0 : index
    %get3A_9 = arith.constant 0 : index
    %get3A_10 = vector.load %arg3[%get3A_8, %get3A_9] : memref<1x100xf32, #tpu.memory_space<vmem>>, vector<1x100xf32>
    %add3A = vector.broadcast %get3A_10 : vector<1x100xf32> to vector<2048x100xf32>
    %add3A_11 = arith.addf %mul3A_7, %add3A : vector<2048x100xf32>
    %swap3A = arith.constant 0 : index
    %swap3A_12 = arith.constant 0 : index
    %swap3A_13 = vector.load %arg4[%swap3A, %swap3A_12] : memref<2048x100xf32, #tpu.memory_space<vmem>>, vector<2048x100xf32>
    tpu.vector_store %arg4[%swap3A, %swap3A_12], %add3A_11 {strides = array<i32>} : memref<2048x100xf32, #tpu.memory_space<vmem>>, vector<2048x100xf32>,
    return
  }
  func.func @transform_0(%arg0: i32) -> (i32, i32) {
    %c0_i32 = arith.constant 0 : i32
    %c0_i32_0 = arith.constant 0 : i32
    return %arg0, %c0_i32 : i32, i32
  }
  func.func @transform_1(%arg0: i32) -> (i32, i32) {
    %c0_i32 = arith.constant 0 : i32
    %c0_i32_0 = arith.constant 0 : i32
    %c0_i32_1 = arith.constant 0 : i32
    return %c0_i32, %c0_i32_0 : i32, i32
  }
  func.func @transform_2(%arg0: i32) -> (i32, i32) {
    %c0_i32 = arith.constant 0 : i32
    %c0_i32_0 = arith.constant 0 : i32
    %c0_i32_1 = arith.constant 0 : i32
    return %c0_i32, %c0_i32_0 : i32, i32
  }
  func.func @transform_3(%arg0: i32) -> (i32, i32) {
    %c0_i32 = arith.constant 0 : i32
    %c0_i32_0 = arith.constant 0 : i32
    return %arg0, %c0_i32 : i32, i32
  }
}

</mosaic_0001>

<sc_bundles>
// kernel: kernel.4.cloned.1.call-start
scs
__scs_entry_jumppad:
0x0: {  	(pc) =	sbr.rel $0x88, $3  }
0x1: {  	(tag) =	ssettag $0x0;
	lr =	simm.s32 $0x1  }
0x2: {  	[smem:$0x3F9D] =	sst lr;
	_ =	strace $0xD0000000  }
0x3: {  	_ = 	snop  }
0x4: {  	_ = 	snop  }
0x5: {  	_ = 	snop  }
0x6: {  	_ = 	snop  }
0x7: {  	_ = 	snop  }
__scs_overlays_trampoline_lowered:
0x8: {  	[smem:$0x3FAC] =	sst s0  }
0x9: {  	[smem:$0x3FAD] =	sst s1  }
0xa: {  	[smem:$0x3FAE] =	sst s2  }
0xb: {  	[smem:$0x3FAF] =	sst s3  }
0xc: {  	[smem:$0x3FB0] =	sst s4  }
0xd: {  	[smem:$0x3FB1] =	sst s5  }
0xe: {  	[smem:$0x3FB2] =	sst s6  }
0xf: {  	[smem:$0x3FB3] =	sst s7  }
0x10: {  	[smem:$0x3FB4] =	sst s8  }
0x11: {  	[smem:$0x3FB5] =	sst s9;
	s0 =	simm.s32 @!p0 $0x0  }
0x12: {  	s1 =	sld [smem:$0x3F9B];
	s0 =	simm.s32 @p0 $0x1  }
0x13: {  	[smem:$0x3FB6] =	sst s0;
	s0 =	simm.s32 @!p1 $0x0  }
0x14: {  	s2 =	sld [smem:$0x3F9A];
	s0 =	simm.s32 @p1 $0x1  }
0x15: {  	[smem:$0x3FB7] =	sst s0;
	s0 =	simm.s32 @!p2 $0x0  }
0x16: {  	s3 =	sld [smem:$0x3FDB];
	s0 =	simm.s32 @p2 $0x1  }
0x17: {  	s4 =	simm.s32 $0x1BF5;
	[smem:$0x3FB9] =	sst s0  }
0x18: {  	s0 =	sld [smem:$0x3F9C];
	_ =	swait.ge [sflag:s4], $0x0  }
0x19: {  	s7 =	sld [smem:$0x3F9D]  }
0x1a: {  	s8 =	sadd.s32 $0xFFFFE003, lr  }
0x1b: {  	s9 =	sadd.s32 $0xFFFFFEF7, lr;
	s5 =	simm.s32 $0xFFFFFFFF;
	p2 =	slt.u32 s8, $0xFFFFF086  }
0x1c: {  	p1 =	slt.u32 s9, $0xF7A;
	s5 =	simm.s32 @!p2 $0x0  }
0x1d: {  	s5 =	simm.s32 @p1 $0x1;
	p0 =	seq.s32 s7, s2  }
0x1e: {  	s7 =	smul.u32 @!p0 $0xF7A, s2;
	p2 =	seq.s32 @!p0 s5, $0x0  }
0x1f: {  	s9 =	smul.u32 $0xF7A, s1;
	s8 =	simm.s32 @!p0 $0x1BF5;
	p2 =	por !p2, p0  }
0x20: {  	[sflag:s8] =	ssyncset.s32 @!p0 $0xFFFFF086;
	s6 =	sadd.s32 @!p0 s3, s7;
	s7 =	simm.s32 @!p0 $0x108  }
0x21: {  	s3 =	sadd.s32 s3, s9;
	s6 =	sadd.s32 @!p0 $0x88, s6;
	s7 =	simm.s32 @p2 $0x1082  }
0x22: {  	[simem:s7], [sflag:s8] =	dma.local @!p0 [hbm:s6], $0xF7A  }
0x23: {  	s9 =	sor.u32 $0xD0000000, s2;
	s6 =	simm.s32 $0x108;
	_ =	swait.ge @!p0 [sflag:s8], $0x0  }
0x24: {  	s3 =	sadd.s32 $0x88, s3;
	s6 =	simm.s32 @!p1 $0x1082;
	[sflag:s4] =	ssyncset.s32 $0xFFFFF086  }
0x25: {  	[simem:s6], [sflag:s4] =	dma.local [hbm:s3], $0xF7A  }
0x26: {  	[smem:$0x3F9D] =	sst s1;
	(tag) =	ssettag s2;
	_ =	strace s9  }
0x27: {  	s1 =	sld [smem:$0x3FAD]  }
0x28: {  	s2 =	sld [smem:$0x3FAE]  }
0x29: {  	s4 =	sld [smem:$0x3FB0]  }
0x2a: {  	p0 =	seq.s32 s5, $0x0;
	s5 =	sld [smem:$0x3FB1]  }
0x2b: {  	s6 =	sld [smem:$0x3FB2]  }
0x2c: {  	s7 =	sld [smem:$0x3FB3]  }
0x2d: {  	s3 =	simm.s32 $0x108;
	s8 =	sld [smem:$0x3FB4]  }
0x2e: {  	s3 =	simm.s32 @!p0 $0x1082;
	s9 =	sld [smem:$0x3FB5]  }
0x2f: {  	lr =	sadd.s32 s0, s3;
	s0 =	sld [smem:$0x3FAC]  }
0x30: {  	s3 =	sld [smem:$0x3FAF]  }
0x31: {  	[smem:$0x3FB8] =	sst s10  }
0x32: {  	s10 =	sld [smem:$0x3FB6];
	_ =	sdelay $0x3  }
0x33: {  	p0 =	seq.s32 s10, $0x1;
	s10 =	sld [smem:$0x3FB8];
	_ =	sdelay $0x3  }
0x34: {  	[smem:$0x3FB8] =	sst s10  }
0x35: {  	s10 =	sld [smem:$0x3FB7];
	_ =	sdelay $0x3  }
0x36: {  	p1 =	seq.s32 s10, $0x1;
	s10 =	sld [smem:$0x3FB8];
	_ =	sdelay $0x3  }
0x37: {  	[smem:$0x3FB8] =	sst s10  }
0x38: {  	s10 =	sld [smem:$0x3FB9]  }
0x39: {  	_ = 	snop;
	(pc) =	sbr.ind lr, $3  }
0x3a: {  	_ = 	snop  }
0x3b: {  	_ = 	snop  }
0x3c: {  	p2 =	seq.s32 s10, $0x1;
	s10 =	sld [smem:$0x3FB8]  }
0x3d: {  	_ =	shalt  }
0x3e: {  	_ =	shalt  }
0x3f: {  	_ =	shalt  }
0x40: {  	_ =	shalt  }
0x41: {  	_ =	shalt  }
0x42: {  	_ =	shalt  }
0x43: {  	_ =	shalt  }
0x44: {  	_ =	shalt  }
0x45: {  	_ =	shalt  }
0x46: {  	_ =	shalt  }
0x47: {  	_ =	shalt  }
0x48: {  	_ =	shalt  }
0x49: {  	_ =	shalt  }
0x4a: {  	_ =	shalt  }
0x4b: {  	_ =	shalt  }
0x4c: {  	_ =	shalt  }
0x4d: {  	_ =	shalt  }
0x4e: {  	_ =	shalt  }
0x4f: {  	_ =	shalt  }
0x50: {  	_ =	shalt  }
0x51: {  	_ =	shalt  }
0x52: {  	_ =	shalt  }
0x53: {  	_ =	shalt  }
0x54: {  	_ =	shalt  }
0x55: {  	_ =	shalt  }
0x56: {  	_ =	shalt  }
0x57: {  	_ =	shalt  }
0x58: {  	_ =	shalt  }
0x59: {  	_ =	shalt  }
0x5a: {  	_ =	shalt  }
0x5b: {  	_ =	shalt  }
0x5c: {  	_ =	shalt  }
0x5d: {  	_ =	shalt  }
0x5e: {  	_ =	shalt  }
0x5f: {  	_ =	shalt  }
0x60: {  	_ =	shalt  }
0x61: {  	_ =	shalt  }
0x62: {  	_ =	shalt  }
0x63: {  	_ =	shalt  }
0x64: {  	_ =	shalt  }
0x65: {  	_ =	shalt  }
0x66: {  	_ =	shalt  }
0x67: {  	_ =	shalt  }
0x68: {  	_ =	shalt  }
0x69: {  	_ =	shalt  }
0x6a: {  	_ =	shalt  }
0x6b: {  	_ =	shalt  }
0x6c: {  	_ =	shalt  }
0x6d: {  	_ =	shalt  }
0x6e: {  	_ =	shalt  }
0x6f: {  	_ =	shalt  }
0x70: {  	_ =	shalt  }
0x71: {  	_ =	shalt  }
0x72: {  	_ =	shalt  }
0x73: {  	_ =	shalt  }
0x74: {  	_ =	shalt  }
0x75: {  	_ =	shalt  }
0x76: {  	_ =	shalt  }
0x77: {  	_ =	shalt  }
0x78: {  	_ =	shalt  }
0x79: {  	_ =	shalt  }
0x7a: {  	_ =	shalt  }
0x7b: {  	_ =	shalt  }
0x7c: {  	_ =	shalt  }
0x7d: {  	_ =	shalt  }
0x7e: {  	_ =	shalt  }
0x7f: {  	_ =	shalt  }
0x80: {  	_ =	shalt  }
0x81: {  	_ =	shalt  }
0x82: {  	_ =	shalt  }
0x83: {  	_ =	shalt  }
0x84: {  	_ =	shalt  }
0x85: {  	_ =	shalt  }
0x86: {  	_ =	shalt  }
0x87: {  	_ =	shalt  }
.Lfunc_end0:
.L_simem_size_0:
called_computation_lowered:
.L_overlay_start_0:
0x88: {  	s2 =	sld [smem:$0x3FD9]  }
0x89: {  	s3 =	sld [smem:$0x3FFE];
	_ =	sdelay $0x1  }
0x8a: {  	s1 =	srdreg.scid  }
0x8b: {  	s0 =	sand.u32 $0x1, s1  }
0x8c: {  	s17 =	sshll.u32 s0, $0xA;
	s2 =	sadd.s32 s3, s2  }
0x8d: {  	s2 =	sadd.s32 s2, s17  }
0x8e: {  	[smem:$0x3FC4] =	sst s2  }
0x8f: {  	_ = 	snop  }
0x90: {  	s2 =	sld [smem:$0x3FD0];
	(tm) =	ssettm $0x1  }
0x91: {  	s18 =	sld [smem:$0x3FFB];
	_ =	sdelay $0x3  }
0x92: {  	_ =	strace s18  }
0x93: {  	s3 =	sld [smem:$0x3FFC];
	_ =	sdelay $0x3  }
0x94: {  	_ =	strace s3  }
0x95: {  	s3 =	sld [smem:$0x3FFD];
	_ =	sdelay $0x3  }
0x96: {  	_ =	strace s3  }
0x97: {  	_ =	strace $0x8FFFFFFF  }
0x98: {  	s19 =	sld [smem:$0x3FDB];
	_ =	sdelay $0x1  }
0x99: {  	s4 =	simm.s32 $_scs_section_size  }
0x9a: {  	s5 =	simm.s32 $_size__tile_overlayer_lowered;
	s6 =	simm.s32 $_tile_overlayer_lowered  }
0x9b: {  	s22 =	simm.s32 $0x1BFF;
	s21 =	sshll.u32 s6, $0x1;
	s3 =	sadd.s32 s4, s19  }
0x9c: {  	s7 =	simm.s32 $0x0;
	s20 =	sshll.u32 s5, $0x1;
	s5 =	sadd.s32 s21, s3  }
0x9d: {  	[timem:s7], [sflag:s22] =	dma.local [hbm:s5], s20  }
0x9e: {  	_ =	swait.ge [sflag:s22], s20  }
0x9f: {  	s4 =	ssub.s32 $0x0, s20;
	[sflag:s22] =	ssyncset.done $0x0  }
0xa0: {  	[sflag:s22] =	ssyncadd.s32 s4;
	_ =	sdelay $0x1  }
0xa1: {  	s23 =	simm.s32 $0x1B8B  }
0xa2: {  	_ =	swait.ge [sflag:s23], $0x1  }
0xa3: {  	[sflag:s23] =	ssyncset.done $0x0  }
0xa4: {  	s25 =	simm.s32 $0x1B8E;
	s24 =	sld [smem:$0x3FFE];
	[sflag:s23] =	ssyncadd.s32 $0xFFFFFFFF  }
0xa5: {  	s26 =	simm.s32 $execute0_lowered;
	[smem:$0x3FD2] =	sst s25  }
0xa6: {  	s5 =	sshll.u32 s26, $0x1;
	_ =	strace $0x80000046;
	[dreg:$0x1] =	wrdreg $0xFFFFFFFF  }
0xa7: {  	s28 =	simm.s32 $_size_execute0_lowered;
	s3 =	sadd.s32 s3, s5;
	[dreg:$0x0] =	wrdreg $0x0  }
0xa8: {  	s5 =	sshll.u32 s28, $0x1;
	[dreg:$0x2] =	wrdreg s3  }
0xa9: {  	[dreg:$0x3] =	wrdreg s5  }
0xaa: {  	[dreg:$0x4] =	wrdreg $0xC0  }
0xab: {  	_ =	task [dreg:s7], $0x5FFFF  }
0xac: {  	[dreg:$0x1] =	wrdreg $0xFFFFFFFF  }
0xad: {  	[dreg:$0x0] =	wrdreg $0x60  }
0xae: {  	[dreg:$0x2] =	wrdreg s24  }
0xaf: {  	[dreg:$0x3] =	wrdreg s2  }
0xb0: {  	[dreg:$0x4] =	wrdreg $0x9  }
0xb1: {  	_ =	task.clear_ibuf [dreg:s7], $0x5FFFF;
	_ =	strace $0x90000046  }
0xb2: {  	s29 =	simm.s32 $0x9;
	_ =	strace $0x80000048  }
0xb3: {  	_ =	swait.ge [sflag:s29], $0x1  }
0xb4: {  	[sflag:s29] =	ssyncadd.s32 $0xFFFFFFFF  }
0xb5: {  	_ =	strace $0x90000048  }
0xb6: {  	_ =	sfence  }
0xb7: {  	s30 =	sld [smem:$0x0];
	_ =	sdelay $0x2  }
0xb8: {  	s31 =	sshll.u32 s1, $0xD;
	s1 =	sshrl.u32 s1, $0x2  }
0xb9: {  	s3 =	sand.u32 $0x4000, s31;
	s1 =	sadd.s32 s1, s30  }
0xba: {  	s0 =	sor.u32 s3, s0;
	s1 =	sshll.u32 s1, $0x11  }
0xbb: {  	s0 =	sor.u32 s1, s0  }
0xbc: {  	s0 =	sadd.s32 $0x8F2B, s0  }
0xbd: {  	[sflag:s0] =	ssyncadd.remote.s32 $0x1  }
0xbe: {  	_ =	sfence.sel $0xFFFF  }
0xbf: {  	[dreg:$0x0] =	wrdreg $0xFFFFFFFF;
	(pc) =	sbr.abs _section_cstart, $3  }
0xc0: {  	[dreg:$0x1] =	wrdreg $0xFFFFFFFF  }
0xc1: {  	_ =	task.clear_ibuf [dreg:s7], $0x2FFFF;
	_ =	strace $0x9FFFFFFF  }
0xc2: {  	(tm) =	ssettm $0x7FFFFFFF  }
0xc3: {  	_ =	shalt  }
tec
execute0_lowered:
.L_overlay_start_1:
0x0: {  	(tag) =	ssettag $0x1  }
0x1: {  	s0 =	rddreg [dreg:$0x0];
	s2 =	simm.s32 $0x0;
	s1 =	srdreg.scid  }
0x2: {  	s5 =	stileid.u32;
	s8 =	simm.s32 $0x9;
	s9 =	simm.s32 $0x68  }
0x3: {  	s11 =	simm.s32 $0x60;
	s7 =	simm.s32 $0x1;
	s10 =	simm.s32 $0x2  }
0x4: {  	s12 =	simm.s32 $0x19000;
	s13 =	simm.s32 $0x1AA00;
	s14 =	simm.s32 $0x3  }
0x5: {  	s15 =	simm.s32 $0x4;
	s16 =	simm.s32 $0x5;
	s17 =	simm.s32 $0x6  }
0x6: {  	s18 =	simm.s32 $0x7;
	s19 =	simm.s32 $0x8;
	s20 =	simm.s32 $0x1C200  }
0x7: {  	s22 =	simm.s32 $0x0;
	[smem:$0x7FF] =	sst s2;
	s1 =	sand.u32 $0x1, s1  }
0x8: {  	s4 =	sadd.s32 $0xA00, s0;
	s30 =	sshll.u32 s5, $0xA;
	s29 =	ssub.s32 $0x2, s1  }
0x9: {  	s5 =	sadd.s32 $0xF42E00, s0;
	s0 =	simm.s32 $0x450;
	s3 =	sshrl.u32 s29, $0x1  }
0xa: {  	_ =	strace $0x80000047;
	s1 =	sshll.u32 s1, $0x9;
	s2 =	ssub.s32 s29, s3  }
0xb: {  	s6 =	sor.u32 s1, s30;
	s1 =	simm.s32 $0x15E00;
	s31 =	smax.u32 s2, $0x1  }
0xc: {  	s3 =	simm.s32 $0x14600;
	s2 =	simm.s32 $0x17800;
	[dreg:$0x3] =	wrdreg s31  }
.LBB2_1:
0xd: {  	[dreg:$0x4] =	wrdreg s22;
	s21 =	simm.s32 $0x0  }
.LBB2_2:
0xe: {  	s22 =	sshll.u32 s21, $0x6  }
0xf: {  	s22 =	sadd.s32 s6, s22  }
0x10: {  	s23 =	smul.u32 $0x19, s22;
	_ =	sdelay $0x1  }
0x11: {  	s24 =	sadd.s32 s4, s23;
	s23 =	simm.s32 $0x0  }
0x12: {  	[tilespmem:s23], [sflag:$0x9] =	stream.linear.gather [hbm4b:s24+s23], $0x3200, $0x38;
	[tilespmem:$0x1D200] =	vst v63  }
0x13: {  	_ =	swait.ge [sflag:s8], $0x3200  }
0x14: {  	[sflag:s8] =	ssyncset.done $0x0  }
0x15: {  	s31 =	simm.s32 $0x3200;
	[sflag:s8] =	ssyncadd.s32 $0xFFFFCE00  }
0x16: {  	[tilespmem:s31], [sflag:$0x1] =	stream.indirect.gather [hbm4b:s5+s9], $0x40, s23, s9, $0xb8;
	[tilespmem:$0x1D200] =	vst v63  }
0x17: {  	s25 =	simm.s32 $0x4C00  }
0x18: {  	[tilespmem:s25], [sflag:$0x1] =	stream.indirect.gather [hbm4b:s5+s11], $0x40, s9, s11, $0xb8;
	[tilespmem:$0x1D200] =	vst v63  }
0x19: {  	s26 =	simm.s32 $0xC8;
	s25 =	simm.s32 $0x6400  }
0x1a: {  	[tilespmem:s25], [sflag:$0x2] =	stream.indirect.gather [hbm4b:s5+s9], $0x40, s26, s9, $0xb8;
	[tilespmem:$0x1D200] =	vst v63  }
0x1b: {  	s28 =	simm.s32 $0x130;
	s29 =	simm.s32 $0x7E00  }
0x1c: {  	[tilespmem:s29], [sflag:$0x2] =	stream.indirect.gather [hbm4b:s5+s11], $0x40, s28, s11, $0xb8;
	[tilespmem:$0x1D200] =	vst v63  }
0x1d: {  	s30 =	simm.s32 $0x190;
	s31 =	simm.s32 $0x9600  }
0x1e: {  	[tilespmem:s31], [sflag:$0x3] =	stream.indirect.gather [hbm4b:s5+s9], $0x40, s30, s9, $0xb8;
	[tilespmem:$0x1D200] =	vst v63  }
0x1f: {  	s25 =	simm.s32 $0x1F8;
	s26 =	simm.s32 $0xB000  }
0x20: {  	[tilespmem:s26], [sflag:$0x3] =	stream.indirect.gather [hbm4b:s5+s11], $0x40, s25, s11, $0xb8;
	[tilespmem:$0x1D200] =	vst v63  }
0x21: {  	s28 =	simm.s32 $0x258;
	s29 =	simm.s32 $0xC800  }
0x22: {  	[tilespmem:s29], [sflag:$0x4] =	stream.indirect.gather [hbm4b:s5+s9], $0x40, s28, s9, $0xb8;
	[tilespmem:$0x1D200] =	vst v63  }
0x23: {  	s30 =	simm.s32 $0x2C0;
	s31 =	simm.s32 $0xE200  }
0x24: {  	[tilespmem:s31], [sflag:$0x4] =	stream.indirect.gather [hbm4b:s5+s11], $0x40, s30, s11, $0xb8;
	[tilespmem:$0x1D200] =	vst v63  }
0x25: {  	s25 =	simm.s32 $0x320;
	s26 =	simm.s32 $0xFA00  }
0x26: {  	[tilespmem:s26], [sflag:$0x5] =	stream.indirect.gather [hbm4b:s5+s9], $0x40, s25, s9, $0xb8;
	[tilespmem:$0x1D200] =	vst v63  }
0x27: {  	s28 =	simm.s32 $0x388;
	s29 =	simm.s32 $0x11400  }
0x28: {  	[tilespmem:s29], [sflag:$0x5] =	stream.indirect.gather [hbm4b:s5+s11], $0x40, s28, s11, $0xb8;
	[tilespmem:$0x1D200] =	vst v63  }
0x29: {  	s30 =	simm.s32 $0x3E8;
	s31 =	simm.s32 $0x12C00  }
0x2a: {  	[tilespmem:s31], [sflag:$0x6] =	stream.indirect.gather [hbm4b:s5+s9], $0x40, s30, s9, $0xb8;
	[tilespmem:$0x1D200] =	vst v63  }
0x2b: {  	_ = 	snop  }
0x2c: {  	[tilespmem:s3], [sflag:$0x6] =	stream.indirect.gather [hbm4b:s5+s11], $0x40, s0, s11, $0xb8;
	[tilespmem:$0x1D200] =	vst v63  }
.LBB2_3:
0x2d: {  	s24 =	sshll.u32 s23, $0x3  }
0x2e: {  	s25 =	sor.u32 $0x6, s24  }
0x2f: {  	_ =	swait.ge [sflag:s7], $0x3200;
	s26 =	smul.u32 $0x320, s25  }
0x30: {  	[sflag:s7] =	ssyncset.done $0x0  }
0x31: {  	[sflag:s7] =	ssyncadd.s32 $0xFFFFCE00;
	s26 =	sshra.s32 s26, $0x2  }
0x32: {  	[tilespmem:s1], [sflag:$0x7] =	stream.indirect.gather [hbm4b:s5+s9], $0x40, s26, s9, $0xb8;
	[tilespmem:$0x1D200] =	vst v63  }
0x33: {  	s26 =	sadd.s32 $0x68, s26  }
0x34: {  	[tilespmem:s2], [sflag:$0x7] =	stream.indirect.gather [hbm4b:s5+s11], $0x40, s26, s11, $0xb8;
	[tilespmem:$0x1D200] =	vst v63  }
0x35: {  	s26 =	simm.s32 $0x0  }
0x36: {  	v3 =	vld [tilespmem:s26+$0x3380]  }
0x37: {  	v4 =	vld [tilespmem:s26+$0x3390]  }
0x38: {  	v5 =	vld [tilespmem:s26+$0x33A0]  }
0x39: {  	v6 =	vld [tilespmem:s26+$0x33B0]  }
0x3a: {  	v0 =	vld [tilespmem:s26+$0x33C0]  }
0x3b: {  	v1 =	vld [tilespmem:s26+$0x33D0]  }
0x3c: {  	v13 =	vld [tilespmem:s26+$0x3300]  }
0x3d: {  	v15 =	vld [tilespmem:s26+$0x3310]  }
0x3e: {  	v12 =	vld [tilespmem:s26+$0x3320]  }
0x3f: {  	v14 =	vld [tilespmem:s26+$0x3330]  }
0x40: {  	v2 =	vld [tilespmem:s26+$0x3340]  }
0x41: {  	v9 =	vld [tilespmem:s26+$0x3280]  }
0x42: {  	v10 =	vld [tilespmem:s26+$0x3290]  }
0x43: {  	v11 =	vld [tilespmem:s26+$0x3200]  }
0x44: {  	v17 =	vld [tilespmem:s26+$0x3210]  }
0x45: {  	v18 =	vld [tilespmem:s26+$0x3220]  }
0x46: {  	v19 =	vld [tilespmem:s26+$0x3230]  }
0x47: {  	v20 =	vld [tilespmem:s26+$0x32A0]  }
0x48: {  	v24 =	vld [tilespmem:s26+$0x32B0]  }
0x49: {  	v8 =	vimm.f32 $0.0e+00;
	v7 =	vld [tilespmem:s26+$0x3350]  }
0x4a: {  	v16 =	vld [tilespmem:s26+$0x32C0];
	v11 =	vadd.f32 v11, v8;
	v22 =	vadd.f32 v17, v8  }
0x4b: {  	v17 =	vld [tilespmem:s26+$0x32D0];
	v23 =	vadd.f32 v18, v8;
	v25 =	vadd.f32 v19, v8  }
0x4c: {  	v18 =	vld [tilespmem:s26+$0x3240];
	v21 =	vadd.f32 v9, v11;
	v22 =	vadd.f32 v10, v22  }
0x4d: {  	v19 =	vld [tilespmem:s26+$0x3250];
	v23 =	vadd.f32 v20, v23;
	v24 =	vadd.f32 v24, v25  }
0x4e: {  	s28 =	simm.s32 $0x800;
	v20 =	vld [tilespmem:s26+$0x3260];
	v11 =	vimm.f32 $0.0e+00;
	v10 =	vimm.f32 $0.0e+00;
	v9 =	vimm.f32 $0.0e+00  }
.LBB2_4:
0x4f: {  	p0 =	sne.s32 s28, $0xC000;
	v25 =	vld [tilespmem:s26+$0x3270];
	v13 =	vadd.f32 v13, v21;
	v15 =	vadd.f32 v15, v22  }
0x50: {  	v21 =	vld [tilespmem:s26+$0x32E0];
	v12 =	vadd.f32 v12, v23;
	v14 =	vadd.f32 v14, v24  }
0x51: {  	v22 =	vld [tilespmem:s26+$0x32F0];
	v23 =	vadd.f32 v3, v13;
	v24 =	vadd.f32 v4, v15  }
0x52: {  	v13 =	vld [tilespmem:s26+$0x3360];
	v26 =	vadd.f32 v5, v12;
	v27 =	vadd.f32 v6, v14  }
0x53: {  	v3 =	vadd.f32 v18, v8;
	v4 =	vadd.f32 v19, v11;
	v6 =	vld [tilespmem:s26+$0x3370]  }
0x54: {  	v5 =	vadd.f32 v20, v10;
	v8 =	vadd.f32 v25, v9;
	v9 =	vld [tilespmem:s26+$0x33E0]  }
0x55: {  	v10 =	vadd.f32 v16, v3;
	v11 =	vadd.f32 v17, v4;
	v12 =	vld [tilespmem:s26+$0x33F0];
	s26 =	sshra.s32 s28, $0x2  }
0x56: {  	v14 =	vadd.f32 v21, v5;
	v3 =	vld [tilespmem:s26+$0x3380];
	v8 =	vadd.f32 v22, v8  }
0x57: {  	v2 =	vadd.f32 v2, v10;
	v7 =	vadd.f32 v7, v11;
	v4 =	vld [tilespmem:s26+$0x3390]  }
0x58: {  	v10 =	vadd.f32 v13, v14;
	v5 =	vld [tilespmem:s26+$0x33A0];
	v13 =	vadd.f32 v6, v8  }
0x59: {  	v8 =	vadd.f32 v0, v2;
	v11 =	vadd.f32 v1, v7;
	v6 =	vld [tilespmem:s26+$0x33B0]  }
0x5a: {  	v10 =	vadd.f32 v9, v10;
	v0 =	vld [tilespmem:s26+$0x33C0];
	v9 =	vadd.f32 v12, v13  }
0x5b: {  	v1 =	vld [tilespmem:s26+$0x33D0]  }
0x5c: {  	v13 =	vld [tilespmem:s26+$0x3300]  }
0x5d: {  	v15 =	vld [tilespmem:s26+$0x3310]  }
0x5e: {  	v12 =	vld [tilespmem:s26+$0x3320]  }
0x5f: {  	v14 =	vld [tilespmem:s26+$0x3330]  }
0x60: {  	v2 =	vld [tilespmem:s26+$0x3340]  }
0x61: {  	v7 =	vld [tilespmem:s26+$0x3350]  }
0x62: {  	v20 =	vld [tilespmem:s26+$0x3280]  }
0x63: {  	v22 =	vld [tilespmem:s26+$0x3290]  }
0x64: {  	v17 =	vld [tilespmem:s26+$0x3200]  }
0x65: {  	v18 =	vld [tilespmem:s26+$0x3210]  }
0x66: {  	v19 =	vld [tilespmem:s26+$0x3220]  }
0x67: {  	v21 =	vld [tilespmem:s26+$0x3230]  }
0x68: {  	v25 =	vld [tilespmem:s26+$0x32A0]  }
0x69: {  	v28 =	vld [tilespmem:s26+$0x32B0]  }
.Ltmp0:
0x6a: {  	v16 =	vld [tilespmem:s26+$0x32C0];
	(pc) =	sbr.rel @p0 .LBB2_4-.Ltmp0, $4  }
0x6b: {  	v23 =	vadd.f32 v17, v23;
	v24 =	vadd.f32 v18, v24;
	v17 =	vld [tilespmem:s26+$0x32D0]  }
0x6c: {  	v26 =	vadd.f32 v19, v26;
	v27 =	vadd.f32 v21, v27;
	v18 =	vld [tilespmem:s26+$0x3240]  }
0x6d: {  	v21 =	vadd.f32 v20, v23;
	v22 =	vadd.f32 v22, v24;
	v19 =	vld [tilespmem:s26+$0x3250]  }
0x6e: {  	s28 =	sadd.s32 $0x800, s28;
	v23 =	vadd.f32 v25, v26;
	v20 =	vld [tilespmem:s26+$0x3260];
	v24 =	vadd.f32 v28, v27  }
0x6f: {  	v13 =	vadd.f32 v13, v21;
	v15 =	vadd.f32 v15, v22  }
0x70: {  	v21 =	vld [tilespmem:s26+$0x3270];
	v12 =	vadd.f32 v12, v23;
	v14 =	vadd.f32 v14, v24  }
0x71: {  	v22 =	vld [tilespmem:s26+$0x32E0];
	v3 =	vadd.f32 v3, v13;
	v4 =	vadd.f32 v4, v15  }
0x72: {  	v13 =	vld [tilespmem:s26+$0x32F0];
	v8 =	vadd.f32 v18, v8;
	v5 =	vadd.f32 v5, v12  }
0x73: {  	v12 =	vld [tilespmem:s26+$0x3360];
	v6 =	vadd.f32 v6, v14;
	v11 =	vadd.f32 v19, v11  }
0x74: {  	v14 =	vld [tilespmem:s26+$0x3370];
	v10 =	vadd.f32 v20, v10;
	v8 =	vadd.f32 v16, v8  }
0x75: {  	v15 =	vld [tilespmem:s26+$0x33E0];
	v9 =	vadd.f32 v21, v9;
	v11 =	vadd.f32 v17, v11  }
0x76: {  	v16 =	vld [tilespmem:s26+$0x33F0];
	v10 =	vadd.f32 v22, v10;
	v2 =	vadd.f32 v2, v8  }
0x77: {  	v8 =	vadd.f32 v13, v9;
	v7 =	vadd.f32 v7, v11  }
0x78: {  	v9 =	vadd.f32 v12, v10;
	v0 =	vadd.f32 v0, v2  }
0x79: {  	v2 =	vadd.f32 v14, v8;
	v1 =	vadd.f32 v1, v7  }
0x7a: {  	s31 =	sshll.u32 s23, $0x9;
	v7 =	vadd.f32 v15, v9;
	v0 =	vadd.f32 v0, v3  }
0x7b: {  	s26 =	sand.u32 $0x3FFFFE00, s31;
	v2 =	vadd.f32 v16, v2;
	v1 =	vadd.f32 v1, v4  }
0x7c: {  	[tilespmem:s26+$0x1C200] =	vst v0;
	v0 =	vadd.f32 v7, v5  }
0x7d: {  	[tilespmem:s26+$0x1C210] =	vst v1;
	v1 =	vadd.f32 v2, v6  }
0x7e: {  	[tilespmem:s26+$0x1C220] =	vst v0  }
0x7f: {  	s24 =	sor.u32 $0x7, s24;
	[tilespmem:s26+$0x1C230] =	vst v1  }
0x80: {  	s28 =	smul.u32 $0x320, s24;
	_ =	swait.ge [sflag:s10], $0x3200  }
0x81: {  	[sflag:s10] =	ssyncset.done $0x0  }
0x82: {  	s28 =	sshra.s32 s28, $0x2;
	[sflag:s10] =	ssyncadd.s32 $0xFFFFCE00  }
0x83: {  	[tilespmem:s12], [sflag:$0x8] =	stream.indirect.gather [hbm4b:s5+s9], $0x40, s28, s9, $0xb8;
	[tilespmem:$0x1D200] =	vst v63  }
0x84: {  	s28 =	sadd.s32 $0x68, s28  }
0x85: {  	[tilespmem:s13], [sflag:$0x8] =	stream.indirect.gather [hbm4b:s5+s11], $0x40, s28, s11, $0xb8;
	[tilespmem:$0x1D200] =	vst v63  }
0x86: {  	s28 =	simm.s32 $0x0  }
0x87: {  	v3 =	vld [tilespmem:s28+$0x6580]  }
0x88: {  	v4 =	vld [tilespmem:s28+$0x6590]  }
0x89: {  	v5 =	vld [tilespmem:s28+$0x65A0]  }
0x8a: {  	v6 =	vld [tilespmem:s28+$0x65B0]  }
0x8b: {  	v0 =	vld [tilespmem:s28+$0x65C0]  }
0x8c: {  	v1 =	vld [tilespmem:s28+$0x65D0]  }
0x8d: {  	v13 =	vld [tilespmem:s28+$0x6500]  }
0x8e: {  	v15 =	vld [tilespmem:s28+$0x6510]  }
0x8f: {  	v12 =	vld [tilespmem:s28+$0x6520]  }
0x90: {  	v14 =	vld [tilespmem:s28+$0x6530]  }
0x91: {  	v2 =	vld [tilespmem:s28+$0x6540]  }
0x92: {  	v9 =	vld [tilespmem:s28+$0x6480]  }
0x93: {  	v10 =	vld [tilespmem:s28+$0x6490]  }
0x94: {  	v11 =	vld [tilespmem:s28+$0x6400]  }
0x95: {  	v17 =	vld [tilespmem:s28+$0x6410]  }
0x96: {  	v18 =	vld [tilespmem:s28+$0x6420]  }
0x97: {  	v19 =	vld [tilespmem:s28+$0x6430]  }
0x98: {  	v20 =	vld [tilespmem:s28+$0x64A0]  }
0x99: {  	v24 =	vld [tilespmem:s28+$0x64B0]  }
0x9a: {  	v8 =	vimm.f32 $0.0e+00;
	v7 =	vld [tilespmem:s28+$0x6550]  }
0x9b: {  	v16 =	vld [tilespmem:s28+$0x64C0];
	v11 =	vadd.f32 v11, v8;
	v22 =	vadd.f32 v17, v8  }
0x9c: {  	v17 =	vld [tilespmem:s28+$0x64D0];
	v23 =	vadd.f32 v18, v8;
	v25 =	vadd.f32 v19, v8  }
0x9d: {  	v18 =	vld [tilespmem:s28+$0x6440];
	v21 =	vadd.f32 v9, v11;
	v22 =	vadd.f32 v10, v22  }
0x9e: {  	v19 =	vld [tilespmem:s28+$0x6450];
	v23 =	vadd.f32 v20, v23;
	v24 =	vadd.f32 v24, v25  }
0x9f: {  	s29 =	simm.s32 $0x800;
	v20 =	vld [tilespmem:s28+$0x6460];
	v11 =	vimm.f32 $0.0e+00;
	v10 =	vimm.f32 $0.0e+00;
	v9 =	vimm.f32 $0.0e+00  }
.LBB2_6:
0xa0: {  	p0 =	sne.s32 s29, $0xC000;
	v25 =	vld [tilespmem:s28+$0x6470];
	v13 =	vadd.f32 v13, v21;
	v15 =	vadd.f32 v15, v22  }
0xa1: {  	v21 =	vld [tilespmem:s28+$0x64E0];
	v12 =	vadd.f32 v12, v23;
	v14 =	vadd.f32 v14, v24  }
0xa2: {  	v22 =	vld [tilespmem:s28+$0x64F0];
	v23 =	vadd.f32 v3, v13;
	v24 =	vadd.f32 v4, v15  }
0xa3: {  	v13 =	vld [tilespmem:s28+$0x6560];
	v26 =	vadd.f32 v5, v12;
	v27 =	vadd.f32 v6, v14  }
0xa4: {  	v3 =	vadd.f32 v18, v8;
	v4 =	vadd.f32 v19, v11;
	v6 =	vld [tilespmem:s28+$0x6570]  }
0xa5: {  	v5 =	vadd.f32 v20, v10;
	v8 =	vadd.f32 v25, v9;
	v9 =	vld [tilespmem:s28+$0x65E0]  }
0xa6: {  	v10 =	vadd.f32 v16, v3;
	v11 =	vadd.f32 v17, v4;
	v12 =	vld [tilespmem:s28+$0x65F0];
	s28 =	sshra.s32 s29, $0x2  }
0xa7: {  	v14 =	vadd.f32 v21, v5;
	v3 =	vld [tilespmem:s28+$0x6580];
	v8 =	vadd.f32 v22, v8  }
0xa8: {  	v2 =	vadd.f32 v2, v10;
	v7 =	vadd.f32 v7, v11;
	v4 =	vld [tilespmem:s28+$0x6590]  }
0xa9: {  	v10 =	vadd.f32 v13, v14;
	v5 =	vld [tilespmem:s28+$0x65A0];
	v13 =	vadd.f32 v6, v8  }
0xaa: {  	v8 =	vadd.f32 v0, v2;
	v11 =	vadd.f32 v1, v7;
	v6 =	vld [tilespmem:s28+$0x65B0]  }
0xab: {  	v10 =	vadd.f32 v9, v10;
	v0 =	vld [tilespmem:s28+$0x65C0];
	v9 =	vadd.f32 v12, v13  }
0xac: {  	v1 =	vld [tilespmem:s28+$0x65D0]  }
0xad: {  	v13 =	vld [tilespmem:s28+$0x6500]  }
0xae: {  	v15 =	vld [tilespmem:s28+$0x6510]  }
0xaf: {  	v12 =	vld [tilespmem:s28+$0x6520]  }
0xb0: {  	v14 =	vld [tilespmem:s28+$0x6530]  }
0xb1: {  	v2 =	vld [tilespmem:s28+$0x6540]  }
0xb2: {  	v7 =	vld [tilespmem:s28+$0x6550]  }
0xb3: {  	v20 =	vld [tilespmem:s28+$0x6480]  }
0xb4: {  	v22 =	vld [tilespmem:s28+$0x6490]  }
0xb5: {  	v17 =	vld [tilespmem:s28+$0x6400]  }
0xb6: {  	v18 =	vld [tilespmem:s28+$0x6410]  }
0xb7: {  	v19 =	vld [tilespmem:s28+$0x6420]  }
0xb8: {  	v21 =	vld [tilespmem:s28+$0x6430]  }
0xb9: {  	v25 =	vld [tilespmem:s28+$0x64A0]  }
0xba: {  	v28 =	vld [tilespmem:s28+$0x64B0]  }
.Ltmp1:
0xbb: {  	v16 =	vld [tilespmem:s28+$0x64C0];
	(pc) =	sbr.rel @p0 .LBB2_6-.Ltmp1, $4  }
0xbc: {  	v23 =	vadd.f32 v17, v23;
	v24 =	vadd.f32 v18, v24;
	v17 =	vld [tilespmem:s28+$0x64D0]  }
0xbd: {  	v26 =	vadd.f32 v19, v26;
	v27 =	vadd.f32 v21, v27;
	v18 =	vld [tilespmem:s28+$0x6440]  }
0xbe: {  	v21 =	vadd.f32 v20, v23;
	v22 =	vadd.f32 v22, v24;
	v19 =	vld [tilespmem:s28+$0x6450]  }
0xbf: {  	s29 =	sadd.s32 $0x800, s29;
	v23 =	vadd.f32 v25, v26;
	v20 =	vld [tilespmem:s28+$0x6460];
	v24 =	vadd.f32 v28, v27  }
0xc0: {  	v13 =	vadd.f32 v13, v21;
	v15 =	vadd.f32 v15, v22  }
0xc1: {  	v21 =	vld [tilespmem:s28+$0x6470];
	v12 =	vadd.f32 v12, v23;
	v14 =	vadd.f32 v14, v24  }
0xc2: {  	v22 =	vld [tilespmem:s28+$0x64E0];
	v3 =	vadd.f32 v3, v13;
	v4 =	vadd.f32 v4, v15  }
0xc3: {  	v13 =	vld [tilespmem:s28+$0x64F0];
	v8 =	vadd.f32 v18, v8;
	v5 =	vadd.f32 v5, v12  }
0xc4: {  	v12 =	vld [tilespmem:s28+$0x6560];
	v6 =	vadd.f32 v6, v14;
	v11 =	vadd.f32 v19, v11  }
0xc5: {  	v14 =	vld [tilespmem:s28+$0x6570];
	v10 =	vadd.f32 v20, v10;
	v8 =	vadd.f32 v16, v8  }
0xc6: {  	v15 =	vld [tilespmem:s28+$0x65E0];
	v9 =	vadd.f32 v21, v9;
	v11 =	vadd.f32 v17, v11  }
0xc7: {  	v16 =	vld [tilespmem:s28+$0x65F0];
	v10 =	vadd.f32 v22, v10;
	v2 =	vadd.f32 v2, v8  }
0xc8: {  	v8 =	vadd.f32 v13, v9;
	v7 =	vadd.f32 v7, v11  }
0xc9: {  	v9 =	vadd.f32 v12, v10;
	v0 =	vadd.f32 v0, v2  }
0xca: {  	v2 =	vadd.f32 v14, v8;
	v1 =	vadd.f32 v1, v7  }
0xcb: {  	v7 =	vadd.f32 v15, v9;
	v0 =	vadd.f32 v0, v3  }
0xcc: {  	v2 =	vadd.f32 v16, v2;
	v1 =	vadd.f32 v1, v4  }
0xcd: {  	[tilespmem:s26+$0x1C240] =	vst v0;
	v0 =	vadd.f32 v7, v5  }
0xce: {  	[tilespmem:s26+$0x1C250] =	vst v1;
	v1 =	vadd.f32 v2, v6  }
0xcf: {  	p0 =	seq.s32 s23, $0x7;
	[tilespmem:s26+$0x1C260] =	vst v0  }
0xd0: {  	s28 =	smul.u32 @!p0 $0x1900, s23;
	[tilespmem:s26+$0x1C270] =	vst v1  }
0xd1: {  	_ =	swait.ge [sflag:s14], $0x3200  }
0xd2: {  	s30 =	simm.s32 @!p0 $0x68;
	s28 =	sshra.s32 @!p0 s28, $0x2;
	[sflag:s14] =	ssyncset.done $0x0  }
0xd3: {  	s31 =	simm.s32 @!p0 $0x3200;
	s29 =	sadd.s32 @!p0 $0x640, s28;
	[sflag:s14] =	ssyncadd.s32 $0xFFFFCE00  }
0xd4: {  	[tilespmem:s31], [sflag:$0x1] =	stream.indirect.gather @!p0 [hbm4b:s5+s30], $0x40, s29, s30, $0xb8;
	[tilespmem:$0x1D200] =	vst v63  }
0xd5: {  	s29 =	sadd.s32 @!p0 $0x6A8, s28;
	s30 =	simm.s32 @!p0 $0x60;
	s31 =	simm.s32 @!p0 $0x4C00  }
0xd6: {  	[tilespmem:s31], [sflag:$0x1] =	stream.indirect.gather @!p0 [hbm4b:s5+s30], $0x40, s29, s30, $0xb8;
	[tilespmem:$0x1D200] =	vst v63  }
0xd7: {  	s29 =	simm.s32 $0x0  }
0xd8: {  	v3 =	vld [tilespmem:s29+$0x9780]  }
0xd9: {  	v4 =	vld [tilespmem:s29+$0x9790]  }
0xda: {  	v5 =	vld [tilespmem:s29+$0x97A0]  }
0xdb: {  	v6 =	vld [tilespmem:s29+$0x97B0]  }
0xdc: {  	v0 =	vld [tilespmem:s29+$0x97C0]  }
0xdd: {  	v1 =	vld [tilespmem:s29+$0x97D0]  }
0xde: {  	v13 =	vld [tilespmem:s29+$0x9700]  }
0xdf: {  	v15 =	vld [tilespmem:s29+$0x9710]  }
0xe0: {  	v12 =	vld [tilespmem:s29+$0x9720]  }
0xe1: {  	v14 =	vld [tilespmem:s29+$0x9730]  }
0xe2: {  	v2 =	vld [tilespmem:s29+$0x9740]  }
0xe3: {  	v9 =	vld [tilespmem:s29+$0x9680]  }
0xe4: {  	v10 =	vld [tilespmem:s29+$0x9690]  }
0xe5: {  	v11 =	vld [tilespmem:s29+$0x9600]  }
0xe6: {  	v17 =	vld [tilespmem:s29+$0x9610]  }
0xe7: {  	v18 =	vld [tilespmem:s29+$0x9620]  }
0xe8: {  	v19 =	vld [tilespmem:s29+$0x9630]  }
0xe9: {  	v20 =	vld [tilespmem:s29+$0x96A0]  }
0xea: {  	v24 =	vld [tilespmem:s29+$0x96B0]  }
0xeb: {  	v8 =	vimm.f32 $0.0e+00;
	v7 =	vld [tilespmem:s29+$0x9750]  }
0xec: {  	v16 =	vld [tilespmem:s29+$0x96C0];
	v11 =	vadd.f32 v11, v8;
	v22 =	vadd.f32 v17, v8  }
0xed: {  	v17 =	vld [tilespmem:s29+$0x96D0];
	v23 =	vadd.f32 v18, v8;
	v25 =	vadd.f32 v19, v8  }
0xee: {  	v18 =	vld [tilespmem:s29+$0x9640];
	v21 =	vadd.f32 v9, v11;
	v22 =	vadd.f32 v10, v22  }
0xef: {  	v19 =	vld [tilespmem:s29+$0x9650];
	v23 =	vadd.f32 v20, v23;
	v24 =	vadd.f32 v24, v25  }
0xf0: {  	s30 =	simm.s32 $0x800;
	v20 =	vld [tilespmem:s29+$0x9660];
	v11 =	vimm.f32 $0.0e+00;
	v10 =	vimm.f32 $0.0e+00;
	v9 =	vimm.f32 $0.0e+00  }
.LBB2_8:
0xf1: {  	p1 =	sne.s32 s30, $0xC000;
	v25 =	vld [tilespmem:s29+$0x9670];
	v13 =	vadd.f32 v13, v21;
	v15 =	vadd.f32 v15, v22  }
0xf2: {  	v21 =	vld [tilespmem:s29+$0x96E0];
	v12 =	vadd.f32 v12, v23;
	v14 =	vadd.f32 v14, v24  }
0xf3: {  	v22 =	vld [tilespmem:s29+$0x96F0];
	v23 =	vadd.f32 v3, v13;
	v24 =	vadd.f32 v4, v15  }
0xf4: {  	v13 =	vld [tilespmem:s29+$0x9760];
	v26 =	vadd.f32 v5, v12;
	v27 =	vadd.f32 v6, v14  }
0xf5: {  	v3 =	vadd.f32 v18, v8;
	v4 =	vadd.f32 v19, v11;
	v6 =	vld [tilespmem:s29+$0x9770]  }
0xf6: {  	v5 =	vadd.f32 v20, v10;
	v8 =	vadd.f32 v25, v9;
	v9 =	vld [tilespmem:s29+$0x97E0]  }
0xf7: {  	v10 =	vadd.f32 v16, v3;
	v11 =	vadd.f32 v17, v4;
	v12 =	vld [tilespmem:s29+$0x97F0];
	s29 =	sshra.s32 s30, $0x2  }
0xf8: {  	v14 =	vadd.f32 v21, v5;
	v3 =	vld [tilespmem:s29+$0x9780];
	v8 =	vadd.f32 v22, v8  }
0xf9: {  	v2 =	vadd.f32 v2, v10;
	v7 =	vadd.f32 v7, v11;
	v4 =	vld [tilespmem:s29+$0x9790]  }
0xfa: {  	v10 =	vadd.f32 v13, v14;
	v5 =	vld [tilespmem:s29+$0x97A0];
	v13 =	vadd.f32 v6, v8  }
0xfb: {  	v8 =	vadd.f32 v0, v2;
	v11 =	vadd.f32 v1, v7;
	v6 =	vld [tilespmem:s29+$0x97B0]  }
0xfc: {  	v10 =	vadd.f32 v9, v10;
	v0 =	vld [tilespmem:s29+$0x97C0];
	v9 =	vadd.f32 v12, v13  }
0xfd: {  	v1 =	vld [tilespmem:s29+$0x97D0]  }
0xfe: {  	v13 =	vld [tilespmem:s29+$0x9700]  }
0xff: {  	v15 =	vld [tilespmem:s29+$0x9710]  }
0x100: {  	v12 =	vld [tilespmem:s29+$0x9720]  }
0x101: {  	v14 =	vld [tilespmem:s29+$0x9730]  }
0x102: {  	v2 =	vld [tilespmem:s29+$0x9740]  }
0x103: {  	v7 =	vld [tilespmem:s29+$0x9750]  }
0x104: {  	v20 =	vld [tilespmem:s29+$0x9680]  }
0x105: {  	v22 =	vld [tilespmem:s29+$0x9690]  }
0x106: {  	v17 =	vld [tilespmem:s29+$0x9600]  }
0x107: {  	v18 =	vld [tilespmem:s29+$0x9610]  }
0x108: {  	v19 =	vld [tilespmem:s29+$0x9620]  }
0x109: {  	v21 =	vld [tilespmem:s29+$0x9630]  }
0x10a: {  	v25 =	vld [tilespmem:s29+$0x96A0]  }
0x10b: {  	v28 =	vld [tilespmem:s29+$0x96B0]  }
.Ltmp2:
0x10c: {  	v16 =	vld [tilespmem:s29+$0x96C0];
	(pc) =	sbr.rel @p1 .LBB2_8-.Ltmp2, $4  }
0x10d: {  	v23 =	vadd.f32 v17, v23;
	v24 =	vadd.f32 v18, v24;
	v17 =	vld [tilespmem:s29+$0x96D0]  }
0x10e: {  	v26 =	vadd.f32 v19, v26;
	v27 =	vadd.f32 v21, v27;
	v18 =	vld [tilespmem:s29+$0x9640]  }
0x10f: {  	v21 =	vadd.f32 v20, v23;
	v22 =	vadd.f32 v22, v24;
	v19 =	vld [tilespmem:s29+$0x9650]  }
0x110: {  	s30 =	sadd.s32 $0x800, s30;
	v23 =	vadd.f32 v25, v26;
	v20 =	vld [tilespmem:s29+$0x9660];
	v24 =	vadd.f32 v28, v27  }
0x111: {  	v13 =	vadd.f32 v13, v21;
	v15 =	vadd.f32 v15, v22  }
0x112: {  	v21 =	vld [tilespmem:s29+$0x9670];
	v12 =	vadd.f32 v12, v23;
	v14 =	vadd.f32 v14, v24  }
0x113: {  	v22 =	vld [tilespmem:s29+$0x96E0];
	v3 =	vadd.f32 v3, v13;
	v4 =	vadd.f32 v4, v15  }
0x114: {  	v13 =	vld [tilespmem:s29+$0x96F0];
	v8 =	vadd.f32 v18, v8;
	v5 =	vadd.f32 v5, v12  }
0x115: {  	v12 =	vld [tilespmem:s29+$0x9760];
	v6 =	vadd.f32 v6, v14;
	v11 =	vadd.f32 v19, v11  }
0x116: {  	v14 =	vld [tilespmem:s29+$0x9770];
	v10 =	vadd.f32 v20, v10;
	v8 =	vadd.f32 v16, v8  }
0x117: {  	v15 =	vld [tilespmem:s29+$0x97E0];
	v9 =	vadd.f32 v21, v9;
	v11 =	vadd.f32 v17, v11  }
0x118: {  	v16 =	vld [tilespmem:s29+$0x97F0];
	v10 =	vadd.f32 v22, v10;
	v2 =	vadd.f32 v2, v8  }
0x119: {  	v8 =	vadd.f32 v13, v9;
	v7 =	vadd.f32 v7, v11  }
0x11a: {  	v9 =	vadd.f32 v12, v10;
	v0 =	vadd.f32 v0, v2  }
0x11b: {  	v2 =	vadd.f32 v14, v8;
	v1 =	vadd.f32 v1, v7  }
0x11c: {  	v7 =	vadd.f32 v15, v9;
	v0 =	vadd.f32 v0, v3  }
0x11d: {  	v2 =	vadd.f32 v16, v2;
	v1 =	vadd.f32 v1, v4  }
0x11e: {  	[tilespmem:s26+$0x1C280] =	vst v0;
	v0 =	vadd.f32 v7, v5  }
0x11f: {  	[tilespmem:s26+$0x1C290] =	vst v1;
	v1 =	vadd.f32 v2, v6  }
0x120: {  	[tilespmem:s26+$0x1C2A0] =	vst v0  }
0x121: {  	[tilespmem:s26+$0x1C2B0] =	vst v1  }
0x122: {  	_ =	swait.ge [sflag:s15], $0x3200  }
0x123: {  	s30 =	simm.s32 @!p0 $0x68;
	[sflag:s15] =	ssyncset.done $0x0  }
0x124: {  	s31 =	simm.s32 @!p0 $0x6400;
	s29 =	sadd.s32 @!p0 $0x708, s28;
	[sflag:s15] =	ssyncadd.s32 $0xFFFFCE00  }
0x125: {  	[tilespmem:s31], [sflag:$0x2] =	stream.indirect.gather @!p0 [hbm4b:s5+s30], $0x40, s29, s30, $0xb8;
	[tilespmem:$0x1D200] =	vst v63  }
0x126: {  	s29 =	sadd.s32 @!p0 $0x770, s28;
	s30 =	simm.s32 @!p0 $0x60;
	s31 =	simm.s32 @!p0 $0x7E00  }
0x127: {  	[tilespmem:s31], [sflag:$0x2] =	stream.indirect.gather @!p0 [hbm4b:s5+s30], $0x40, s29, s30, $0xb8;
	[tilespmem:$0x1D200] =	vst v63  }
0x128: {  	s29 =	simm.s32 $0x0  }
0x129: {  	v3 =	vld [tilespmem:s29+$0xC980]  }
0x12a: {  	v4 =	vld [tilespmem:s29+$0xC990]  }
0x12b: {  	v5 =	vld [tilespmem:s29+$0xC9A0]  }
0x12c: {  	v6 =	vld [tilespmem:s29+$0xC9B0]  }
0x12d: {  	v0 =	vld [tilespmem:s29+$0xC9C0]  }
0x12e: {  	v1 =	vld [tilespmem:s29+$0xC9D0]  }
0x12f: {  	v13 =	vld [tilespmem:s29+$0xC900]  }
0x130: {  	v15 =	vld [tilespmem:s29+$0xC910]  }
0x131: {  	v12 =	vld [tilespmem:s29+$0xC920]  }
0x132: {  	v14 =	vld [tilespmem:s29+$0xC930]  }
0x133: {  	v2 =	vld [tilespmem:s29+$0xC940]  }
0x134: {  	v9 =	vld [tilespmem:s29+$0xC880]  }
0x135: {  	v10 =	vld [tilespmem:s29+$0xC890]  }
0x136: {  	v11 =	vld [tilespmem:s29+$0xC800]  }
0x137: {  	v17 =	vld [tilespmem:s29+$0xC810]  }
0x138: {  	v18 =	vld [tilespmem:s29+$0xC820]  }
0x139: {  	v19 =	vld [tilespmem:s29+$0xC830]  }
0x13a: {  	v20 =	vld [tilespmem:s29+$0xC8A0]  }
0x13b: {  	v24 =	vld [tilespmem:s29+$0xC8B0]  }
0x13c: {  	v8 =	vimm.f32 $0.0e+00;
	v7 =	vld [tilespmem:s29+$0xC950]  }
0x13d: {  	v16 =	vld [tilespmem:s29+$0xC8C0];
	v11 =	vadd.f32 v11, v8;
	v22 =	vadd.f32 v17, v8  }
0x13e: {  	v17 =	vld [tilespmem:s29+$0xC8D0];
	v23 =	vadd.f32 v18, v8;
	v25 =	vadd.f32 v19, v8  }
0x13f: {  	v18 =	vld [tilespmem:s29+$0xC840];
	v21 =	vadd.f32 v9, v11;
	v22 =	vadd.f32 v10, v22  }
0x140: {  	v19 =	vld [tilespmem:s29+$0xC850];
	v23 =	vadd.f32 v20, v23;
	v24 =	vadd.f32 v24, v25  }
0x141: {  	s30 =	simm.s32 $0x800;
	v20 =	vld [tilespmem:s29+$0xC860];
	v11 =	vimm.f32 $0.0e+00;
	v10 =	vimm.f32 $0.0e+00;
	v9 =	vimm.f32 $0.0e+00  }
.LBB2_10:
0x142: {  	p1 =	sne.s32 s30, $0xC000;
	v25 =	vld [tilespmem:s29+$0xC870];
	v13 =	vadd.f32 v13, v21;
	v15 =	vadd.f32 v15, v22  }
0x143: {  	v21 =	vld [tilespmem:s29+$0xC8E0];
	v12 =	vadd.f32 v12, v23;
	v14 =	vadd.f32 v14, v24  }
0x144: {  	v22 =	vld [tilespmem:s29+$0xC8F0];
	v23 =	vadd.f32 v3, v13;
	v24 =	vadd.f32 v4, v15  }
0x145: {  	v13 =	vld [tilespmem:s29+$0xC960];
	v26 =	vadd.f32 v5, v12;
	v27 =	vadd.f32 v6, v14  }
0x146: {  	v3 =	vadd.f32 v18, v8;
	v4 =	vadd.f32 v19, v11;
	v6 =	vld [tilespmem:s29+$0xC970]  }
0x147: {  	v5 =	vadd.f32 v20, v10;
	v8 =	vadd.f32 v25, v9;
	v9 =	vld [tilespmem:s29+$0xC9E0]  }
0x148: {  	v10 =	vadd.f32 v16, v3;
	v11 =	vadd.f32 v17, v4;
	v12 =	vld [tilespmem:s29+$0xC9F0];
	s29 =	sshra.s32 s30, $0x2  }
0x149: {  	v14 =	vadd.f32 v21, v5;
	v3 =	vld [tilespmem:s29+$0xC980];
	v8 =	vadd.f32 v22, v8  }
0x14a: {  	v2 =	vadd.f32 v2, v10;
	v7 =	vadd.f32 v7, v11;
	v4 =	vld [tilespmem:s29+$0xC990]  }
0x14b: {  	v10 =	vadd.f32 v13, v14;
	v5 =	vld [tilespmem:s29+$0xC9A0];
	v13 =	vadd.f32 v6, v8  }
0x14c: {  	v8 =	vadd.f32 v0, v2;
	v11 =	vadd.f32 v1, v7;
	v6 =	vld [tilespmem:s29+$0xC9B0]  }
0x14d: {  	v10 =	vadd.f32 v9, v10;
	v0 =	vld [tilespmem:s29+$0xC9C0];
	v9 =	vadd.f32 v12, v13  }
0x14e: {  	v1 =	vld [tilespmem:s29+$0xC9D0]  }
0x14f: {  	v13 =	vld [tilespmem:s29+$0xC900]  }
0x150: {  	v15 =	vld [tilespmem:s29+$0xC910]  }
0x151: {  	v12 =	vld [tilespmem:s29+$0xC920]  }
0x152: {  	v14 =	vld [tilespmem:s29+$0xC930]  }
0x153: {  	v2 =	vld [tilespmem:s29+$0xC940]  }
0x154: {  	v7 =	vld [tilespmem:s29+$0xC950]  }
0x155: {  	v20 =	vld [tilespmem:s29+$0xC880]  }
0x156: {  	v22 =	vld [tilespmem:s29+$0xC890]  }
0x157: {  	v17 =	vld [tilespmem:s29+$0xC800]  }
0x158: {  	v18 =	vld [tilespmem:s29+$0xC810]  }
0x159: {  	v19 =	vld [tilespmem:s29+$0xC820]  }
0x15a: {  	v21 =	vld [tilespmem:s29+$0xC830]  }
0x15b: {  	v25 =	vld [tilespmem:s29+$0xC8A0]  }
0x15c: {  	v28 =	vld [tilespmem:s29+$0xC8B0]  }
.Ltmp3:
0x15d: {  	v16 =	vld [tilespmem:s29+$0xC8C0];
	(pc) =	sbr.rel @p1 .LBB2_10-.Ltmp3, $4  }
0x15e: {  	v23 =	vadd.f32 v17, v23;
	v24 =	vadd.f32 v18, v24;
	v17 =	vld [tilespmem:s29+$0xC8D0]  }
0x15f: {  	v26 =	vadd.f32 v19, v26;
	v27 =	vadd.f32 v21, v27;
	v18 =	vld [tilespmem:s29+$0xC840]  }
0x160: {  	v21 =	vadd.f32 v20, v23;
	v22 =	vadd.f32 v22, v24;
	v19 =	vld [tilespmem:s29+$0xC850]  }
0x161: {  	s30 =	sadd.s32 $0x800, s30;
	v23 =	vadd.f32 v25, v26;
	v20 =	vld [tilespmem:s29+$0xC860];
	v24 =	vadd.f32 v28, v27  }
0x162: {  	v13 =	vadd.f32 v13, v21;
	v15 =	vadd.f32 v15, v22  }
0x163: {  	v21 =	vld [tilespmem:s29+$0xC870];
	v12 =	vadd.f32 v12, v23;
	v14 =	vadd.f32 v14, v24  }
0x164: {  	v22 =	vld [tilespmem:s29+$0xC8E0];
	v3 =	vadd.f32 v3, v13;
	v4 =	vadd.f32 v4, v15  }
0x165: {  	v13 =	vld [tilespmem:s29+$0xC8F0];
	v8 =	vadd.f32 v18, v8;
	v5 =	vadd.f32 v5, v12  }
0x166: {  	v12 =	vld [tilespmem:s29+$0xC960];
	v6 =	vadd.f32 v6, v14;
	v11 =	vadd.f32 v19, v11  }
0x167: {  	v14 =	vld [tilespmem:s29+$0xC970];
	v10 =	vadd.f32 v20, v10;
	v8 =	vadd.f32 v16, v8  }
0x168: {  	v15 =	vld [tilespmem:s29+$0xC9E0];
	v9 =	vadd.f32 v21, v9;
	v11 =	vadd.f32 v17, v11  }
0x169: {  	v16 =	vld [tilespmem:s29+$0xC9F0];
	v10 =	vadd.f32 v22, v10;
	v2 =	vadd.f32 v2, v8  }
0x16a: {  	v8 =	vadd.f32 v13, v9;
	v7 =	vadd.f32 v7, v11  }
0x16b: {  	v9 =	vadd.f32 v12, v10;
	v0 =	vadd.f32 v0, v2  }
0x16c: {  	v2 =	vadd.f32 v14, v8;
	v1 =	vadd.f32 v1, v7  }
0x16d: {  	v7 =	vadd.f32 v15, v9;
	v0 =	vadd.f32 v0, v3  }
0x16e: {  	v2 =	vadd.f32 v16, v2;
	v1 =	vadd.f32 v1, v4  }
0x16f: {  	[tilespmem:s26+$0x1C2C0] =	vst v0;
	v0 =	vadd.f32 v7, v5  }
0x170: {  	[tilespmem:s26+$0x1C2D0] =	vst v1;
	v1 =	vadd.f32 v2, v6  }
0x171: {  	[tilespmem:s26+$0x1C2E0] =	vst v0  }
0x172: {  	[tilespmem:s26+$0x1C2F0] =	vst v1  }
0x173: {  	_ =	swait.ge [sflag:s16], $0x3200  }
0x174: {  	s30 =	simm.s32 @!p0 $0x68;
	[sflag:s16] =	ssyncset.done $0x0  }
0x175: {  	s31 =	simm.s32 @!p0 $0x9600;
	s29 =	sadd.s32 @!p0 $0x7D0, s28;
	[sflag:s16] =	ssyncadd.s32 $0xFFFFCE00  }
0x176: {  	[tilespmem:s31], [sflag:$0x3] =	stream.indirect.gather @!p0 [hbm4b:s5+s30], $0x40, s29, s30, $0xb8;
	[tilespmem:$0x1D200] =	vst v63  }
0x177: {  	s29 =	sadd.s32 @!p0 $0x838, s28;
	s30 =	simm.s32 @!p0 $0x60;
	s31 =	simm.s32 @!p0 $0xB000  }
0x178: {  	[tilespmem:s31], [sflag:$0x3] =	stream.indirect.gather @!p0 [hbm4b:s5+s30], $0x40, s29, s30, $0xb8;
	[tilespmem:$0x1D200] =	vst v63  }
0x179: {  	s29 =	simm.s32 $0x0  }
0x17a: {  	v3 =	vld [tilespmem:s29+$0xFB80]  }
0x17b: {  	v4 =	vld [tilespmem:s29+$0xFB90]  }
0x17c: {  	v5 =	vld [tilespmem:s29+$0xFBA0]  }
0x17d: {  	v6 =	vld [tilespmem:s29+$0xFBB0]  }
0x17e: {  	v0 =	vld [tilespmem:s29+$0xFBC0]  }
0x17f: {  	v1 =	vld [tilespmem:s29+$0xFBD0]  }
0x180: {  	v13 =	vld [tilespmem:s29+$0xFB00]  }
0x181: {  	v15 =	vld [tilespmem:s29+$0xFB10]  }
0x182: {  	v12 =	vld [tilespmem:s29+$0xFB20]  }
0x183: {  	v14 =	vld [tilespmem:s29+$0xFB30]  }
0x184: {  	v2 =	vld [tilespmem:s29+$0xFB40]  }
0x185: {  	v9 =	vld [tilespmem:s29+$0xFA80]  }
0x186: {  	v10 =	vld [tilespmem:s29+$0xFA90]  }
0x187: {  	v11 =	vld [tilespmem:s29+$0xFA00]  }
0x188: {  	v17 =	vld [tilespmem:s29+$0xFA10]  }
0x189: {  	v18 =	vld [tilespmem:s29+$0xFA20]  }
0x18a: {  	v19 =	vld [tilespmem:s29+$0xFA30]  }
0x18b: {  	v20 =	vld [tilespmem:s29+$0xFAA0]  }
0x18c: {  	v24 =	vld [tilespmem:s29+$0xFAB0]  }
0x18d: {  	v8 =	vimm.f32 $0.0e+00;
	v7 =	vld [tilespmem:s29+$0xFB50]  }
0x18e: {  	v16 =	vld [tilespmem:s29+$0xFAC0];
	v11 =	vadd.f32 v11, v8;
	v22 =	vadd.f32 v17, v8  }
0x18f: {  	v17 =	vld [tilespmem:s29+$0xFAD0];
	v23 =	vadd.f32 v18, v8;
	v25 =	vadd.f32 v19, v8  }
0x190: {  	v18 =	vld [tilespmem:s29+$0xFA40];
	v21 =	vadd.f32 v9, v11;
	v22 =	vadd.f32 v10, v22  }
0x191: {  	v19 =	vld [tilespmem:s29+$0xFA50];
	v23 =	vadd.f32 v20, v23;
	v24 =	vadd.f32 v24, v25  }
0x192: {  	s30 =	simm.s32 $0x800;
	v20 =	vld [tilespmem:s29+$0xFA60];
	v11 =	vimm.f32 $0.0e+00;
	v10 =	vimm.f32 $0.0e+00;
	v9 =	vimm.f32 $0.0e+00  }
.LBB2_12:
0x193: {  	p1 =	sne.s32 s30, $0xC000;
	v25 =	vld [tilespmem:s29+$0xFA70];
	v13 =	vadd.f32 v13, v21;
	v15 =	vadd.f32 v15, v22  }
0x194: {  	v21 =	vld [tilespmem:s29+$0xFAE0];
	v12 =	vadd.f32 v12, v23;
	v14 =	vadd.f32 v14, v24  }
0x195: {  	v22 =	vld [tilespmem:s29+$0xFAF0];
	v23 =	vadd.f32 v3, v13;
	v24 =	vadd.f32 v4, v15  }
0x196: {  	v13 =	vld [tilespmem:s29+$0xFB60];
	v26 =	vadd.f32 v5, v12;
	v27 =	vadd.f32 v6, v14  }
0x197: {  	v3 =	vadd.f32 v18, v8;
	v4 =	vadd.f32 v19, v11;
	v6 =	vld [tilespmem:s29+$0xFB70]  }
0x198: {  	v5 =	vadd.f32 v20, v10;
	v8 =	vadd.f32 v25, v9;
	v9 =	vld [tilespmem:s29+$0xFBE0]  }
0x199: {  	v10 =	vadd.f32 v16, v3;
	v11 =	vadd.f32 v17, v4;
	v12 =	vld [tilespmem:s29+$0xFBF0];
	s29 =	sshra.s32 s30, $0x2  }
0x19a: {  	v14 =	vadd.f32 v21, v5;
	v3 =	vld [tilespmem:s29+$0xFB80];
	v8 =	vadd.f32 v22, v8  }
0x19b: {  	v2 =	vadd.f32 v2, v10;
	v7 =	vadd.f32 v7, v11;
	v4 =	vld [tilespmem:s29+$0xFB90]  }
0x19c: {  	v10 =	vadd.f32 v13, v14;
	v5 =	vld [tilespmem:s29+$0xFBA0];
	v13 =	vadd.f32 v6, v8  }
0x19d: {  	v8 =	vadd.f32 v0, v2;
	v11 =	vadd.f32 v1, v7;
	v6 =	vld [tilespmem:s29+$0xFBB0]  }
0x19e: {  	v10 =	vadd.f32 v9, v10;
	v0 =	vld [tilespmem:s29+$0xFBC0];
	v9 =	vadd.f32 v12, v13  }
0x19f: {  	v1 =	vld [tilespmem:s29+$0xFBD0]  }
0x1a0: {  	v13 =	vld [tilespmem:s29+$0xFB00]  }
0x1a1: {  	v15 =	vld [tilespmem:s29+$0xFB10]  }
0x1a2: {  	v12 =	vld [tilespmem:s29+$0xFB20]  }
0x1a3: {  	v14 =	vld [tilespmem:s29+$0xFB30]  }
0x1a4: {  	v2 =	vld [tilespmem:s29+$0xFB40]  }
0x1a5: {  	v7 =	vld [tilespmem:s29+$0xFB50]  }
0x1a6: {  	v20 =	vld [tilespmem:s29+$0xFA80]  }
0x1a7: {  	v22 =	vld [tilespmem:s29+$0xFA90]  }
0x1a8: {  	v17 =	vld [tilespmem:s29+$0xFA00]  }
0x1a9: {  	v18 =	vld [tilespmem:s29+$0xFA10]  }
0x1aa: {  	v19 =	vld [tilespmem:s29+$0xFA20]  }
0x1ab: {  	v21 =	vld [tilespmem:s29+$0xFA30]  }
0x1ac: {  	v25 =	vld [tilespmem:s29+$0xFAA0]  }
0x1ad: {  	v28 =	vld [tilespmem:s29+$0xFAB0]  }
.Ltmp4:
0x1ae: {  	v16 =	vld [tilespmem:s29+$0xFAC0];
	(pc) =	sbr.rel @p1 .LBB2_12-.Ltmp4, $4  }
0x1af: {  	v23 =	vadd.f32 v17, v23;
	v24 =	vadd.f32 v18, v24;
	v17 =	vld [tilespmem:s29+$0xFAD0]  }
0x1b0: {  	v26 =	vadd.f32 v19, v26;
	v27 =	vadd.f32 v21, v27;
	v18 =	vld [tilespmem:s29+$0xFA40]  }
0x1b1: {  	v21 =	vadd.f32 v20, v23;
	v22 =	vadd.f32 v22, v24;
	v19 =	vld [tilespmem:s29+$0xFA50]  }
0x1b2: {  	s30 =	sadd.s32 $0x800, s30;
	v23 =	vadd.f32 v25, v26;
	v20 =	vld [tilespmem:s29+$0xFA60];
	v24 =	vadd.f32 v28, v27  }
0x1b3: {  	v13 =	vadd.f32 v13, v21;
	v15 =	vadd.f32 v15, v22  }
0x1b4: {  	v21 =	vld [tilespmem:s29+$0xFA70];
	v12 =	vadd.f32 v12, v23;
	v14 =	vadd.f32 v14, v24  }
0x1b5: {  	v22 =	vld [tilespmem:s29+$0xFAE0];
	v3 =	vadd.f32 v3, v13;
	v4 =	vadd.f32 v4, v15  }
0x1b6: {  	v13 =	vld [tilespmem:s29+$0xFAF0];
	v8 =	vadd.f32 v18, v8;
	v5 =	vadd.f32 v5, v12  }
0x1b7: {  	v12 =	vld [tilespmem:s29+$0xFB60];
	v6 =	vadd.f32 v6, v14;
	v11 =	vadd.f32 v19, v11  }
0x1b8: {  	v14 =	vld [tilespmem:s29+$0xFB70];
	v10 =	vadd.f32 v20, v10;
	v8 =	vadd.f32 v16, v8  }
0x1b9: {  	v15 =	vld [tilespmem:s29+$0xFBE0];
	v9 =	vadd.f32 v21, v9;
	v11 =	vadd.f32 v17, v11  }
0x1ba: {  	v16 =	vld [tilespmem:s29+$0xFBF0];
	v10 =	vadd.f32 v22, v10;
	v2 =	vadd.f32 v2, v8  }
0x1bb: {  	v8 =	vadd.f32 v13, v9;
	v7 =	vadd.f32 v7, v11  }
0x1bc: {  	v9 =	vadd.f32 v12, v10;
	v0 =	vadd.f32 v0, v2  }
0x1bd: {  	v2 =	vadd.f32 v14, v8;
	v1 =	vadd.f32 v1, v7  }
0x1be: {  	v7 =	vadd.f32 v15, v9;
	v0 =	vadd.f32 v0, v3  }
0x1bf: {  	v2 =	vadd.f32 v16, v2;
	v1 =	vadd.f32 v1, v4  }
0x1c0: {  	[tilespmem:s26+$0x1C300] =	vst v0;
	v0 =	vadd.f32 v7, v5  }
0x1c1: {  	[tilespmem:s26+$0x1C310] =	vst v1;
	v1 =	vadd.f32 v2, v6  }
0x1c2: {  	[tilespmem:s26+$0x1C320] =	vst v0  }
0x1c3: {  	[tilespmem:s26+$0x1C330] =	vst v1  }
0x1c4: {  	_ =	swait.ge [sflag:s17], $0x3200  }
0x1c5: {  	s30 =	simm.s32 @!p0 $0x68;
	[sflag:s17] =	ssyncset.done $0x0  }
0x1c6: {  	s31 =	simm.s32 @!p0 $0xC800;
	s29 =	sadd.s32 @!p0 $0x898, s28;
	[sflag:s17] =	ssyncadd.s32 $0xFFFFCE00  }
0x1c7: {  	[tilespmem:s31], [sflag:$0x4] =	stream.indirect.gather @!p0 [hbm4b:s5+s30], $0x40, s29, s30, $0xb8;
	[tilespmem:$0x1D200] =	vst v63  }
0x1c8: {  	s29 =	sadd.s32 @!p0 $0x900, s28;
	s30 =	simm.s32 @!p0 $0x60;
	s31 =	simm.s32 @!p0 $0xE200  }
0x1c9: {  	[tilespmem:s31], [sflag:$0x4] =	stream.indirect.gather @!p0 [hbm4b:s5+s30], $0x40, s29, s30, $0xb8;
	[tilespmem:$0x1D200] =	vst v63  }
0x1ca: {  	s29 =	simm.s32 $0x0  }
0x1cb: {  	v3 =	vld [tilespmem:s29+$0x12D80]  }
0x1cc: {  	v4 =	vld [tilespmem:s29+$0x12D90]  }
0x1cd: {  	v5 =	vld [tilespmem:s29+$0x12DA0]  }
0x1ce: {  	v6 =	vld [tilespmem:s29+$0x12DB0]  }
0x1cf: {  	v0 =	vld [tilespmem:s29+$0x12DC0]  }
0x1d0: {  	v1 =	vld [tilespmem:s29+$0x12DD0]  }
0x1d1: {  	v13 =	vld [tilespmem:s29+$0x12D00]  }
0x1d2: {  	v15 =	vld [tilespmem:s29+$0x12D10]  }
0x1d3: {  	v12 =	vld [tilespmem:s29+$0x12D20]  }
0x1d4: {  	v14 =	vld [tilespmem:s29+$0x12D30]  }
0x1d5: {  	v2 =	vld [tilespmem:s29+$0x12D40]  }
0x1d6: {  	v9 =	vld [tilespmem:s29+$0x12C80]  }
0x1d7: {  	v10 =	vld [tilespmem:s29+$0x12C90]  }
0x1d8: {  	v11 =	vld [tilespmem:s29+$0x12C00]  }
0x1d9: {  	v17 =	vld [tilespmem:s29+$0x12C10]  }
0x1da: {  	v18 =	vld [tilespmem:s29+$0x12C20]  }
0x1db: {  	v19 =	vld [tilespmem:s29+$0x12C30]  }
0x1dc: {  	v20 =	vld [tilespmem:s29+$0x12CA0]  }
0x1dd: {  	v24 =	vld [tilespmem:s29+$0x12CB0]  }
0x1de: {  	v8 =	vimm.f32 $0.0e+00;
	v7 =	vld [tilespmem:s29+$0x12D50]  }
0x1df: {  	v16 =	vld [tilespmem:s29+$0x12CC0];
	v11 =	vadd.f32 v11, v8;
	v22 =	vadd.f32 v17, v8  }
0x1e0: {  	v17 =	vld [tilespmem:s29+$0x12CD0];
	v23 =	vadd.f32 v18, v8;
	v25 =	vadd.f32 v19, v8  }
0x1e1: {  	v18 =	vld [tilespmem:s29+$0x12C40];
	v21 =	vadd.f32 v9, v11;
	v22 =	vadd.f32 v10, v22  }
0x1e2: {  	v19 =	vld [tilespmem:s29+$0x12C50];
	v23 =	vadd.f32 v20, v23;
	v24 =	vadd.f32 v24, v25  }
0x1e3: {  	s30 =	simm.s32 $0x800;
	v20 =	vld [tilespmem:s29+$0x12C60];
	v11 =	vimm.f32 $0.0e+00;
	v10 =	vimm.f32 $0.0e+00;
	v9 =	vimm.f32 $0.0e+00  }
.LBB2_14:
0x1e4: {  	p1 =	sne.s32 s30, $0xC000;
	v25 =	vld [tilespmem:s29+$0x12C70];
	v13 =	vadd.f32 v13, v21;
	v15 =	vadd.f32 v15, v22  }
0x1e5: {  	v21 =	vld [tilespmem:s29+$0x12CE0];
	v12 =	vadd.f32 v12, v23;
	v14 =	vadd.f32 v14, v24  }
0x1e6: {  	v22 =	vld [tilespmem:s29+$0x12CF0];
	v23 =	vadd.f32 v3, v13;
	v24 =	vadd.f32 v4, v15  }
0x1e7: {  	v13 =	vld [tilespmem:s29+$0x12D60];
	v26 =	vadd.f32 v5, v12;
	v27 =	vadd.f32 v6, v14  }
0x1e8: {  	v3 =	vadd.f32 v18, v8;
	v4 =	vadd.f32 v19, v11;
	v6 =	vld [tilespmem:s29+$0x12D70]  }
0x1e9: {  	v5 =	vadd.f32 v20, v10;
	v8 =	vadd.f32 v25, v9;
	v9 =	vld [tilespmem:s29+$0x12DE0]  }
0x1ea: {  	v10 =	vadd.f32 v16, v3;
	v11 =	vadd.f32 v17, v4;
	v12 =	vld [tilespmem:s29+$0x12DF0];
	s29 =	sshra.s32 s30, $0x2  }
0x1eb: {  	v14 =	vadd.f32 v21, v5;
	v3 =	vld [tilespmem:s29+$0x12D80];
	v8 =	vadd.f32 v22, v8  }
0x1ec: {  	v2 =	vadd.f32 v2, v10;
	v7 =	vadd.f32 v7, v11;
	v4 =	vld [tilespmem:s29+$0x12D90]  }
0x1ed: {  	v10 =	vadd.f32 v13, v14;
	v5 =	vld [tilespmem:s29+$0x12DA0];
	v13 =	vadd.f32 v6, v8  }
0x1ee: {  	v8 =	vadd.f32 v0, v2;
	v11 =	vadd.f32 v1, v7;
	v6 =	vld [tilespmem:s29+$0x12DB0]  }
0x1ef: {  	v10 =	vadd.f32 v9, v10;
	v0 =	vld [tilespmem:s29+$0x12DC0];
	v9 =	vadd.f32 v12, v13  }
0x1f0: {  	v1 =	vld [tilespmem:s29+$0x12DD0]  }
0x1f1: {  	v13 =	vld [tilespmem:s29+$0x12D00]  }
0x1f2: {  	v15 =	vld [tilespmem:s29+$0x12D10]  }
0x1f3: {  	v12 =	vld [tilespmem:s29+$0x12D20]  }
0x1f4: {  	v14 =	vld [tilespmem:s29+$0x12D30]  }
0x1f5: {  	v2 =	vld [tilespmem:s29+$0x12D40]  }
0x1f6: {  	v7 =	vld [tilespmem:s29+$0x12D50]  }
0x1f7: {  	v20 =	vld [tilespmem:s29+$0x12C80]  }
0x1f8: {  	v22 =	vld [tilespmem:s29+$0x12C90]  }
0x1f9: {  	v17 =	vld [tilespmem:s29+$0x12C00]  }
0x1fa: {  	v18 =	vld [tilespmem:s29+$0x12C10]  }
0x1fb: {  	v19 =	vld [tilespmem:s29+$0x12C20]  }
0x1fc: {  	v21 =	vld [tilespmem:s29+$0x12C30]  }
0x1fd: {  	v25 =	vld [tilespmem:s29+$0x12CA0]  }
0x1fe: {  	v28 =	vld [tilespmem:s29+$0x12CB0]  }
.Ltmp5:
0x1ff: {  	v16 =	vld [tilespmem:s29+$0x12CC0];
	(pc) =	sbr.rel @p1 .LBB2_14-.Ltmp5, $4  }
0x200: {  	v23 =	vadd.f32 v17, v23;
	v24 =	vadd.f32 v18, v24;
	v17 =	vld [tilespmem:s29+$0x12CD0]  }
0x201: {  	v26 =	vadd.f32 v19, v26;
	v27 =	vadd.f32 v21, v27;
	v18 =	vld [tilespmem:s29+$0x12C40]  }
0x202: {  	v21 =	vadd.f32 v20, v23;
	v22 =	vadd.f32 v22, v24;
	v19 =	vld [tilespmem:s29+$0x12C50]  }
0x203: {  	s30 =	sadd.s32 $0x800, s30;
	v23 =	vadd.f32 v25, v26;
	v20 =	vld [tilespmem:s29+$0x12C60];
	v24 =	vadd.f32 v28, v27  }
0x204: {  	v13 =	vadd.f32 v13, v21;
	v15 =	vadd.f32 v15, v22  }
0x205: {  	v21 =	vld [tilespmem:s29+$0x12C70];
	v12 =	vadd.f32 v12, v23;
	v14 =	vadd.f32 v14, v24  }
0x206: {  	v22 =	vld [tilespmem:s29+$0x12CE0];
	v3 =	vadd.f32 v3, v13;
	v4 =	vadd.f32 v4, v15  }
0x207: {  	v13 =	vld [tilespmem:s29+$0x12CF0];
	v8 =	vadd.f32 v18, v8;
	v5 =	vadd.f32 v5, v12  }
0x208: {  	v12 =	vld [tilespmem:s29+$0x12D60];
	v6 =	vadd.f32 v6, v14;
	v11 =	vadd.f32 v19, v11  }
0x209: {  	v14 =	vld [tilespmem:s29+$0x12D70];
	v10 =	vadd.f32 v20, v10;
	v8 =	vadd.f32 v16, v8  }
0x20a: {  	v15 =	vld [tilespmem:s29+$0x12DE0];
	v9 =	vadd.f32 v21, v9;
	v11 =	vadd.f32 v17, v11  }
0x20b: {  	v16 =	vld [tilespmem:s29+$0x12DF0];
	v10 =	vadd.f32 v22, v10;
	v2 =	vadd.f32 v2, v8  }
0x20c: {  	v8 =	vadd.f32 v13, v9;
	v7 =	vadd.f32 v7, v11  }
0x20d: {  	v9 =	vadd.f32 v12, v10;
	v0 =	vadd.f32 v0, v2  }
0x20e: {  	v2 =	vadd.f32 v14, v8;
	v1 =	vadd.f32 v1, v7  }
0x20f: {  	v7 =	vadd.f32 v15, v9;
	v0 =	vadd.f32 v0, v3  }
0x210: {  	v2 =	vadd.f32 v16, v2;
	v1 =	vadd.f32 v1, v4  }
0x211: {  	[tilespmem:s26+$0x1C340] =	vst v0;
	v0 =	vadd.f32 v7, v5  }
0x212: {  	[tilespmem:s26+$0x1C350] =	vst v1;
	v1 =	vadd.f32 v2, v6  }
0x213: {  	[tilespmem:s26+$0x1C360] =	vst v0  }
0x214: {  	[tilespmem:s26+$0x1C370] =	vst v1  }
0x215: {  	_ =	swait.ge [sflag:s18], $0x3200  }
0x216: {  	s30 =	simm.s32 @!p0 $0xFA00;
	[sflag:s18] =	ssyncset.done $0x0  }
0x217: {  	s29 =	simm.s32 @!p0 $0x68;
	s26 =	sadd.s32 @!p0 $0x960, s28;
	[sflag:s18] =	ssyncadd.s32 $0xFFFFCE00  }
0x218: {  	[tilespmem:s30], [sflag:$0x5] =	stream.indirect.gather @!p0 [hbm4b:s5+s29], $0x40, s26, s29, $0xb8;
	[tilespmem:$0x1D200] =	vst v63  }
0x219: {  	s26 =	sadd.s32 @!p0 $0x9C8, s28;
	s29 =	simm.s32 @!p0 $0x60;
	s30 =	simm.s32 @!p0 $0x11400  }
0x21a: {  	[tilespmem:s30], [sflag:$0x5] =	stream.indirect.gather @!p0 [hbm4b:s5+s29], $0x40, s26, s29, $0xb8;
	[tilespmem:$0x1D200] =	vst v63  }
0x21b: {  	s26 =	simm.s32 $0x0  }
0x21c: {  	v3 =	vld [tilespmem:s26+$0x15F80]  }
0x21d: {  	v4 =	vld [tilespmem:s26+$0x15F90]  }
0x21e: {  	v5 =	vld [tilespmem:s26+$0x15FA0]  }
0x21f: {  	v6 =	vld [tilespmem:s26+$0x15FB0]  }
0x220: {  	v0 =	vld [tilespmem:s26+$0x15FC0]  }
0x221: {  	v1 =	vld [tilespmem:s26+$0x15FD0]  }
0x222: {  	v13 =	vld [tilespmem:s26+$0x15F00]  }
0x223: {  	v15 =	vld [tilespmem:s26+$0x15F10]  }
0x224: {  	v12 =	vld [tilespmem:s26+$0x15F20]  }
0x225: {  	v14 =	vld [tilespmem:s26+$0x15F30]  }
0x226: {  	v2 =	vld [tilespmem:s26+$0x15F40]  }
0x227: {  	v9 =	vld [tilespmem:s26+$0x15E80]  }
0x228: {  	v10 =	vld [tilespmem:s26+$0x15E90]  }
0x229: {  	v11 =	vld [tilespmem:s26+$0x15E00]  }
0x22a: {  	v17 =	vld [tilespmem:s26+$0x15E10]  }
0x22b: {  	v18 =	vld [tilespmem:s26+$0x15E20]  }
0x22c: {  	v19 =	vld [tilespmem:s26+$0x15E30]  }
0x22d: {  	v20 =	vld [tilespmem:s26+$0x15EA0]  }
0x22e: {  	v24 =	vld [tilespmem:s26+$0x15EB0]  }
0x22f: {  	v8 =	vimm.f32 $0.0e+00;
	v7 =	vld [tilespmem:s26+$0x15F50]  }
0x230: {  	v16 =	vld [tilespmem:s26+$0x15EC0];
	v11 =	vadd.f32 v11, v8;
	v22 =	vadd.f32 v17, v8  }
0x231: {  	v17 =	vld [tilespmem:s26+$0x15ED0];
	v23 =	vadd.f32 v18, v8;
	v25 =	vadd.f32 v19, v8  }
0x232: {  	v18 =	vld [tilespmem:s26+$0x15E40];
	v21 =	vadd.f32 v9, v11;
	v22 =	vadd.f32 v10, v22  }
0x233: {  	v19 =	vld [tilespmem:s26+$0x15E50];
	v23 =	vadd.f32 v20, v23;
	v24 =	vadd.f32 v24, v25  }
0x234: {  	s29 =	simm.s32 $0x800;
	v20 =	vld [tilespmem:s26+$0x15E60];
	v11 =	vimm.f32 $0.0e+00;
	v10 =	vimm.f32 $0.0e+00;
	v9 =	vimm.f32 $0.0e+00  }
.LBB2_16:
0x235: {  	p1 =	sne.s32 s29, $0xC000;
	v25 =	vld [tilespmem:s26+$0x15E70];
	v13 =	vadd.f32 v13, v21;
	v15 =	vadd.f32 v15, v22  }
0x236: {  	v21 =	vld [tilespmem:s26+$0x15EE0];
	v12 =	vadd.f32 v12, v23;
	v14 =	vadd.f32 v14, v24  }
0x237: {  	v22 =	vld [tilespmem:s26+$0x15EF0];
	v23 =	vadd.f32 v3, v13;
	v24 =	vadd.f32 v4, v15  }
0x238: {  	v13 =	vld [tilespmem:s26+$0x15F60];
	v26 =	vadd.f32 v5, v12;
	v27 =	vadd.f32 v6, v14  }
0x239: {  	v3 =	vadd.f32 v18, v8;
	v4 =	vadd.f32 v19, v11;
	v6 =	vld [tilespmem:s26+$0x15F70]  }
0x23a: {  	v5 =	vadd.f32 v20, v10;
	v8 =	vadd.f32 v25, v9;
	v9 =	vld [tilespmem:s26+$0x15FE0]  }
0x23b: {  	v10 =	vadd.f32 v16, v3;
	v11 =	vadd.f32 v17, v4;
	v12 =	vld [tilespmem:s26+$0x15FF0];
	s26 =	sshra.s32 s29, $0x2  }
0x23c: {  	v14 =	vadd.f32 v21, v5;
	v3 =	vld [tilespmem:s26+$0x15F80];
	v8 =	vadd.f32 v22, v8  }
0x23d: {  	v2 =	vadd.f32 v2, v10;
	v7 =	vadd.f32 v7, v11;
	v4 =	vld [tilespmem:s26+$0x15F90]  }
0x23e: {  	v10 =	vadd.f32 v13, v14;
	v5 =	vld [tilespmem:s26+$0x15FA0];
	v13 =	vadd.f32 v6, v8  }
0x23f: {  	v8 =	vadd.f32 v0, v2;
	v11 =	vadd.f32 v1, v7;
	v6 =	vld [tilespmem:s26+$0x15FB0]  }
0x240: {  	v10 =	vadd.f32 v9, v10;
	v0 =	vld [tilespmem:s26+$0x15FC0];
	v9 =	vadd.f32 v12, v13  }
0x241: {  	v1 =	vld [tilespmem:s26+$0x15FD0]  }
0x242: {  	v13 =	vld [tilespmem:s26+$0x15F00]  }
0x243: {  	v15 =	vld [tilespmem:s26+$0x15F10]  }
0x244: {  	v12 =	vld [tilespmem:s26+$0x15F20]  }
0x245: {  	v14 =	vld [tilespmem:s26+$0x15F30]  }
0x246: {  	v2 =	vld [tilespmem:s26+$0x15F40]  }
0x247: {  	v7 =	vld [tilespmem:s26+$0x15F50]  }
0x248: {  	v20 =	vld [tilespmem:s26+$0x15E80]  }
0x249: {  	v22 =	vld [tilespmem:s26+$0x15E90]  }
0x24a: {  	v17 =	vld [tilespmem:s26+$0x15E00]  }
0x24b: {  	v18 =	vld [tilespmem:s26+$0x15E10]  }
0x24c: {  	v19 =	vld [tilespmem:s26+$0x15E20]  }
0x24d: {  	v21 =	vld [tilespmem:s26+$0x15E30]  }
0x24e: {  	v25 =	vld [tilespmem:s26+$0x15EA0]  }
0x24f: {  	v28 =	vld [tilespmem:s26+$0x15EB0]  }
.Ltmp6:
0x250: {  	v16 =	vld [tilespmem:s26+$0x15EC0];
	(pc) =	sbr.rel @p1 .LBB2_16-.Ltmp6, $4  }
0x251: {  	v23 =	vadd.f32 v17, v23;
	v24 =	vadd.f32 v18, v24;
	v17 =	vld [tilespmem:s26+$0x15ED0]  }
0x252: {  	v26 =	vadd.f32 v19, v26;
	v27 =	vadd.f32 v21, v27;
	v18 =	vld [tilespmem:s26+$0x15E40]  }
0x253: {  	v21 =	vadd.f32 v20, v23;
	v22 =	vadd.f32 v22, v24;
	v19 =	vld [tilespmem:s26+$0x15E50]  }
0x254: {  	s29 =	sadd.s32 $0x800, s29;
	v23 =	vadd.f32 v25, v26;
	v20 =	vld [tilespmem:s26+$0x15E60];
	v24 =	vadd.f32 v28, v27  }
0x255: {  	v13 =	vadd.f32 v13, v21;
	v15 =	vadd.f32 v15, v22  }
0x256: {  	v21 =	vld [tilespmem:s26+$0x15E70];
	v12 =	vadd.f32 v12, v23;
	v14 =	vadd.f32 v14, v24  }
0x257: {  	v22 =	vld [tilespmem:s26+$0x15EE0];
	v3 =	vadd.f32 v3, v13;
	v4 =	vadd.f32 v4, v15  }
0x258: {  	v13 =	vld [tilespmem:s26+$0x15EF0];
	v8 =	vadd.f32 v18, v8;
	v5 =	vadd.f32 v5, v12  }
0x259: {  	v12 =	vld [tilespmem:s26+$0x15F60];
	v6 =	vadd.f32 v6, v14;
	v11 =	vadd.f32 v19, v11  }
0x25a: {  	v14 =	vld [tilespmem:s26+$0x15F70];
	v10 =	vadd.f32 v20, v10;
	v8 =	vadd.f32 v16, v8  }
0x25b: {  	v15 =	vld [tilespmem:s26+$0x15FE0];
	v9 =	vadd.f32 v21, v9;
	v11 =	vadd.f32 v17, v11  }
0x25c: {  	v16 =	vld [tilespmem:s26+$0x15FF0];
	v10 =	vadd.f32 v22, v10;
	v2 =	vadd.f32 v2, v8  }
0x25d: {  	v8 =	vadd.f32 v13, v9;
	v7 =	vadd.f32 v7, v11  }
0x25e: {  	v9 =	vadd.f32 v12, v10;
	v0 =	vadd.f32 v0, v2  }
0x25f: {  	v2 =	vadd.f32 v14, v8;
	v1 =	vadd.f32 v1, v7  }
0x260: {  	s25 =	sshll.u32 s25, $0x6;
	v7 =	vadd.f32 v15, v9;
	v0 =	vadd.f32 v0, v3  }
0x261: {  	s25 =	sand.u32 $0x3FFFFFC0, s25;
	v2 =	vadd.f32 v16, v2;
	v1 =	vadd.f32 v1, v4  }
0x262: {  	[tilespmem:s25+$0x1C200] =	vst v0;
	v0 =	vadd.f32 v7, v5  }
0x263: {  	[tilespmem:s25+$0x1C210] =	vst v1;
	v1 =	vadd.f32 v2, v6  }
0x264: {  	[tilespmem:s25+$0x1C220] =	vst v0  }
0x265: {  	[tilespmem:s25+$0x1C230] =	vst v1  }
0x266: {  	_ =	swait.ge [sflag:s19], $0x3200  }
0x267: {  	s29 =	simm.s32 @!p0 $0x12C00;
	[sflag:s19] =	ssyncset.done $0x0  }
0x268: {  	s26 =	simm.s32 @!p0 $0x68;
	s25 =	sadd.s32 @!p0 $0xA28, s28;
	[sflag:s19] =	ssyncadd.s32 $0xFFFFCE00  }
0x269: {  	[tilespmem:s29], [sflag:$0x6] =	stream.indirect.gather @!p0 [hbm4b:s5+s26], $0x40, s25, s26, $0xb8;
	[tilespmem:$0x1D200] =	vst v63  }
0x26a: {  	s25 =	sadd.s32 @!p0 $0xA90, s28;
	s26 =	simm.s32 @!p0 $0x60;
	s28 =	simm.s32 @!p0 $0x14600  }
0x26b: {  	[tilespmem:s28], [sflag:$0x6] =	stream.indirect.gather @!p0 [hbm4b:s5+s26], $0x40, s25, s26, $0xb8;
	[tilespmem:$0x1D200] =	vst v63  }
0x26c: {  	s25 =	simm.s32 $0x0  }
0x26d: {  	v3 =	vld [tilespmem:s25+$0x19180]  }
0x26e: {  	v4 =	vld [tilespmem:s25+$0x19190]  }
0x26f: {  	v5 =	vld [tilespmem:s25+$0x191A0]  }
0x270: {  	v6 =	vld [tilespmem:s25+$0x191B0]  }
0x271: {  	v0 =	vld [tilespmem:s25+$0x191C0]  }
0x272: {  	v1 =	vld [tilespmem:s25+$0x191D0]  }
0x273: {  	v13 =	vld [tilespmem:s25+$0x19100]  }
0x274: {  	v15 =	vld [tilespmem:s25+$0x19110]  }
0x275: {  	v12 =	vld [tilespmem:s25+$0x19120]  }
0x276: {  	v14 =	vld [tilespmem:s25+$0x19130]  }
0x277: {  	v2 =	vld [tilespmem:s25+$0x19140]  }
0x278: {  	v9 =	vld [tilespmem:s25+$0x19080]  }
0x279: {  	v10 =	vld [tilespmem:s25+$0x19090]  }
0x27a: {  	v11 =	vld [tilespmem:s25+$0x19000]  }
0x27b: {  	v17 =	vld [tilespmem:s25+$0x19010]  }
0x27c: {  	v18 =	vld [tilespmem:s25+$0x19020]  }
0x27d: {  	v19 =	vld [tilespmem:s25+$0x19030]  }
0x27e: {  	v20 =	vld [tilespmem:s25+$0x190A0]  }
0x27f: {  	v24 =	vld [tilespmem:s25+$0x190B0]  }
0x280: {  	v8 =	vimm.f32 $0.0e+00;
	v7 =	vld [tilespmem:s25+$0x19150]  }
0x281: {  	v16 =	vld [tilespmem:s25+$0x190C0];
	v11 =	vadd.f32 v11, v8;
	v22 =	vadd.f32 v17, v8  }
0x282: {  	v17 =	vld [tilespmem:s25+$0x190D0];
	v23 =	vadd.f32 v18, v8;
	v25 =	vadd.f32 v19, v8  }
0x283: {  	v18 =	vld [tilespmem:s25+$0x19040];
	v21 =	vadd.f32 v9, v11;
	v22 =	vadd.f32 v10, v22  }
0x284: {  	v19 =	vld [tilespmem:s25+$0x19050];
	v23 =	vadd.f32 v20, v23;
	v24 =	vadd.f32 v24, v25  }
0x285: {  	s26 =	simm.s32 $0x800;
	v20 =	vld [tilespmem:s25+$0x19060];
	v11 =	vimm.f32 $0.0e+00;
	v10 =	vimm.f32 $0.0e+00;
	v9 =	vimm.f32 $0.0e+00  }
.LBB2_18:
0x286: {  	p0 =	sne.s32 s26, $0xC000;
	v25 =	vld [tilespmem:s25+$0x19070];
	v13 =	vadd.f32 v13, v21;
	v15 =	vadd.f32 v15, v22  }
0x287: {  	v21 =	vld [tilespmem:s25+$0x190E0];
	v12 =	vadd.f32 v12, v23;
	v14 =	vadd.f32 v14, v24  }
0x288: {  	v22 =	vld [tilespmem:s25+$0x190F0];
	v23 =	vadd.f32 v3, v13;
	v24 =	vadd.f32 v4, v15  }
0x289: {  	v13 =	vld [tilespmem:s25+$0x19160];
	v26 =	vadd.f32 v5, v12;
	v27 =	vadd.f32 v6, v14  }
0x28a: {  	v3 =	vadd.f32 v18, v8;
	v4 =	vadd.f32 v19, v11;
	v6 =	vld [tilespmem:s25+$0x19170]  }
0x28b: {  	v5 =	vadd.f32 v20, v10;
	v8 =	vadd.f32 v25, v9;
	v9 =	vld [tilespmem:s25+$0x191E0]  }
0x28c: {  	v10 =	vadd.f32 v16, v3;
	v11 =	vadd.f32 v17, v4;
	v12 =	vld [tilespmem:s25+$0x191F0];
	s25 =	sshra.s32 s26, $0x2  }
0x28d: {  	v14 =	vadd.f32 v21, v5;
	v3 =	vld [tilespmem:s25+$0x19180];
	v8 =	vadd.f32 v22, v8  }
0x28e: {  	v2 =	vadd.f32 v2, v10;
	v7 =	vadd.f32 v7, v11;
	v4 =	vld [tilespmem:s25+$0x19190]  }
0x28f: {  	v10 =	vadd.f32 v13, v14;
	v5 =	vld [tilespmem:s25+$0x191A0];
	v13 =	vadd.f32 v6, v8  }
0x290: {  	v8 =	vadd.f32 v0, v2;
	v11 =	vadd.f32 v1, v7;
	v6 =	vld [tilespmem:s25+$0x191B0]  }
0x291: {  	v10 =	vadd.f32 v9, v10;
	v0 =	vld [tilespmem:s25+$0x191C0];
	v9 =	vadd.f32 v12, v13  }
0x292: {  	v1 =	vld [tilespmem:s25+$0x191D0]  }
0x293: {  	v13 =	vld [tilespmem:s25+$0x19100]  }
0x294: {  	v15 =	vld [tilespmem:s25+$0x19110]  }
0x295: {  	v12 =	vld [tilespmem:s25+$0x19120]  }
0x296: {  	v14 =	vld [tilespmem:s25+$0x19130]  }
0x297: {  	v2 =	vld [tilespmem:s25+$0x19140]  }
0x298: {  	v7 =	vld [tilespmem:s25+$0x19150]  }
0x299: {  	v20 =	vld [tilespmem:s25+$0x19080]  }
0x29a: {  	v22 =	vld [tilespmem:s25+$0x19090]  }
0x29b: {  	v17 =	vld [tilespmem:s25+$0x19000]  }
0x29c: {  	v18 =	vld [tilespmem:s25+$0x19010]  }
0x29d: {  	v19 =	vld [tilespmem:s25+$0x19020]  }
0x29e: {  	v21 =	vld [tilespmem:s25+$0x19030]  }
0x29f: {  	v25 =	vld [tilespmem:s25+$0x190A0]  }
0x2a0: {  	v28 =	vld [tilespmem:s25+$0x190B0]  }
.Ltmp7:
0x2a1: {  	v16 =	vld [tilespmem:s25+$0x190C0];
	(pc) =	sbr.rel @p0 .LBB2_18-.Ltmp7, $4  }
0x2a2: {  	v23 =	vadd.f32 v17, v23;
	v24 =	vadd.f32 v18, v24;
	v17 =	vld [tilespmem:s25+$0x190D0]  }
0x2a3: {  	v26 =	vadd.f32 v19, v26;
	v27 =	vadd.f32 v21, v27;
	v18 =	vld [tilespmem:s25+$0x19040]  }
0x2a4: {  	v21 =	vadd.f32 v20, v23;
	v22 =	vadd.f32 v22, v24;
	v19 =	vld [tilespmem:s25+$0x19050]  }
0x2a5: {  	s26 =	sadd.s32 $0x800, s26;
	v23 =	vadd.f32 v25, v26;
	v20 =	vld [tilespmem:s25+$0x19060];
	v24 =	vadd.f32 v28, v27  }
0x2a6: {  	v13 =	vadd.f32 v13, v21;
	v15 =	vadd.f32 v15, v22  }
0x2a7: {  	v51 =	vld [tilespmem:s25+$0x19070];
	v12 =	vadd.f32 v12, v23;
	v14 =	vadd.f32 v14, v24  }
0x2a8: {  	v52 =	vld [tilespmem:s25+$0x190E0];
	v3 =	vadd.f32 v3, v13;
	v4 =	vadd.f32 v4, v15  }
0x2a9: {  	v53 =	vld [tilespmem:s25+$0x190F0];
	v8 =	vadd.f32 v18, v8;
	v5 =	vadd.f32 v5, v12  }
0x2aa: {  	v54 =	vld [tilespmem:s25+$0x19160];
	v6 =	vadd.f32 v6, v14;
	v11 =	vadd.f32 v19, v11  }
0x2ab: {  	v55 =	vld [tilespmem:s25+$0x19170];
	v10 =	vadd.f32 v20, v10;
	v8 =	vadd.f32 v16, v8  }
0x2ac: {  	v56 =	vld [tilespmem:s25+$0x191E0];
	v9 =	vadd.f32 v51, v9;
	v11 =	vadd.f32 v17, v11  }
0x2ad: {  	v57 =	vld [tilespmem:s25+$0x191F0];
	v10 =	vadd.f32 v52, v10;
	v2 =	vadd.f32 v2, v8  }
0x2ae: {  	v58 =	vadd.f32 v53, v9;
	v7 =	vadd.f32 v7, v11  }
0x2af: {  	v59 =	vadd.f32 v54, v10;
	v0 =	vadd.f32 v0, v2  }
0x2b0: {  	s23 =	sadd.s32 $0x1, s23;
	v60 =	vadd.f32 v55, v58;
	v1 =	vadd.f32 v1, v7  }
0x2b1: {  	s24 =	sshll.u32 s24, $0x6;
	p0 =	sne.s32 s23, $0x8;
	v61 =	vadd.f32 v56, v59;
	v0 =	vadd.f32 v0, v3  }
.Ltmp8:
0x2b2: {  	s24 =	sand.u32 $0x3FFFFFC0, s24;
	v2 =	vadd.f32 v57, v60;
	v1 =	vadd.f32 v1, v4;
	(pc) =	sbr.rel @p0 .LBB2_3-.Ltmp8, $4  }
0x2b3: {  	[tilespmem:s24+$0x1C200] =	vst v0;
	v62 =	vadd.f32 v61, v5  }
0x2b4: {  	[tilespmem:s24+$0x1C210] =	vst v1;
	v63 =	vadd.f32 v2, v6  }
0x2b5: {  	[tilespmem:s24+$0x1C220] =	vst v62  }
0x2b6: {  	[tilespmem:s24+$0x1C230] =	vst v63  }
0x2b7: {  	s21 =	sadd.s32 $0x1, s21  }
0x2b8: {  	s22 =	sshll.u32 s22, $0x3;
	s23 =	rddreg [dreg:$0x1];
	p0 =	sne.s32 s21, $0x8  }
.Ltmp9:
0x2b9: {  	s31 =	simm.s32 $0x0;
	s22 =	sadd.s32 s23, s22;
	(pc) =	sbr.rel @p0 .LBB2_2-.Ltmp9, $4  }
0x2ba: {  	[hbm4b:s22+s31] =	stream.linear.scatter [tilespmem:s20], [sflag:$0x9], $0x1000, $0x38;
	[tilespmem:$0x1D200] =	vst v63  }
0x2bb: {  	_ =	swait.ge [sflag:s8], $0x1000  }
0x2bc: {  	[sflag:s8] =	ssyncset.done $0x0  }
0x2bd: {  	[sflag:s8] =	ssyncadd.s32 $0xFFFFF000  }
0x2be: {  	s22 =	rddreg [dreg:$0x4]  }
0x2bf: {  	s21 =	rddreg [dreg:$0x3];
	s22 =	sadd.s32 $0x1, s22  }
0x2c0: {  	p0 =	sne.s32 s22, s21  }
.Ltmp10:
0x2c1: {  	_ = 	snop;
	(pc) =	sbr.rel @p0 .LBB2_1-.Ltmp10, $1  }
0x2c2: {  	_ =	sdelay $0x3  }
0x2c3: {  	_ =	sfence.sel $0x180000  }
0x2c4: {  	[bflag:$0x0] =	sbarrier.arrive $0xFFFF  }
0x2c5: {  	_ =	strace $0x90000047  }
0x2c6: {  	s0 =	stileid.u32;
	[bflag:$0x2] =	sbarrier.arrive $0xFFFF  }
0x2c7: {  	p0 =	sne.s32 s0, $0x0;
	s0 =	rddreg [dreg:$0x2]  }
0x2c8: {  	s0 =	sadd.s32 @!p0 $0x100000, s0  }
0x2c9: {  	[sflag:s0] =	ssyncadd.tile.s32 @!p0 $0x1;
	_ =	shalt  }
.Lfunc_end2:
_tile_overlayer_lowered:
.L_overlay_start_2:
0x2ca: {  	(tag) =	ssettag $0x2  }
0x2cb: {  	s0 =	rddreg [dreg:$0x0];
	s2 =	stileid.u32  }
0x2cc: {  	s1 =	rddreg [dreg:$0x1];
	p0 =	sne.s32 s2, $0x0  }
0x2cd: {  	s3 =	rddreg [dreg:$0x2];
	[bflag:$0x3] =	sbarrier.arrive $0xFFFF;
	s2 =	simm.s32 @!p0 $0x1C09  }
0x2ce: {  	[timem:s3], [sflag:s2] =	dma.local @!p0 [hbm:s0], s1  }
0x2cf: {  	s0 =	simm.s32 @!p0 $0x9  }
0x2d0: {  	_ =	swait.ge @!p0 [sflag:s0], s1  }
0x2d1: {  	s1 =	ssub.s32 @!p0 $0x0, s1;
	[sflag:s0] =	ssyncset.done @!p0 $0x0  }
0x2d2: {  	[sflag:s0] =	ssyncadd.s32 @!p0 s1  }
0x2d3: {  	[bflag:$0x3] =	sbarrier.arrive $0xFFFF  }
0x2d4: {  	_ =	shalt  }

</sc_bundles>
